<compile_context>
chip_gen: v7x
topology: tpu7x:2x2x1
jax: 0.10.2.dev20260603
libtpu: 0.0.44.dev20260713+nightly
codegen_flags: <defaults>
</compile_context>

<pallas_src>
import functools

import jax
import jax.numpy as jnp
from jax import lax
from jax.experimental import pallas as pl
from jax.experimental.pallas import tpu as pltpu
from jax.experimental.pallas import tpu_sc as plsc

N_NODES = 10000
N_PAD = 10240
N_EDGES = 320000
BLK = 80
NBLKS = N_EDGES // BLK
NC = 2
NS = 16
ROWS_PER_TILE = N_PAD // NS
NBLK_TILE = NBLKS // NS
NBLK_C0 = 124
NBLK_C1 = NBLK_TILE - NBLK_C0

_mesh = plsc.VectorSubcoreMesh(
    core_axis_name="c", subcore_axis_name="s", num_cores=NC, num_subcores=NS
)
_sc_params = pltpu.CompilerParams(use_tc_tiling_on_sc=False)


@functools.partial(
    pl.kernel,
    out_type=jax.ShapeDtypeStruct((N_PAD, 16), jnp.float32),
    mesh=_mesh,
    scratch_types=[
        pltpu.VMEM((NBLK_TILE, BLK), jnp.int32),
        pltpu.VMEM((BLK,), jnp.float32),
        pltpu.VMEM((ROWS_PER_TILE,), jnp.float32),
        pltpu.VMEM((ROWS_PER_TILE, 16), jnp.float32),
        pltpu.VMEM_SHARED((N_PAD,), jnp.float32),
        pltpu.SemaphoreType.DMA,
    ],
    compiler_params=_sc_params,
)
def _deg_dinv_kernel(dst_hbm, zeros_hbm, dinv_hbm, idx_v, ones_v, buf_v, row_v,
                     degacc, sem):
    c = lax.axis_index("c")
    s = lax.axis_index("s")

    @pl.when(c == 1)
    def _():
        base = s * ROWS_PER_TILE
        pltpu.sync_copy(
            zeros_hbm.at[pl.ds(base, ROWS_PER_TILE)],
            degacc.at[pl.ds(base, ROWS_PER_TILE)],
        )
        pltpu.sync_copy(dst_hbm.at[1, pl.ds(s * NBLK_TILE, NBLK_TILE)], idx_v)

        @pl.loop(0, BLK // 16)
        def _(i):
            ones_v[pl.ds(i * 16, 16)] = jnp.ones((16,), jnp.float32)

        plsc.subcore_barrier()

        @pl.loop(0, NBLK_TILE)
        def _(j):
            pltpu.async_copy(ones_v, degacc.at[idx_v.at[j]], sem, add=True)

        @pl.loop(0, NBLK_TILE)
        def _(j):
            pltpu.make_async_copy(ones_v, degacc.at[idx_v.at[j]], sem).wait()

        plsc.subcore_barrier()

        pltpu.sync_copy(degacc.at[pl.ds(base, ROWS_PER_TILE)], buf_v)

        @pl.loop(0, ROWS_PER_TILE // 16)
        def _(i):
            v = buf_v[pl.ds(i * 16, 16)] + 1.0
            iv = lax.bitcast_convert_type(v, jnp.int32)
            iv = jnp.int32(0x5F3759DF) - (iv >> 1)
            y = lax.bitcast_convert_type(iv, jnp.float32)
            y = y * (1.5 - 0.5 * v * y * y)
            y = y * (1.5 - 0.5 * v * y * y)
            y = y * (1.5 - 0.5 * v * y * y)
            for l in range(16):
                row_v[i * 16 + l] = jnp.full((16,), y[l], jnp.float32)

        pltpu.sync_copy(row_v, dinv_hbm.at[pl.ds(base, ROWS_PER_TILE), :])


def _make_agg_kernel(feat, dtype):
    @functools.partial(
        pl.kernel,
        out_type=jax.ShapeDtypeStruct((NC, N_PAD, feat), dtype),
        mesh=_mesh,
        scratch_types=[
            pltpu.VMEM((NBLK_C1, BLK), jnp.int32),
            pltpu.VMEM((NBLK_C1, BLK), jnp.int32),
            pltpu.VMEM((2, BLK, feat), dtype),
            pltpu.VMEM_SHARED((N_PAD, feat), dtype),
            pltpu.SemaphoreType.DMA,
            pltpu.SemaphoreType.DMA,
            pltpu.SemaphoreType.DMA,
            pltpu.SemaphoreType.DMA,
        ],
        compiler_params=_sc_params,
    )
    def _agg(g_hbm, e_hbm, zeros_hbm, out_hbm, srcv, dstv, rows, acc,
             semg0, semg1, sems0, sems1):
        c = lax.axis_index("c")
        s = lax.axis_index("s")
        base = s * ROWS_PER_TILE
        pltpu.sync_copy(
            zeros_hbm.at[pl.ds(base, ROWS_PER_TILE)],
            acc.at[pl.ds(base, ROWS_PER_TILE)],
        )

        def run(start_blk, nblk):
            pltpu.sync_copy(
                e_hbm.at[0, pl.ds(start_blk, nblk)], srcv.at[pl.ds(0, nblk)]
            )
            pltpu.sync_copy(
                e_hbm.at[1, pl.ds(start_blk, nblk)], dstv.at[pl.ds(0, nblk)]
            )
            pltpu.async_copy(g_hbm.at[srcv.at[0]], rows.at[0], semg0)
            pltpu.async_copy(g_hbm.at[srcv.at[1]], rows.at[1], semg1)

            @pl.loop(0, nblk, step=2)
            def _(j):
                pltpu.make_async_copy(g_hbm.at[srcv.at[j]], rows.at[0], semg0).wait()
                pltpu.async_copy(rows.at[0], acc.at[dstv.at[j]], sems0, add=True)
                pltpu.make_async_copy(
                    g_hbm.at[srcv.at[j + 1]], rows.at[1], semg1
                ).wait()
                pltpu.async_copy(rows.at[1], acc.at[dstv.at[j + 1]], sems1, add=True)
                pltpu.make_async_copy(rows.at[0], acc.at[dstv.at[j]], sems0).wait()

                @pl.when(j + 2 < nblk)
                def _():
                    pltpu.async_copy(g_hbm.at[srcv.at[j + 2]], rows.at[0], semg0)

                pltpu.make_async_copy(rows.at[1], acc.at[dstv.at[j + 1]], sems1).wait()

                @pl.when(j + 3 < nblk)
                def _():
                    pltpu.async_copy(g_hbm.at[srcv.at[j + 3]], rows.at[1], semg1)

        @pl.when(c == 0)
        def _():
            run(s * NBLK_TILE, NBLK_C0)

        @pl.when(c == 1)
        def _():
            run(s * NBLK_TILE + NBLK_C0, NBLK_C1)

        plsc.subcore_barrier()
        pltpu.sync_copy(
            acc.at[pl.ds(base, ROWS_PER_TILE)],
            out_hbm.at[c, pl.ds(base, ROWS_PER_TILE)],
        )

    return _agg


_agg32 = _make_agg_kernel(32, jnp.bfloat16)
_agg16 = _make_agg_kernel(16, jnp.float32)


def _tc1_body(x_ref, w1_ref, dinv_ref, g1_ref):
    h = jnp.dot(x_ref[...], w1_ref[...], preferred_element_type=jnp.float32)
    g1_ref[...] = (h * dinv_ref[:N_NODES, :1]).astype(jnp.bfloat16)


def _tc2_body(agg_ref, g1_ref, dinv_ref, w2_ref, b1_ref, g2_ref):
    d = dinv_ref[:N_NODES, :1]
    a = (agg_ref[0, :N_NODES].astype(jnp.float32)
         + agg_ref[1, :N_NODES].astype(jnp.float32)
         + g1_ref[...].astype(jnp.float32))
    out1 = jnp.maximum(a * d + b1_ref[...], 0.0)
    h2 = jnp.dot(out1, w2_ref[...], preferred_element_type=jnp.float32)
    g2_ref[...] = h2 * d


def _tc3_body(agg_ref, g2_ref, dinv_ref, wl_ref, b2_ref, bl_ref, out_ref):
    a = agg_ref[0, :N_NODES] + agg_ref[1, :N_NODES] + g2_ref[...]
    out2 = jnp.maximum(a * dinv_ref[:N_NODES, :1] + b2_ref[...], 0.0)
    out_ref[...] = (
        jnp.dot(out2, wl_ref[...], preferred_element_type=jnp.float32) + bl_ref[...]
    )


def kernel(x, edge_index, W1, b1, W2, b2, Wl, bl):
    f32 = jnp.float32
    e3 = edge_index.astype(jnp.int32).reshape(2, NBLKS, BLK)
    zeros1 = jnp.zeros((N_PAD,), f32)
    zeros32 = jnp.zeros((N_PAD, 32), jnp.bfloat16)
    zeros16 = jnp.zeros((N_PAD, 16), f32)

    dinv16 = _deg_dinv_kernel(e3, zeros1)

    g1 = pl.pallas_call(
        _tc1_body, out_shape=jax.ShapeDtypeStruct((N_NODES, 32), jnp.bfloat16)
    )(x, W1, dinv16)

    agg1 = _agg32(g1, e3, zeros32)

    g2 = pl.pallas_call(
        _tc2_body, out_shape=jax.ShapeDtypeStruct((N_NODES, 16), f32)
    )(agg1, g1, dinv16, W2, b1.reshape(1, 32))

    agg2 = _agg16(g2, e3, zeros16)

    out = pl.pallas_call(
        _tc3_body, out_shape=jax.ShapeDtypeStruct((N_NODES, 1), f32)
    )(agg2, g2, dinv16, Wl, b2.reshape(1, 16), bl.reshape(1, 1))

    return out

# --- scband reference (transcript-rebuilt; emitter-appended) ---
"""Pipeline reference for scband-simple-gnn-2-layer-1760936591465 (READ-ONLY COPY).

The authoritative reference and input builder live on the scoring server;
editing this copy changes nothing except your own understanding.
"""

import jax, jax.numpy as jnp
import numpy as np

N_NODES = 10000
N_EDGES = 320000
D_IN = 128
D_H1 = 32
D_H2 = 16


def gcn_conv(x, edge_index, W, b):
    # PyG GCNConv default: add self-loops, symmetric normalization, linear transform, sum-aggregate, bias
    n = x.shape[0]
    loop = jnp.arange(n, dtype=edge_index.dtype)
    src = jnp.concatenate([edge_index[0], loop])
    dst = jnp.concatenate([edge_index[1], loop])
    h = x @ W
    deg = jnp.zeros((n,), dtype=x.dtype).at[dst].add(1.0)
    dinv = jnp.where(deg > 0, 1.0 / jnp.sqrt(deg), 0.0)
    norm = dinv[src] * dinv[dst]
    msg = h[src] * norm[:, None]
    out = jnp.zeros((n, h.shape[1]), dtype=x.dtype).at[dst].add(msg)
    return out + b


def setup_inputs(seed: int = 0) -> dict:
    key = jax.random.key(seed)
    k = jax.random.split(key, 8)
    x = jax.random.normal(k[0], (N_NODES, D_IN), dtype=jnp.float32)
    edge_index = jax.random.randint(k[1], (2, N_EDGES), 0, N_NODES, dtype=jnp.int64)
    W1 = jax.random.normal(k[2], (D_IN, D_H1), dtype=jnp.float32) * (1.0 / np.sqrt(D_IN))
    b1 = jnp.zeros((D_H1,), dtype=jnp.float32)
    W2 = jax.random.normal(k[3], (D_H1, D_H2), dtype=jnp.float32) * (1.0 / np.sqrt(D_H1))
    b2 = jnp.zeros((D_H2,), dtype=jnp.float32)
    Wl = jax.random.normal(k[4], (D_H2, 1), dtype=jnp.float32) * (1.0 / np.sqrt(D_H2))
    bl = jnp.zeros((1,), dtype=jnp.float32)
    return {"x": x, "edge_index": edge_index, "W1": W1, "b1": b1, "W2": W2, "b2": b2, "Wl": Wl, "bl": bl}


def reference(x, edge_index, W1, b1, W2, b2, Wl, bl):
    h = gcn_conv(x, edge_index, W1, b1)
    h = jax.nn.relu(h)
    h = gcn_conv(h, edge_index, W2, b2)
    h = jax.nn.relu(h)
    out = h @ Wl + bl
    return out

if __name__ == "__main__":
    import jax
    _d = setup_inputs()
    print(jax.jit(kernel)(*tuple(_d.values())))

</pallas_src>

<mosaic_0001>
#map = affine_map<(d0, d1) -> (0, 0)>
#map1 = affine_map<(d0, d1) -> (0, 0, 0)>
module attributes {stable_mosaic.version = 14 : i64} {
  func.func @_agg(%arg0: i32, %arg1: i32, %arg2: memref<10000x16xf32, #tpu.memory_space<hbm>>, %arg3: memref<2x4000x80xi32, #tpu.memory_space<hbm>>, %arg4: memref<10240x16xf32, #tpu.memory_space<hbm>>, %arg5: memref<2x10240x16xf32, #tpu.memory_space<hbm>>, %arg6: memref<126x80xi32, #tpu.memory_space<vmem>>, %arg7: memref<126x80xi32, #tpu.memory_space<vmem>>, %arg8: memref<2x80x16xf32, #tpu.memory_space<vmem>>, %arg9: memref<10240x16xf32, #tpu.memory_space<vmem_shared>>, %arg10: memref<!tpu.dma_semaphore, #tpu.memory_space<semaphore_mem>>, %arg11: memref<!tpu.dma_semaphore, #tpu.memory_space<semaphore_mem>>, %arg12: memref<!tpu.dma_semaphore, #tpu.memory_space<semaphore_mem>>, %arg13: memref<!tpu.dma_semaphore, #tpu.memory_space<semaphore_mem>>) attributes {dimension_semantics = [#tpu.dimension_semantics<core_parallel>, #tpu.dimension_semantics<subcore_parallel>], iteration_bounds = array<i64: 2, 16>, scalar_prefetch = 0 : i64, scratch_operands = 8 : i64, tpu.core_type = #tpu.core_type<sc_vector_subcore>, window_params = [{transform_indices = #map}, {transform_indices = #map1}, {transform_indices = #map}, {transform_indices = #map1}]} {
    %mul3A = arith.constant 640 : i32
    %mul3A_0 = arith.muli %arg1, %mul3A : i32
    "tpu.region"() ({
      %run_scoped3A = tpu.sem_alloc : memref<!tpu.dma_semaphore, #tpu.memory_space<semaphore_mem>>
      %dma_start3A = arith.constant 0 : i32
      %dma_start3A_8 = tpu.memref_slice %arg9[%mul3A_0, %dma_start3A] : memref<10240x16xf32, #tpu.memory_space<vmem_shared>> -> memref<640x16xf32, #tpu.memory_space<vmem_shared>>
      %dma_start3A_9 = arith.constant 0 : i32
      %dma_start3A_10 = tpu.memref_slice %arg4[%mul3A_0, %dma_start3A_9] : memref<10240x16xf32, #tpu.memory_space<hbm>> -> memref<640x16xf32, #tpu.memory_space<hbm>>
      tpu.enqueue_dma source(%dma_start3A_10 : memref<640x16xf32, #tpu.memory_space<hbm>>) target(%dma_start3A_8 : memref<640x16xf32, #tpu.memory_space<vmem_shared>>) target_semaphore(%run_scoped3A : memref<!tpu.dma_semaphore, #tpu.memory_space<semaphore_mem>>)
      %dma_wait3A = arith.constant 0 : i32
      %dma_wait3A_11 = tpu.memref_slice %arg9[%mul3A_0, %dma_wait3A] : memref<10240x16xf32, #tpu.memory_space<vmem_shared>> -> memref<640x16xf32, #tpu.memory_space<vmem_shared>>
      %dma_wait3A_12 = arith.constant 0 : i32
      %dma_wait3A_13 = tpu.memref_slice %arg4[%mul3A_0, %dma_wait3A_12] : memref<10240x16xf32, #tpu.memory_space<hbm>> -> memref<640x16xf32, #tpu.memory_space<hbm>>
      tpu.wait_dma2 semaphore(%run_scoped3A : memref<!tpu.dma_semaphore, #tpu.memory_space<semaphore_mem>>) src(%dma_wait3A_13 : memref<640x16xf32, #tpu.memory_space<hbm>>) dst(%dma_wait3A_11 : memref<640x16xf32, #tpu.memory_space<vmem_shared>>)
      tpu.yield
    }) : () -> ()
    %eq3A = arith.constant 0 : i32
    %eq3A_1 = arith.cmpi eq, %arg0, %eq3A : i32
    %convert_element_type3A = arith.extui %eq3A_1 : i1 to i32
    %cond3A = arith.constant 0 : i32
    %cond3A_2 = arith.cmpi ne, %convert_element_type3A, %cond3A : i32
    scf.if %cond3A_2 {
      %mul3A_8 = arith.constant 250 : i32
      %mul3A_9 = arith.muli %arg1, %mul3A_8 : i32
      %run_scoped3A = arith.constant 0 : i32
      "tpu.region"() ({
        %run_scoped3A_38 = tpu.sem_alloc : memref<!tpu.dma_semaphore, #tpu.memory_space<semaphore_mem>>
        %dma_start3A_39 = arith.constant 0 : i32
        %dma_start3A_40 = arith.constant 0 : i32
        %dma_start3A_41 = tpu.memref_slice %arg6[%dma_start3A_39, %dma_start3A_40] : memref<126x80xi32, #tpu.memory_space<vmem>> -> memref<124x80xi32, #tpu.memory_space<vmem>>
        %dma_start3A_42 = arith.constant 0 : i32
        %dma_start3A_43 = tpu.memref_slice %arg3[%run_scoped3A, %mul3A_9, %dma_start3A_42] : memref<2x4000x80xi32, #tpu.memory_space<hbm>> -> memref<1x124x80xi32, #tpu.memory_space<hbm>>
        %dma_start3A_44 = tpu.memref_squeeze %dma_start3A_43 : memref<1x124x80xi32, #tpu.memory_space<hbm>> -> memref<124x80xi32, #tpu.memory_space<hbm>>
        %dma_start3A_45 = arith.constant 0 : i32
        %dma_start3A_46 = arith.constant 0 : i32
        %dma_start3A_47 = tpu.memref_slice %arg6[%dma_start3A_45, %dma_start3A_46] : memref<126x80xi32, #tpu.memory_space<vmem>> -> memref<124x80xi32, #tpu.memory_space<vmem>>
        %dma_start3A_48 = arith.constant 0 : i32
        %dma_start3A_49 = tpu.memref_slice %arg3[%run_scoped3A, %mul3A_9, %dma_start3A_48] : memref<2x4000x80xi32, #tpu.memory_space<hbm>> -> memref<1x124x80xi32, #tpu.memory_space<hbm>>
        %dma_start3A_50 = tpu.memref_squeeze %dma_start3A_49 : memref<1x124x80xi32, #tpu.memory_space<hbm>> -> memref<124x80xi32, #tpu.memory_space<hbm>>
        tpu.enqueue_dma source(%dma_start3A_50 : memref<124x80xi32, #tpu.memory_space<hbm>>) target(%dma_start3A_47 : memref<124x80xi32, #tpu.memory_space<vmem>>) target_semaphore(%run_scoped3A_38 : memref<!tpu.dma_semaphore, #tpu.memory_space<semaphore_mem>>)
        %dma_wait3A = arith.constant 0 : i32
        %dma_wait3A_51 = arith.constant 0 : i32
        %dma_wait3A_52 = tpu.memref_slice %arg6[%dma_wait3A, %dma_wait3A_51] : memref<126x80xi32, #tpu.memory_space<vmem>> -> memref<124x80xi32, #tpu.memory_space<vmem>>
        %dma_wait3A_53 = arith.constant 0 : i32
        %dma_wait3A_54 = tpu.memref_slice %arg3[%run_scoped3A, %mul3A_9, %dma_wait3A_53] : memref<2x4000x80xi32, #tpu.memory_space<hbm>> -> memref<1x124x80xi32, #tpu.memory_space<hbm>>
        %dma_wait3A_55 = tpu.memref_squeeze %dma_wait3A_54 : memref<1x124x80xi32, #tpu.memory_space<hbm>> -> memref<124x80xi32, #tpu.memory_space<hbm>>
        %dma_wait3A_56 = arith.constant 0 : i32
        %dma_wait3A_57 = arith.constant 0 : i32
        %dma_wait3A_58 = tpu.memref_slice %arg6[%dma_wait3A_56, %dma_wait3A_57] : memref<126x80xi32, #tpu.memory_space<vmem>> -> memref<124x80xi32, #tpu.memory_space<vmem>>
        %dma_wait3A_59 = arith.constant 0 : i32
        %dma_wait3A_60 = tpu.memref_slice %arg3[%run_scoped3A, %mul3A_9, %dma_wait3A_59] : memref<2x4000x80xi32, #tpu.memory_space<hbm>> -> memref<1x124x80xi32, #tpu.memory_space<hbm>>
        %dma_wait3A_61 = tpu.memref_squeeze %dma_wait3A_60 : memref<1x124x80xi32, #tpu.memory_space<hbm>> -> memref<124x80xi32, #tpu.memory_space<hbm>>
        tpu.wait_dma2 semaphore(%run_scoped3A_38 : memref<!tpu.dma_semaphore, #tpu.memory_space<semaphore_mem>>) src(%dma_wait3A_61 : memref<124x80xi32, #tpu.memory_space<hbm>>) dst(%dma_wait3A_58 : memref<124x80xi32, #tpu.memory_space<vmem>>)
        tpu.yield
      }) : () -> ()
      %run_scoped3A_10 = arith.constant 1 : i32
      "tpu.region"() ({
        %run_scoped3A_38 = tpu.sem_alloc : memref<!tpu.dma_semaphore, #tpu.memory_space<semaphore_mem>>
        %dma_start3A_39 = arith.constant 0 : i32
        %dma_start3A_40 = arith.constant 0 : i32
        %dma_start3A_41 = tpu.memref_slice %arg7[%dma_start3A_39, %dma_start3A_40] : memref<126x80xi32, #tpu.memory_space<vmem>> -> memref<124x80xi32, #tpu.memory_space<vmem>>
        %dma_start3A_42 = arith.constant 0 : i32
        %dma_start3A_43 = tpu.memref_slice %arg3[%run_scoped3A_10, %mul3A_9, %dma_start3A_42] : memref<2x4000x80xi32, #tpu.memory_space<hbm>> -> memref<1x124x80xi32, #tpu.memory_space<hbm>>
        %dma_start3A_44 = tpu.memref_squeeze %dma_start3A_43 : memref<1x124x80xi32, #tpu.memory_space<hbm>> -> memref<124x80xi32, #tpu.memory_space<hbm>>
        %dma_start3A_45 = arith.constant 0 : i32
        %dma_start3A_46 = arith.constant 0 : i32
        %dma_start3A_47 = tpu.memref_slice %arg7[%dma_start3A_45, %dma_start3A_46] : memref<126x80xi32, #tpu.memory_space<vmem>> -> memref<124x80xi32, #tpu.memory_space<vmem>>
        %dma_start3A_48 = arith.constant 0 : i32
        %dma_start3A_49 = tpu.memref_slice %arg3[%run_scoped3A_10, %mul3A_9, %dma_start3A_48] : memref<2x4000x80xi32, #tpu.memory_space<hbm>> -> memref<1x124x80xi32, #tpu.memory_space<hbm>>
        %dma_start3A_50 = tpu.memref_squeeze %dma_start3A_49 : memref<1x124x80xi32, #tpu.memory_space<hbm>> -> memref<124x80xi32, #tpu.memory_space<hbm>>
        tpu.enqueue_dma source(%dma_start3A_50 : memref<124x80xi32, #tpu.memory_space<hbm>>) target(%dma_start3A_47 : memref<124x80xi32, #tpu.memory_space<vmem>>) target_semaphore(%run_scoped3A_38 : memref<!tpu.dma_semaphore, #tpu.memory_space<semaphore_mem>>)
        %dma_wait3A = arith.constant 0 : i32
        %dma_wait3A_51 = arith.constant 0 : i32
        %dma_wait3A_52 = tpu.memref_slice %arg7[%dma_wait3A, %dma_wait3A_51] : memref<126x80xi32, #tpu.memory_space<vmem>> -> memref<124x80xi32, #tpu.memory_space<vmem>>
        %dma_wait3A_53 = arith.constant 0 : i32
        %dma_wait3A_54 = tpu.memref_slice %arg3[%run_scoped3A_10, %mul3A_9, %dma_wait3A_53] : memref<2x4000x80xi32, #tpu.memory_space<hbm>> -> memref<1x124x80xi32, #tpu.memory_space<hbm>>
        %dma_wait3A_55 = tpu.memref_squeeze %dma_wait3A_54 : memref<1x124x80xi32, #tpu.memory_space<hbm>> -> memref<124x80xi32, #tpu.memory_space<hbm>>
        %dma_wait3A_56 = arith.constant 0 : i32
        %dma_wait3A_57 = arith.constant 0 : i32
        %dma_wait3A_58 = tpu.memref_slice %arg7[%dma_wait3A_56, %dma_wait3A_57] : memref<126x80xi32, #tpu.memory_space<vmem>> -> memref<124x80xi32, #tpu.memory_space<vmem>>
        %dma_wait3A_59 = arith.constant 0 : i32
        %dma_wait3A_60 = tpu.memref_slice %arg3[%run_scoped3A_10, %mul3A_9, %dma_wait3A_59] : memref<2x4000x80xi32, #tpu.memory_space<hbm>> -> memref<1x124x80xi32, #tpu.memory_space<hbm>>
        %dma_wait3A_61 = tpu.memref_squeeze %dma_wait3A_60 : memref<1x124x80xi32, #tpu.memory_space<hbm>> -> memref<124x80xi32, #tpu.memory_space<hbm>>
        tpu.wait_dma2 semaphore(%run_scoped3A_38 : memref<!tpu.dma_semaphore, #tpu.memory_space<semaphore_mem>>) src(%dma_wait3A_61 : memref<124x80xi32, #tpu.memory_space<hbm>>) dst(%dma_wait3A_58 : memref<124x80xi32, #tpu.memory_space<vmem>>)
        tpu.yield
      }) : () -> ()
      %dma_start3A = arith.constant 0 : i32
      %dma_start3A_11 = arith.constant 0 : i32
      %dma_start3A_12 = arith.constant 0 : i32
      %dma_start3A_13 = arith.constant 0 : i32
      %dma_start3A_14 = tpu.memref_slice %arg8[%dma_start3A_11, %dma_start3A_12, %dma_start3A_13] : memref<2x80x16xf32, #tpu.memory_space<vmem>> -> memref<1x80x16xf32, #tpu.memory_space<vmem>>
      %dma_start3A_15 = tpu.memref_squeeze %dma_start3A_14 : memref<1x80x16xf32, #tpu.memory_space<vmem>> -> memref<80x16xf32, #tpu.memory_space<vmem>>
      %dma_start3A_16 = arith.constant 0 : i32
      %dma_start3A_17 = tpu.memref_slice %arg6[%dma_start3A, %dma_start3A_16] : memref<126x80xi32, #tpu.memory_space<vmem>> -> memref<1x80xi32, #tpu.memory_space<vmem>>
      %dma_start3A_18 = tpu.memref_squeeze %dma_start3A_17 : memref<1x80xi32, #tpu.memory_space<vmem>> -> memref<80xi32, #tpu.memory_space<vmem>>
      %dma_start3A_19 = arith.constant 0 : i32
      %dma_start3A_20 = arith.constant 0 : i32
      %dma_start3A_21 = tpu.memref_slice %arg2[%dma_start3A_19, %dma_start3A_20] : memref<10000x16xf32, #tpu.memory_space<hbm>> -> memref<10000x16xf32, #tpu.memory_space<hbm>>
      tpu.enqueue_indirect_dma source(%dma_start3A_21 : memref<10000x16xf32, #tpu.memory_space<hbm>>) target(%dma_start3A_15 : memref<80x16xf32, #tpu.memory_space<vmem>>) offsets(%dma_start3A_18 : memref<80xi32, #tpu.memory_space<vmem>>) semaphore(%arg10 : memref<!tpu.dma_semaphore, #tpu.memory_space<semaphore_mem>>)
      %dma_start3A_22 = arith.constant 1 : i32
      %dma_start3A_23 = arith.constant 1 : i32
      %dma_start3A_24 = arith.constant 0 : i32
      %dma_start3A_25 = arith.constant 0 : i32
      %dma_start3A_26 = tpu.memref_slice %arg8[%dma_start3A_23, %dma_start3A_24, %dma_start3A_25] : memref<2x80x16xf32, #tpu.memory_space<vmem>> -> memref<1x80x16xf32, #tpu.memory_space<vmem>>
      %dma_start3A_27 = tpu.memref_squeeze %dma_start3A_26 : memref<1x80x16xf32, #tpu.memory_space<vmem>> -> memref<80x16xf32, #tpu.memory_space<vmem>>
      %dma_start3A_28 = arith.constant 0 : i32
      %dma_start3A_29 = tpu.memref_slice %arg6[%dma_start3A_22, %dma_start3A_28] : memref<126x80xi32, #tpu.memory_space<vmem>> -> memref<1x80xi32, #tpu.memory_space<vmem>>
      %dma_start3A_30 = tpu.memref_squeeze %dma_start3A_29 : memref<1x80xi32, #tpu.memory_space<vmem>> -> memref<80xi32, #tpu.memory_space<vmem>>
      %dma_start3A_31 = arith.constant 0 : i32
      %dma_start3A_32 = arith.constant 0 : i32
      %dma_start3A_33 = tpu.memref_slice %arg2[%dma_start3A_31, %dma_start3A_32] : memref<10000x16xf32, #tpu.memory_space<hbm>> -> memref<10000x16xf32, #tpu.memory_space<hbm>>
      tpu.enqueue_indirect_dma source(%dma_start3A_33 : memref<10000x16xf32, #tpu.memory_space<hbm>>) target(%dma_start3A_27 : memref<80x16xf32, #tpu.memory_space<vmem>>) offsets(%dma_start3A_30 : memref<80xi32, #tpu.memory_space<vmem>>) semaphore(%arg11 : memref<!tpu.dma_semaphore, #tpu.memory_space<semaphore_mem>>)
      %scan3A = arith.constant 0 : i32
      %scan3A_34 = arith.constant 62 : i32
      %scan3A_35 = arith.addi %scan3A, %scan3A_34 : i32
      %scan3A_36 = arith.constant 1 : i32
      scf.for %scan3A_38 = %scan3A to %scan3A_35 step %scan3A_36  : i32 {
        %mul3A_39 = arith.constant 2 : i32
        %mul3A_40 = arith.muli %scan3A_38, %mul3A_39 : i32
        %add3A = arith.constant 0 : i32
        %add3A_41 = arith.addi %add3A, %mul3A_40 : i32
        %dma_wait3A = arith.constant 0 : i32
        %dma_wait3A_42 = arith.constant 0 : i32
        %dma_wait3A_43 = arith.constant 0 : i32
        %dma_wait3A_44 = tpu.memref_slice %arg8[%dma_wait3A, %dma_wait3A_42, %dma_wait3A_43] : memref<2x80x16xf32, #tpu.memory_space<vmem>> -> memref<1x80x16xf32, #tpu.memory_space<vmem>>
        %dma_wait3A_45 = tpu.memref_squeeze %dma_wait3A_44 : memref<1x80x16xf32, #tpu.memory_space<vmem>> -> memref<80x16xf32, #tpu.memory_space<vmem>>
        %dma_wait3A_46 = arith.constant 0 : i32
        %dma_wait3A_47 = tpu.memref_slice %arg6[%add3A_41, %dma_wait3A_46] : memref<126x80xi32, #tpu.memory_space<vmem>> -> memref<1x80xi32, #tpu.memory_space<vmem>>
        %dma_wait3A_48 = tpu.memref_squeeze %dma_wait3A_47 : memref<1x80xi32, #tpu.memory_space<vmem>> -> memref<80xi32, #tpu.memory_space<vmem>>
        %dma_wait3A_49 = arith.constant 0 : i32
        %dma_wait3A_50 = arith.constant 0 : i32
        %dma_wait3A_51 = tpu.memref_slice %arg2[%dma_wait3A_49, %dma_wait3A_50] : memref<10000x16xf32, #tpu.memory_space<hbm>> -> memref<10000x16xf32, #tpu.memory_space<hbm>>
        tpu.wait_indirect_dma semaphore(%arg10 : memref<!tpu.dma_semaphore, #tpu.memory_space<semaphore_mem>>) src(%dma_wait3A_51 : memref<10000x16xf32, #tpu.memory_space<hbm>>) dst(%dma_wait3A_45 : memref<80x16xf32, #tpu.memory_space<vmem>>)
        %dma_start3A_52 = arith.constant 0 : i32
        %dma_start3A_53 = arith.constant 0 : i32
        %dma_start3A_54 = arith.constant 0 : i32
        %dma_start3A_55 = tpu.memref_slice %arg8[%dma_start3A_52, %dma_start3A_53, %dma_start3A_54] : memref<2x80x16xf32, #tpu.memory_space<vmem>> -> memref<1x80x16xf32, #tpu.memory_space<vmem>>
        %dma_start3A_56 = tpu.memref_squeeze %dma_start3A_55 : memref<1x80x16xf32, #tpu.memory_space<vmem>> -> memref<80x16xf32, #tpu.memory_space<vmem>>
        %dma_start3A_57 = arith.constant 0 : i32
        %dma_start3A_58 = tpu.memref_slice %arg7[%add3A_41, %dma_start3A_57] : memref<126x80xi32, #tpu.memory_space<vmem>> -> memref<1x80xi32, #tpu.memory_space<vmem>>
        %dma_start3A_59 = tpu.memref_squeeze %dma_start3A_58 : memref<1x80xi32, #tpu.memory_space<vmem>> -> memref<80xi32, #tpu.memory_space<vmem>>
        %dma_start3A_60 = arith.constant 0 : i32
        %dma_start3A_61 = arith.constant 0 : i32
        %dma_start3A_62 = tpu.memref_slice %arg9[%dma_start3A_60, %dma_start3A_61] : memref<10240x16xf32, #tpu.memory_space<vmem_shared>> -> memref<10240x16xf32, #tpu.memory_space<vmem_shared>>
        tpu.enqueue_indirect_dma source(%dma_start3A_56 : memref<80x16xf32, #tpu.memory_space<vmem>>) target(%dma_start3A_62 : memref<10240x16xf32, #tpu.memory_space<vmem_shared>>) offsets(%dma_start3A_59 : memref<80xi32, #tpu.memory_space<vmem>>) semaphore(%arg12 : memref<!tpu.dma_semaphore, #tpu.memory_space<semaphore_mem>>) {add = true}
        %add3A_63 = arith.constant 1 : i32
        %add3A_64 = arith.addi %add3A_41, %add3A_63 : i32
        %dma_wait3A_65 = arith.constant 1 : i32
        %dma_wait3A_66 = arith.constant 0 : i32
        %dma_wait3A_67 = arith.constant 0 : i32
        %dma_wait3A_68 = tpu.memref_slice %arg8[%dma_wait3A_65, %dma_wait3A_66, %dma_wait3A_67] : memref<2x80x16xf32, #tpu.memory_space<vmem>> -> memref<1x80x16xf32, #tpu.memory_space<vmem>>
        %dma_wait3A_69 = tpu.memref_squeeze %dma_wait3A_68 : memref<1x80x16xf32, #tpu.memory_space<vmem>> -> memref<80x16xf32, #tpu.memory_space<vmem>>
        %dma_wait3A_70 = arith.constant 0 : i32
        %dma_wait3A_71 = tpu.memref_slice %arg6[%add3A_64, %dma_wait3A_70] : memref<126x80xi32, #tpu.memory_space<vmem>> -> memref<1x80xi32, #tpu.memory_space<vmem>>
        %dma_wait3A_72 = tpu.memref_squeeze %dma_wait3A_71 : memref<1x80xi32, #tpu.memory_space<vmem>> -> memref<80xi32, #tpu.memory_space<vmem>>
        %dma_wait3A_73 = arith.constant 0 : i32
        %dma_wait3A_74 = arith.constant 0 : i32
        %dma_wait3A_75 = tpu.memref_slice %arg2[%dma_wait3A_73, %dma_wait3A_74] : memref<10000x16xf32, #tpu.memory_space<hbm>> -> memref<10000x16xf32, #tpu.memory_space<hbm>>
        tpu.wait_indirect_dma semaphore(%arg11 : memref<!tpu.dma_semaphore, #tpu.memory_space<semaphore_mem>>) src(%dma_wait3A_75 : memref<10000x16xf32, #tpu.memory_space<hbm>>) dst(%dma_wait3A_69 : memref<80x16xf32, #tpu.memory_space<vmem>>)
        %add3A_76 = arith.constant 1 : i32
        %add3A_77 = arith.addi %add3A_41, %add3A_76 : i32
        %dma_start3A_78 = arith.constant 1 : i32
        %dma_start3A_79 = arith.constant 0 : i32
        %dma_start3A_80 = arith.constant 0 : i32
        %dma_start3A_81 = tpu.memref_slice %arg8[%dma_start3A_78, %dma_start3A_79, %dma_start3A_80] : memref<2x80x16xf32, #tpu.memory_space<vmem>> -> memref<1x80x16xf32, #tpu.memory_space<vmem>>
        %dma_start3A_82 = tpu.memref_squeeze %dma_start3A_81 : memref<1x80x16xf32, #tpu.memory_space<vmem>> -> memref<80x16xf32, #tpu.memory_space<vmem>>
        %dma_start3A_83 = arith.constant 0 : i32
        %dma_start3A_84 = tpu.memref_slice %arg7[%add3A_77, %dma_start3A_83] : memref<126x80xi32, #tpu.memory_space<vmem>> -> memref<1x80xi32, #tpu.memory_space<vmem>>
        %dma_start3A_85 = tpu.memref_squeeze %dma_start3A_84 : memref<1x80xi32, #tpu.memory_space<vmem>> -> memref<80xi32, #tpu.memory_space<vmem>>
        %dma_start3A_86 = arith.constant 0 : i32
        %dma_start3A_87 = arith.constant 0 : i32
        %dma_start3A_88 = tpu.memref_slice %arg9[%dma_start3A_86, %dma_start3A_87] : memref<10240x16xf32, #tpu.memory_space<vmem_shared>> -> memref<10240x16xf32, #tpu.memory_space<vmem_shared>>
        tpu.enqueue_indirect_dma source(%dma_start3A_82 : memref<80x16xf32, #tpu.memory_space<vmem>>) target(%dma_start3A_88 : memref<10240x16xf32, #tpu.memory_space<vmem_shared>>) offsets(%dma_start3A_85 : memref<80xi32, #tpu.memory_space<vmem>>) semaphore(%arg13 : memref<!tpu.dma_semaphore, #tpu.memory_space<semaphore_mem>>) {add = true}
        %dma_wait3A_89 = arith.constant 0 : i32
        %dma_wait3A_90 = arith.constant 0 : i32
        %dma_wait3A_91 = arith.constant 0 : i32
        %dma_wait3A_92 = tpu.memref_slice %arg8[%dma_wait3A_89, %dma_wait3A_90, %dma_wait3A_91] : memref<2x80x16xf32, #tpu.memory_space<vmem>> -> memref<1x80x16xf32, #tpu.memory_space<vmem>>
        %dma_wait3A_93 = tpu.memref_squeeze %dma_wait3A_92 : memref<1x80x16xf32, #tpu.memory_space<vmem>> -> memref<80x16xf32, #tpu.memory_space<vmem>>
        %dma_wait3A_94 = arith.constant 0 : i32
        %dma_wait3A_95 = tpu.memref_slice %arg7[%add3A_41, %dma_wait3A_94] : memref<126x80xi32, #tpu.memory_space<vmem>> -> memref<1x80xi32, #tpu.memory_space<vmem>>
        %dma_wait3A_96 = tpu.memref_squeeze %dma_wait3A_95 : memref<1x80xi32, #tpu.memory_space<vmem>> -> memref<80xi32, #tpu.memory_space<vmem>>
        %dma_wait3A_97 = arith.constant 0 : i32
        %dma_wait3A_98 = arith.constant 0 : i32
        %dma_wait3A_99 = tpu.memref_slice %arg9[%dma_wait3A_97, %dma_wait3A_98] : memref<10240x16xf32, #tpu.memory_space<vmem_shared>> -> memref<10240x16xf32, #tpu.memory_space<vmem_shared>>
        tpu.wait_indirect_dma semaphore(%arg12 : memref<!tpu.dma_semaphore, #tpu.memory_space<semaphore_mem>>) src(%dma_wait3A_93 : memref<80x16xf32, #tpu.memory_space<vmem>>) dst(%dma_wait3A_99 : memref<10240x16xf32, #tpu.memory_space<vmem_shared>>)
        %add3A_100 = arith.constant 2 : i32
        %add3A_101 = arith.addi %add3A_41, %add3A_100 : i32
        %lt3A = arith.constant 124 : i32
        %lt3A_102 = arith.cmpi slt, %add3A_101, %lt3A : i32
        %convert_element_type3A_103 = arith.extui %lt3A_102 : i1 to i32
        %cond3A_104 = arith.constant 0 : i32
        %cond3A_105 = arith.cmpi ne, %convert_element_type3A_103, %cond3A_104 : i32
        scf.if %cond3A_105 {
          %add3A_126 = arith.constant 2 : i32
          %add3A_127 = arith.addi %add3A_41, %add3A_126 : i32
          %dma_start3A_128 = arith.constant 0 : i32
          %dma_start3A_129 = arith.constant 0 : i32
          %dma_start3A_130 = arith.constant 0 : i32
          %dma_start3A_131 = tpu.memref_slice %arg8[%dma_start3A_128, %dma_start3A_129, %dma_start3A_130] : memref<2x80x16xf32, #tpu.memory_space<vmem>> -> memref<1x80x16xf32, #tpu.memory_space<vmem>>
          %dma_start3A_132 = tpu.memref_squeeze %dma_start3A_131 : memref<1x80x16xf32, #tpu.memory_space<vmem>> -> memref<80x16xf32, #tpu.memory_space<vmem>>
          %dma_start3A_133 = arith.constant 0 : i32
          %dma_start3A_134 = tpu.memref_slice %arg6[%add3A_127, %dma_start3A_133] : memref<126x80xi32, #tpu.memory_space<vmem>> -> memref<1x80xi32, #tpu.memory_space<vmem>>
          %dma_start3A_135 = tpu.memref_squeeze %dma_start3A_134 : memref<1x80xi32, #tpu.memory_space<vmem>> -> memref<80xi32, #tpu.memory_space<vmem>>
          %dma_start3A_136 = arith.constant 0 : i32
          %dma_start3A_137 = arith.constant 0 : i32
          %dma_start3A_138 = tpu.memref_slice %arg2[%dma_start3A_136, %dma_start3A_137] : memref<10000x16xf32, #tpu.memory_space<hbm>> -> memref<10000x16xf32, #tpu.memory_space<hbm>>
          tpu.enqueue_indirect_dma source(%dma_start3A_138 : memref<10000x16xf32, #tpu.memory_space<hbm>>) target(%dma_start3A_132 : memref<80x16xf32, #tpu.memory_space<vmem>>) offsets(%dma_start3A_135 : memref<80xi32, #tpu.memory_space<vmem>>) semaphore(%arg10 : memref<!tpu.dma_semaphore, #tpu.memory_space<semaphore_mem>>)
        } else {
        }
        %add3A_106 = arith.constant 1 : i32
        %add3A_107 = arith.addi %add3A_41, %add3A_106 : i32
        %dma_wait3A_108 = arith.constant 1 : i32
        %dma_wait3A_109 = arith.constant 0 : i32
        %dma_wait3A_110 = arith.constant 0 : i32
        %dma_wait3A_111 = tpu.memref_slice %arg8[%dma_wait3A_108, %dma_wait3A_109, %dma_wait3A_110] : memref<2x80x16xf32, #tpu.memory_space<vmem>> -> memref<1x80x16xf32, #tpu.memory_space<vmem>>
        %dma_wait3A_112 = tpu.memref_squeeze %dma_wait3A_111 : memref<1x80x16xf32, #tpu.memory_space<vmem>> -> memref<80x16xf32, #tpu.memory_space<vmem>>
        %dma_wait3A_113 = arith.constant 0 : i32
        %dma_wait3A_114 = tpu.memref_slice %arg7[%add3A_107, %dma_wait3A_113] : memref<126x80xi32, #tpu.memory_space<vmem>> -> memref<1x80xi32, #tpu.memory_space<vmem>>
        %dma_wait3A_115 = tpu.memref_squeeze %dma_wait3A_114 : memref<1x80xi32, #tpu.memory_space<vmem>> -> memref<80xi32, #tpu.memory_space<vmem>>
        %dma_wait3A_116 = arith.constant 0 : i32
        %dma_wait3A_117 = arith.constant 0 : i32
        %dma_wait3A_118 = tpu.memref_slice %arg9[%dma_wait3A_116, %dma_wait3A_117] : memref<10240x16xf32, #tpu.memory_space<vmem_shared>> -> memref<10240x16xf32, #tpu.memory_space<vmem_shared>>
        tpu.wait_indirect_dma semaphore(%arg13 : memref<!tpu.dma_semaphore, #tpu.memory_space<semaphore_mem>>) src(%dma_wait3A_112 : memref<80x16xf32, #tpu.memory_space<vmem>>) dst(%dma_wait3A_118 : memref<10240x16xf32, #tpu.memory_space<vmem_shared>>)
        %add3A_119 = arith.constant 3 : i32
        %add3A_120 = arith.addi %add3A_41, %add3A_119 : i32
        %lt3A_121 = arith.constant 124 : i32
        %lt3A_122 = arith.cmpi slt, %add3A_120, %lt3A_121 : i32
        %convert_element_type3A_123 = arith.extui %lt3A_122 : i1 to i32
        %cond3A_124 = arith.constant 0 : i32
        %cond3A_125 = arith.cmpi ne, %convert_element_type3A_123, %cond3A_124 : i32
        scf.if %cond3A_125 {
          %add3A_126 = arith.constant 3 : i32
          %add3A_127 = arith.addi %add3A_41, %add3A_126 : i32
          %dma_start3A_128 = arith.constant 1 : i32
          %dma_start3A_129 = arith.constant 0 : i32
          %dma_start3A_130 = arith.constant 0 : i32
          %dma_start3A_131 = tpu.memref_slice %arg8[%dma_start3A_128, %dma_start3A_129, %dma_start3A_130] : memref<2x80x16xf32, #tpu.memory_space<vmem>> -> memref<1x80x16xf32, #tpu.memory_space<vmem>>
          %dma_start3A_132 = tpu.memref_squeeze %dma_start3A_131 : memref<1x80x16xf32, #tpu.memory_space<vmem>> -> memref<80x16xf32, #tpu.memory_space<vmem>>
          %dma_start3A_133 = arith.constant 0 : i32
          %dma_start3A_134 = tpu.memref_slice %arg6[%add3A_127, %dma_start3A_133] : memref<126x80xi32, #tpu.memory_space<vmem>> -> memref<1x80xi32, #tpu.memory_space<vmem>>
          %dma_start3A_135 = tpu.memref_squeeze %dma_start3A_134 : memref<1x80xi32, #tpu.memory_space<vmem>> -> memref<80xi32, #tpu.memory_space<vmem>>
          %dma_start3A_136 = arith.constant 0 : i32
          %dma_start3A_137 = arith.constant 0 : i32
          %dma_start3A_138 = tpu.memref_slice %arg2[%dma_start3A_136, %dma_start3A_137] : memref<10000x16xf32, #tpu.memory_space<hbm>> -> memref<10000x16xf32, #tpu.memory_space<hbm>>
          tpu.enqueue_indirect_dma source(%dma_start3A_138 : memref<10000x16xf32, #tpu.memory_space<hbm>>) target(%dma_start3A_132 : memref<80x16xf32, #tpu.memory_space<vmem>>) offsets(%dma_start3A_135 : memref<80xi32, #tpu.memory_space<vmem>>) semaphore(%arg11 : memref<!tpu.dma_semaphore, #tpu.memory_space<semaphore_mem>>)
        } else {
        }
      }
      %scan3A_37 = arith.constant 62 : i32
    } else {
    }
    %eq3A_3 = arith.constant 1 : i32
    %eq3A_4 = arith.cmpi eq, %arg0, %eq3A_3 : i32
    %convert_element_type3A_5 = arith.extui %eq3A_4 : i1 to i32
    %cond3A_6 = arith.constant 0 : i32
    %cond3A_7 = arith.cmpi ne, %convert_element_type3A_5, %cond3A_6 : i32
    scf.if %cond3A_7 {
      %mul3A_8 = arith.constant 250 : i32
      %mul3A_9 = arith.muli %arg1, %mul3A_8 : i32
      %add3A = arith.constant 124 : i32
      %add3A_10 = arith.addi %mul3A_9, %add3A : i32
      %run_scoped3A = arith.constant 0 : i32
      "tpu.region"() ({
        %run_scoped3A_39 = tpu.sem_alloc : memref<!tpu.dma_semaphore, #tpu.memory_space<semaphore_mem>>
        %dma_start3A_40 = arith.constant 0 : i32
        %dma_start3A_41 = arith.constant 0 : i32
        %dma_start3A_42 = tpu.memref_slice %arg6[%dma_start3A_40, %dma_start3A_41] : memref<126x80xi32, #tpu.memory_space<vmem>> -> memref<126x80xi32, #tpu.memory_space<vmem>>
        %dma_start3A_43 = arith.constant 0 : i32
        %dma_start3A_44 = tpu.memref_slice %arg3[%run_scoped3A, %add3A_10, %dma_start3A_43] : memref<2x4000x80xi32, #tpu.memory_space<hbm>> -> memref<1x126x80xi32, #tpu.memory_space<hbm>>
        %dma_start3A_45 = tpu.memref_squeeze %dma_start3A_44 : memref<1x126x80xi32, #tpu.memory_space<hbm>> -> memref<126x80xi32, #tpu.memory_space<hbm>>
        %dma_start3A_46 = arith.constant 0 : i32
        %dma_start3A_47 = arith.constant 0 : i32
        %dma_start3A_48 = tpu.memref_slice %arg6[%dma_start3A_46, %dma_start3A_47] : memref<126x80xi32, #tpu.memory_space<vmem>> -> memref<126x80xi32, #tpu.memory_space<vmem>>
        %dma_start3A_49 = arith.constant 0 : i32
        %dma_start3A_50 = tpu.memref_slice %arg3[%run_scoped3A, %add3A_10, %dma_start3A_49] : memref<2x4000x80xi32, #tpu.memory_space<hbm>> -> memref<1x126x80xi32, #tpu.memory_space<hbm>>
        %dma_start3A_51 = tpu.memref_squeeze %dma_start3A_50 : memref<1x126x80xi32, #tpu.memory_space<hbm>> -> memref<126x80xi32, #tpu.memory_space<hbm>>
        tpu.enqueue_dma source(%dma_start3A_51 : memref<126x80xi32, #tpu.memory_space<hbm>>) target(%dma_start3A_48 : memref<126x80xi32, #tpu.memory_space<vmem>>) target_semaphore(%run_scoped3A_39 : memref<!tpu.dma_semaphore, #tpu.memory_space<semaphore_mem>>)
        %dma_wait3A = arith.constant 0 : i32
        %dma_wait3A_52 = arith.constant 0 : i32
        %dma_wait3A_53 = tpu.memref_slice %arg6[%dma_wait3A, %dma_wait3A_52] : memref<126x80xi32, #tpu.memory_space<vmem>> -> memref<126x80xi32, #tpu.memory_space<vmem>>
        %dma_wait3A_54 = arith.constant 0 : i32
        %dma_wait3A_55 = tpu.memref_slice %arg3[%run_scoped3A, %add3A_10, %dma_wait3A_54] : memref<2x4000x80xi32, #tpu.memory_space<hbm>> -> memref<1x126x80xi32, #tpu.memory_space<hbm>>
        %dma_wait3A_56 = tpu.memref_squeeze %dma_wait3A_55 : memref<1x126x80xi32, #tpu.memory_space<hbm>> -> memref<126x80xi32, #tpu.memory_space<hbm>>
        %dma_wait3A_57 = arith.constant 0 : i32
        %dma_wait3A_58 = arith.constant 0 : i32
        %dma_wait3A_59 = tpu.memref_slice %arg6[%dma_wait3A_57, %dma_wait3A_58] : memref<126x80xi32, #tpu.memory_space<vmem>> -> memref<126x80xi32, #tpu.memory_space<vmem>>
        %dma_wait3A_60 = arith.constant 0 : i32
        %dma_wait3A_61 = tpu.memref_slice %arg3[%run_scoped3A, %add3A_10, %dma_wait3A_60] : memref<2x4000x80xi32, #tpu.memory_space<hbm>> -> memref<1x126x80xi32, #tpu.memory_space<hbm>>
        %dma_wait3A_62 = tpu.memref_squeeze %dma_wait3A_61 : memref<1x126x80xi32, #tpu.memory_space<hbm>> -> memref<126x80xi32, #tpu.memory_space<hbm>>
        tpu.wait_dma2 semaphore(%run_scoped3A_39 : memref<!tpu.dma_semaphore, #tpu.memory_space<semaphore_mem>>) src(%dma_wait3A_62 : memref<126x80xi32, #tpu.memory_space<hbm>>) dst(%dma_wait3A_59 : memref<126x80xi32, #tpu.memory_space<vmem>>)
        tpu.yield
      }) : () -> ()
      %run_scoped3A_11 = arith.constant 1 : i32
      "tpu.region"() ({
        %run_scoped3A_39 = tpu.sem_alloc : memref<!tpu.dma_semaphore, #tpu.memory_space<semaphore_mem>>
        %dma_start3A_40 = arith.constant 0 : i32
        %dma_start3A_41 = arith.constant 0 : i32
        %dma_start3A_42 = tpu.memref_slice %arg7[%dma_start3A_40, %dma_start3A_41] : memref<126x80xi32, #tpu.memory_space<vmem>> -> memref<126x80xi32, #tpu.memory_space<vmem>>
        %dma_start3A_43 = arith.constant 0 : i32
        %dma_start3A_44 = tpu.memref_slice %arg3[%run_scoped3A_11, %add3A_10, %dma_start3A_43] : memref<2x4000x80xi32, #tpu.memory_space<hbm>> -> memref<1x126x80xi32, #tpu.memory_space<hbm>>
        %dma_start3A_45 = tpu.memref_squeeze %dma_start3A_44 : memref<1x126x80xi32, #tpu.memory_space<hbm>> -> memref<126x80xi32, #tpu.memory_space<hbm>>
        %dma_start3A_46 = arith.constant 0 : i32
        %dma_start3A_47 = arith.constant 0 : i32
        %dma_start3A_48 = tpu.memref_slice %arg7[%dma_start3A_46, %dma_start3A_47] : memref<126x80xi32, #tpu.memory_space<vmem>> -> memref<126x80xi32, #tpu.memory_space<vmem>>
        %dma_start3A_49 = arith.constant 0 : i32
        %dma_start3A_50 = tpu.memref_slice %arg3[%run_scoped3A_11, %add3A_10, %dma_start3A_49] : memref<2x4000x80xi32, #tpu.memory_space<hbm>> -> memref<1x126x80xi32, #tpu.memory_space<hbm>>
        %dma_start3A_51 = tpu.memref_squeeze %dma_start3A_50 : memref<1x126x80xi32, #tpu.memory_space<hbm>> -> memref<126x80xi32, #tpu.memory_space<hbm>>
        tpu.enqueue_dma source(%dma_start3A_51 : memref<126x80xi32, #tpu.memory_space<hbm>>) target(%dma_start3A_48 : memref<126x80xi32, #tpu.memory_space<vmem>>) target_semaphore(%run_scoped3A_39 : memref<!tpu.dma_semaphore, #tpu.memory_space<semaphore_mem>>)
        %dma_wait3A = arith.constant 0 : i32
        %dma_wait3A_52 = arith.constant 0 : i32
        %dma_wait3A_53 = tpu.memref_slice %arg7[%dma_wait3A, %dma_wait3A_52] : memref<126x80xi32, #tpu.memory_space<vmem>> -> memref<126x80xi32, #tpu.memory_space<vmem>>
        %dma_wait3A_54 = arith.constant 0 : i32
        %dma_wait3A_55 = tpu.memref_slice %arg3[%run_scoped3A_11, %add3A_10, %dma_wait3A_54] : memref<2x4000x80xi32, #tpu.memory_space<hbm>> -> memref<1x126x80xi32, #tpu.memory_space<hbm>>
        %dma_wait3A_56 = tpu.memref_squeeze %dma_wait3A_55 : memref<1x126x80xi32, #tpu.memory_space<hbm>> -> memref<126x80xi32, #tpu.memory_space<hbm>>
        %dma_wait3A_57 = arith.constant 0 : i32
        %dma_wait3A_58 = arith.constant 0 : i32
        %dma_wait3A_59 = tpu.memref_slice %arg7[%dma_wait3A_57, %dma_wait3A_58] : memref<126x80xi32, #tpu.memory_space<vmem>> -> memref<126x80xi32, #tpu.memory_space<vmem>>
        %dma_wait3A_60 = arith.constant 0 : i32
        %dma_wait3A_61 = tpu.memref_slice %arg3[%run_scoped3A_11, %add3A_10, %dma_wait3A_60] : memref<2x4000x80xi32, #tpu.memory_space<hbm>> -> memref<1x126x80xi32, #tpu.memory_space<hbm>>
        %dma_wait3A_62 = tpu.memref_squeeze %dma_wait3A_61 : memref<1x126x80xi32, #tpu.memory_space<hbm>> -> memref<126x80xi32, #tpu.memory_space<hbm>>
        tpu.wait_dma2 semaphore(%run_scoped3A_39 : memref<!tpu.dma_semaphore, #tpu.memory_space<semaphore_mem>>) src(%dma_wait3A_62 : memref<126x80xi32, #tpu.memory_space<hbm>>) dst(%dma_wait3A_59 : memref<126x80xi32, #tpu.memory_space<vmem>>)
        tpu.yield
      }) : () -> ()
      %dma_start3A = arith.constant 0 : i32
      %dma_start3A_12 = arith.constant 0 : i32
      %dma_start3A_13 = arith.constant 0 : i32
      %dma_start3A_14 = arith.constant 0 : i32
      %dma_start3A_15 = tpu.memref_slice %arg8[%dma_start3A_12, %dma_start3A_13, %dma_start3A_14] : memref<2x80x16xf32, #tpu.memory_space<vmem>> -> memref<1x80x16xf32, #tpu.memory_space<vmem>>
      %dma_start3A_16 = tpu.memref_squeeze %dma_start3A_15 : memref<1x80x16xf32, #tpu.memory_space<vmem>> -> memref<80x16xf32, #tpu.memory_space<vmem>>
      %dma_start3A_17 = arith.constant 0 : i32
      %dma_start3A_18 = tpu.memref_slice %arg6[%dma_start3A, %dma_start3A_17] : memref<126x80xi32, #tpu.memory_space<vmem>> -> memref<1x80xi32, #tpu.memory_space<vmem>>
      %dma_start3A_19 = tpu.memref_squeeze %dma_start3A_18 : memref<1x80xi32, #tpu.memory_space<vmem>> -> memref<80xi32, #tpu.memory_space<vmem>>
      %dma_start3A_20 = arith.constant 0 : i32
      %dma_start3A_21 = arith.constant 0 : i32
      %dma_start3A_22 = tpu.memref_slice %arg2[%dma_start3A_20, %dma_start3A_21] : memref<10000x16xf32, #tpu.memory_space<hbm>> -> memref<10000x16xf32, #tpu.memory_space<hbm>>
      tpu.enqueue_indirect_dma source(%dma_start3A_22 : memref<10000x16xf32, #tpu.memory_space<hbm>>) target(%dma_start3A_16 : memref<80x16xf32, #tpu.memory_space<vmem>>) offsets(%dma_start3A_19 : memref<80xi32, #tpu.memory_space<vmem>>) semaphore(%arg10 : memref<!tpu.dma_semaphore, #tpu.memory_space<semaphore_mem>>)
      %dma_start3A_23 = arith.constant 1 : i32
      %dma_start3A_24 = arith.constant 1 : i32
      %dma_start3A_25 = arith.constant 0 : i32
      %dma_start3A_26 = arith.constant 0 : i32
      %dma_start3A_27 = tpu.memref_slice %arg8[%dma_start3A_24, %dma_start3A_25, %dma_start3A_26] : memref<2x80x16xf32, #tpu.memory_space<vmem>> -> memref<1x80x16xf32, #tpu.memory_space<vmem>>
      %dma_start3A_28 = tpu.memref_squeeze %dma_start3A_27 : memref<1x80x16xf32, #tpu.memory_space<vmem>> -> memref<80x16xf32, #tpu.memory_space<vmem>>
      %dma_start3A_29 = arith.constant 0 : i32
      %dma_start3A_30 = tpu.memref_slice %arg6[%dma_start3A_23, %dma_start3A_29] : memref<126x80xi32, #tpu.memory_space<vmem>> -> memref<1x80xi32, #tpu.memory_space<vmem>>
      %dma_start3A_31 = tpu.memref_squeeze %dma_start3A_30 : memref<1x80xi32, #tpu.memory_space<vmem>> -> memref<80xi32, #tpu.memory_space<vmem>>
      %dma_start3A_32 = arith.constant 0 : i32
      %dma_start3A_33 = arith.constant 0 : i32
      %dma_start3A_34 = tpu.memref_slice %arg2[%dma_start3A_32, %dma_start3A_33] : memref<10000x16xf32, #tpu.memory_space<hbm>> -> memref<10000x16xf32, #tpu.memory_space<hbm>>
      tpu.enqueue_indirect_dma source(%dma_start3A_34 : memref<10000x16xf32, #tpu.memory_space<hbm>>) target(%dma_start3A_28 : memref<80x16xf32, #tpu.memory_space<vmem>>) offsets(%dma_start3A_31 : memref<80xi32, #tpu.memory_space<vmem>>) semaphore(%arg11 : memref<!tpu.dma_semaphore, #tpu.memory_space<semaphore_mem>>)
      %scan3A = arith.constant 0 : i32
      %scan3A_35 = arith.constant 63 : i32
      %scan3A_36 = arith.addi %scan3A, %scan3A_35 : i32
      %scan3A_37 = arith.constant 1 : i32
      scf.for %scan3A_39 = %scan3A to %scan3A_36 step %scan3A_37  : i32 {
        %mul3A_40 = arith.constant 2 : i32
        %mul3A_41 = arith.muli %scan3A_39, %mul3A_40 : i32
        %add3A_42 = arith.constant 0 : i32
        %add3A_43 = arith.addi %add3A_42, %mul3A_41 : i32
        %dma_wait3A = arith.constant 0 : i32
        %dma_wait3A_44 = arith.constant 0 : i32
        %dma_wait3A_45 = arith.constant 0 : i32
        %dma_wait3A_46 = tpu.memref_slice %arg8[%dma_wait3A, %dma_wait3A_44, %dma_wait3A_45] : memref<2x80x16xf32, #tpu.memory_space<vmem>> -> memref<1x80x16xf32, #tpu.memory_space<vmem>>
        %dma_wait3A_47 = tpu.memref_squeeze %dma_wait3A_46 : memref<1x80x16xf32, #tpu.memory_space<vmem>> -> memref<80x16xf32, #tpu.memory_space<vmem>>
        %dma_wait3A_48 = arith.constant 0 : i32
        %dma_wait3A_49 = tpu.memref_slice %arg6[%add3A_43, %dma_wait3A_48] : memref<126x80xi32, #tpu.memory_space<vmem>> -> memref<1x80xi32, #tpu.memory_space<vmem>>
        %dma_wait3A_50 = tpu.memref_squeeze %dma_wait3A_49 : memref<1x80xi32, #tpu.memory_space<vmem>> -> memref<80xi32, #tpu.memory_space<vmem>>
        %dma_wait3A_51 = arith.constant 0 : i32
        %dma_wait3A_52 = arith.constant 0 : i32
        %dma_wait3A_53 = tpu.memref_slice %arg2[%dma_wait3A_51, %dma_wait3A_52] : memref<10000x16xf32, #tpu.memory_space<hbm>> -> memref<10000x16xf32, #tpu.memory_space<hbm>>
        tpu.wait_indirect_dma semaphore(%arg10 : memref<!tpu.dma_semaphore, #tpu.memory_space<semaphore_mem>>) src(%dma_wait3A_53 : memref<10000x16xf32, #tpu.memory_space<hbm>>) dst(%dma_wait3A_47 : memref<80x16xf32, #tpu.memory_space<vmem>>)
        %dma_start3A_54 = arith.constant 0 : i32
        %dma_start3A_55 = arith.constant 0 : i32
        %dma_start3A_56 = arith.constant 0 : i32
        %dma_start3A_57 = tpu.memref_slice %arg8[%dma_start3A_54, %dma_start3A_55, %dma_start3A_56] : memref<2x80x16xf32, #tpu.memory_space<vmem>> -> memref<1x80x16xf32, #tpu.memory_space<vmem>>
        %dma_start3A_58 = tpu.memref_squeeze %dma_start3A_57 : memref<1x80x16xf32, #tpu.memory_space<vmem>> -> memref<80x16xf32, #tpu.memory_space<vmem>>
        %dma_start3A_59 = arith.constant 0 : i32
        %dma_start3A_60 = tpu.memref_slice %arg7[%add3A_43, %dma_start3A_59] : memref<126x80xi32, #tpu.memory_space<vmem>> -> memref<1x80xi32, #tpu.memory_space<vmem>>
        %dma_start3A_61 = tpu.memref_squeeze %dma_start3A_60 : memref<1x80xi32, #tpu.memory_space<vmem>> -> memref<80xi32, #tpu.memory_space<vmem>>
        %dma_start3A_62 = arith.constant 0 : i32
        %dma_start3A_63 = arith.constant 0 : i32
        %dma_start3A_64 = tpu.memref_slice %arg9[%dma_start3A_62, %dma_start3A_63] : memref<10240x16xf32, #tpu.memory_space<vmem_shared>> -> memref<10240x16xf32, #tpu.memory_space<vmem_shared>>
        tpu.enqueue_indirect_dma source(%dma_start3A_58 : memref<80x16xf32, #tpu.memory_space<vmem>>) target(%dma_start3A_64 : memref<10240x16xf32, #tpu.memory_space<vmem_shared>>) offsets(%dma_start3A_61 : memref<80xi32, #tpu.memory_space<vmem>>) semaphore(%arg12 : memref<!tpu.dma_semaphore, #tpu.memory_space<semaphore_mem>>) {add = true}
        %add3A_65 = arith.constant 1 : i32
        %add3A_66 = arith.addi %add3A_43, %add3A_65 : i32
        %dma_wait3A_67 = arith.constant 1 : i32
        %dma_wait3A_68 = arith.constant 0 : i32
        %dma_wait3A_69 = arith.constant 0 : i32
        %dma_wait3A_70 = tpu.memref_slice %arg8[%dma_wait3A_67, %dma_wait3A_68, %dma_wait3A_69] : memref<2x80x16xf32, #tpu.memory_space<vmem>> -> memref<1x80x16xf32, #tpu.memory_space<vmem>>
        %dma_wait3A_71 = tpu.memref_squeeze %dma_wait3A_70 : memref<1x80x16xf32, #tpu.memory_space<vmem>> -> memref<80x16xf32, #tpu.memory_space<vmem>>
        %dma_wait3A_72 = arith.constant 0 : i32
        %dma_wait3A_73 = tpu.memref_slice %arg6[%add3A_66, %dma_wait3A_72] : memref<126x80xi32, #tpu.memory_space<vmem>> -> memref<1x80xi32, #tpu.memory_space<vmem>>
        %dma_wait3A_74 = tpu.memref_squeeze %dma_wait3A_73 : memref<1x80xi32, #tpu.memory_space<vmem>> -> memref<80xi32, #tpu.memory_space<vmem>>
        %dma_wait3A_75 = arith.constant 0 : i32
        %dma_wait3A_76 = arith.constant 0 : i32
        %dma_wait3A_77 = tpu.memref_slice %arg2[%dma_wait3A_75, %dma_wait3A_76] : memref<10000x16xf32, #tpu.memory_space<hbm>> -> memref<10000x16xf32, #tpu.memory_space<hbm>>
        tpu.wait_indirect_dma semaphore(%arg11 : memref<!tpu.dma_semaphore, #tpu.memory_space<semaphore_mem>>) src(%dma_wait3A_77 : memref<10000x16xf32, #tpu.memory_space<hbm>>) dst(%dma_wait3A_71 : memref<80x16xf32, #tpu.memory_space<vmem>>)
        %add3A_78 = arith.constant 1 : i32
        %add3A_79 = arith.addi %add3A_43, %add3A_78 : i32
        %dma_start3A_80 = arith.constant 1 : i32
        %dma_start3A_81 = arith.constant 0 : i32
        %dma_start3A_82 = arith.constant 0 : i32
        %dma_start3A_83 = tpu.memref_slice %arg8[%dma_start3A_80, %dma_start3A_81, %dma_start3A_82] : memref<2x80x16xf32, #tpu.memory_space<vmem>> -> memref<1x80x16xf32, #tpu.memory_space<vmem>>
        %dma_start3A_84 = tpu.memref_squeeze %dma_start3A_83 : memref<1x80x16xf32, #tpu.memory_space<vmem>> -> memref<80x16xf32, #tpu.memory_space<vmem>>
        %dma_start3A_85 = arith.constant 0 : i32
        %dma_start3A_86 = tpu.memref_slice %arg7[%add3A_79, %dma_start3A_85] : memref<126x80xi32, #tpu.memory_space<vmem>> -> memref<1x80xi32, #tpu.memory_space<vmem>>
        %dma_start3A_87 = tpu.memref_squeeze %dma_start3A_86 : memref<1x80xi32, #tpu.memory_space<vmem>> -> memref<80xi32, #tpu.memory_space<vmem>>
        %dma_start3A_88 = arith.constant 0 : i32
        %dma_start3A_89 = arith.constant 0 : i32
        %dma_start3A_90 = tpu.memref_slice %arg9[%dma_start3A_88, %dma_start3A_89] : memref<10240x16xf32, #tpu.memory_space<vmem_shared>> -> memref<10240x16xf32, #tpu.memory_space<vmem_shared>>
        tpu.enqueue_indirect_dma source(%dma_start3A_84 : memref<80x16xf32, #tpu.memory_space<vmem>>) target(%dma_start3A_90 : memref<10240x16xf32, #tpu.memory_space<vmem_shared>>) offsets(%dma_start3A_87 : memref<80xi32, #tpu.memory_space<vmem>>) semaphore(%arg13 : memref<!tpu.dma_semaphore, #tpu.memory_space<semaphore_mem>>) {add = true}
        %dma_wait3A_91 = arith.constant 0 : i32
        %dma_wait3A_92 = arith.constant 0 : i32
        %dma_wait3A_93 = arith.constant 0 : i32
        %dma_wait3A_94 = tpu.memref_slice %arg8[%dma_wait3A_91, %dma_wait3A_92, %dma_wait3A_93] : memref<2x80x16xf32, #tpu.memory_space<vmem>> -> memref<1x80x16xf32, #tpu.memory_space<vmem>>
        %dma_wait3A_95 = tpu.memref_squeeze %dma_wait3A_94 : memref<1x80x16xf32, #tpu.memory_space<vmem>> -> memref<80x16xf32, #tpu.memory_space<vmem>>
        %dma_wait3A_96 = arith.constant 0 : i32
        %dma_wait3A_97 = tpu.memref_slice %arg7[%add3A_43, %dma_wait3A_96] : memref<126x80xi32, #tpu.memory_space<vmem>> -> memref<1x80xi32, #tpu.memory_space<vmem>>
        %dma_wait3A_98 = tpu.memref_squeeze %dma_wait3A_97 : memref<1x80xi32, #tpu.memory_space<vmem>> -> memref<80xi32, #tpu.memory_space<vmem>>
        %dma_wait3A_99 = arith.constant 0 : i32
        %dma_wait3A_100 = arith.constant 0 : i32
        %dma_wait3A_101 = tpu.memref_slice %arg9[%dma_wait3A_99, %dma_wait3A_100] : memref<10240x16xf32, #tpu.memory_space<vmem_shared>> -> memref<10240x16xf32, #tpu.memory_space<vmem_shared>>
        tpu.wait_indirect_dma semaphore(%arg12 : memref<!tpu.dma_semaphore, #tpu.memory_space<semaphore_mem>>) src(%dma_wait3A_95 : memref<80x16xf32, #tpu.memory_space<vmem>>) dst(%dma_wait3A_101 : memref<10240x16xf32, #tpu.memory_space<vmem_shared>>)
        %add3A_102 = arith.constant 2 : i32
        %add3A_103 = arith.addi %add3A_43, %add3A_102 : i32
        %lt3A = arith.constant 126 : i32
        %lt3A_104 = arith.cmpi slt, %add3A_103, %lt3A : i32
        %convert_element_type3A_105 = arith.extui %lt3A_104 : i1 to i32
        %cond3A_106 = arith.constant 0 : i32
        %cond3A_107 = arith.cmpi ne, %convert_element_type3A_105, %cond3A_106 : i32
        scf.if %cond3A_107 {
          %add3A_128 = arith.constant 2 : i32
          %add3A_129 = arith.addi %add3A_43, %add3A_128 : i32
          %dma_start3A_130 = arith.constant 0 : i32
          %dma_start3A_131 = arith.constant 0 : i32
          %dma_start3A_132 = arith.constant 0 : i32
          %dma_start3A_133 = tpu.memref_slice %arg8[%dma_start3A_130, %dma_start3A_131, %dma_start3A_132] : memref<2x80x16xf32, #tpu.memory_space<vmem>> -> memref<1x80x16xf32, #tpu.memory_space<vmem>>
          %dma_start3A_134 = tpu.memref_squeeze %dma_start3A_133 : memref<1x80x16xf32, #tpu.memory_space<vmem>> -> memref<80x16xf32, #tpu.memory_space<vmem>>
          %dma_start3A_135 = arith.constant 0 : i32
          %dma_start3A_136 = tpu.memref_slice %arg6[%add3A_129, %dma_start3A_135] : memref<126x80xi32, #tpu.memory_space<vmem>> -> memref<1x80xi32, #tpu.memory_space<vmem>>
          %dma_start3A_137 = tpu.memref_squeeze %dma_start3A_136 : memref<1x80xi32, #tpu.memory_space<vmem>> -> memref<80xi32, #tpu.memory_space<vmem>>
          %dma_start3A_138 = arith.constant 0 : i32
          %dma_start3A_139 = arith.constant 0 : i32
          %dma_start3A_140 = tpu.memref_slice %arg2[%dma_start3A_138, %dma_start3A_139] : memref<10000x16xf32, #tpu.memory_space<hbm>> -> memref<10000x16xf32, #tpu.memory_space<hbm>>
          tpu.enqueue_indirect_dma source(%dma_start3A_140 : memref<10000x16xf32, #tpu.memory_space<hbm>>) target(%dma_start3A_134 : memref<80x16xf32, #tpu.memory_space<vmem>>) offsets(%dma_start3A_137 : memref<80xi32, #tpu.memory_space<vmem>>) semaphore(%arg10 : memref<!tpu.dma_semaphore, #tpu.memory_space<semaphore_mem>>)
        } else {
        }
        %add3A_108 = arith.constant 1 : i32
        %add3A_109 = arith.addi %add3A_43, %add3A_108 : i32
        %dma_wait3A_110 = arith.constant 1 : i32
        %dma_wait3A_111 = arith.constant 0 : i32
        %dma_wait3A_112 = arith.constant 0 : i32
        %dma_wait3A_113 = tpu.memref_slice %arg8[%dma_wait3A_110, %dma_wait3A_111, %dma_wait3A_112] : memref<2x80x16xf32, #tpu.memory_space<vmem>> -> memref<1x80x16xf32, #tpu.memory_space<vmem>>
        %dma_wait3A_114 = tpu.memref_squeeze %dma_wait3A_113 : memref<1x80x16xf32, #tpu.memory_space<vmem>> -> memref<80x16xf32, #tpu.memory_space<vmem>>
        %dma_wait3A_115 = arith.constant 0 : i32
        %dma_wait3A_116 = tpu.memref_slice %arg7[%add3A_109, %dma_wait3A_115] : memref<126x80xi32, #tpu.memory_space<vmem>> -> memref<1x80xi32, #tpu.memory_space<vmem>>
        %dma_wait3A_117 = tpu.memref_squeeze %dma_wait3A_116 : memref<1x80xi32, #tpu.memory_space<vmem>> -> memref<80xi32, #tpu.memory_space<vmem>>
        %dma_wait3A_118 = arith.constant 0 : i32
        %dma_wait3A_119 = arith.constant 0 : i32
        %dma_wait3A_120 = tpu.memref_slice %arg9[%dma_wait3A_118, %dma_wait3A_119] : memref<10240x16xf32, #tpu.memory_space<vmem_shared>> -> memref<10240x16xf32, #tpu.memory_space<vmem_shared>>
        tpu.wait_indirect_dma semaphore(%arg13 : memref<!tpu.dma_semaphore, #tpu.memory_space<semaphore_mem>>) src(%dma_wait3A_114 : memref<80x16xf32, #tpu.memory_space<vmem>>) dst(%dma_wait3A_120 : memref<10240x16xf32, #tpu.memory_space<vmem_shared>>)
        %add3A_121 = arith.constant 3 : i32
        %add3A_122 = arith.addi %add3A_43, %add3A_121 : i32
        %lt3A_123 = arith.constant 126 : i32
        %lt3A_124 = arith.cmpi slt, %add3A_122, %lt3A_123 : i32
        %convert_element_type3A_125 = arith.extui %lt3A_124 : i1 to i32
        %cond3A_126 = arith.constant 0 : i32
        %cond3A_127 = arith.cmpi ne, %convert_element_type3A_125, %cond3A_126 : i32
        scf.if %cond3A_127 {
          %add3A_128 = arith.constant 3 : i32
          %add3A_129 = arith.addi %add3A_43, %add3A_128 : i32
          %dma_start3A_130 = arith.constant 1 : i32
          %dma_start3A_131 = arith.constant 0 : i32
          %dma_start3A_132 = arith.constant 0 : i32
          %dma_start3A_133 = tpu.memref_slice %arg8[%dma_start3A_130, %dma_start3A_131, %dma_start3A_132] : memref<2x80x16xf32, #tpu.memory_space<vmem>> -> memref<1x80x16xf32, #tpu.memory_space<vmem>>
          %dma_start3A_134 = tpu.memref_squeeze %dma_start3A_133 : memref<1x80x16xf32, #tpu.memory_space<vmem>> -> memref<80x16xf32, #tpu.memory_space<vmem>>
          %dma_start3A_135 = arith.constant 0 : i32
          %dma_start3A_136 = tpu.memref_slice %arg6[%add3A_129, %dma_start3A_135] : memref<126x80xi32, #tpu.memory_space<vmem>> -> memref<1x80xi32, #tpu.memory_space<vmem>>
          %dma_start3A_137 = tpu.memref_squeeze %dma_start3A_136 : memref<1x80xi32, #tpu.memory_space<vmem>> -> memref<80xi32, #tpu.memory_space<vmem>>
          %dma_start3A_138 = arith.constant 0 : i32
          %dma_start3A_139 = arith.constant 0 : i32
          %dma_start3A_140 = tpu.memref_slice %arg2[%dma_start3A_138, %dma_start3A_139] : memref<10000x16xf32, #tpu.memory_space<hbm>> -> memref<10000x16xf32, #tpu.memory_space<hbm>>
          tpu.enqueue_indirect_dma source(%dma_start3A_140 : memref<10000x16xf32, #tpu.memory_space<hbm>>) target(%dma_start3A_134 : memref<80x16xf32, #tpu.memory_space<vmem>>) offsets(%dma_start3A_137 : memref<80xi32, #tpu.memory_space<vmem>>) semaphore(%arg11 : memref<!tpu.dma_semaphore, #tpu.memory_space<semaphore_mem>>)
        } else {
        }
      }
      %scan3A_38 = arith.constant 63 : i32
    } else {
    }
    %barrier3A = arith.constant 0 : index
    tpu.barrier barrier_id(%barrier3A)
    "tpu.region"() ({
      %run_scoped3A = tpu.sem_alloc : memref<!tpu.dma_semaphore, #tpu.memory_space<semaphore_mem>>
      %dma_start3A = arith.constant 0 : i32
      %dma_start3A_8 = tpu.memref_slice %arg5[%arg0, %mul3A_0, %dma_start3A] : memref<2x10240x16xf32, #tpu.memory_space<hbm>> -> memref<1x640x16xf32, #tpu.memory_space<hbm>>
      %dma_start3A_9 = tpu.memref_squeeze %dma_start3A_8 : memref<1x640x16xf32, #tpu.memory_space<hbm>> -> memref<640x16xf32, #tpu.memory_space<hbm>>
      %dma_start3A_10 = arith.constant 0 : i32
      %dma_start3A_11 = tpu.memref_slice %arg9[%mul3A_0, %dma_start3A_10] : memref<10240x16xf32, #tpu.memory_space<vmem_shared>> -> memref<640x16xf32, #tpu.memory_space<vmem_shared>>
      tpu.enqueue_dma source(%dma_start3A_11 : memref<640x16xf32, #tpu.memory_space<vmem_shared>>) target(%dma_start3A_9 : memref<640x16xf32, #tpu.memory_space<hbm>>) target_semaphore(%run_scoped3A : memref<!tpu.dma_semaphore, #tpu.memory_space<semaphore_mem>>)
      %dma_wait3A = arith.constant 0 : i32
      %dma_wait3A_12 = tpu.memref_slice %arg5[%arg0, %mul3A_0, %dma_wait3A] : memref<2x10240x16xf32, #tpu.memory_space<hbm>> -> memref<1x640x16xf32, #tpu.memory_space<hbm>>
      %dma_wait3A_13 = tpu.memref_squeeze %dma_wait3A_12 : memref<1x640x16xf32, #tpu.memory_space<hbm>> -> memref<640x16xf32, #tpu.memory_space<hbm>>
      %dma_wait3A_14 = arith.constant 0 : i32
      %dma_wait3A_15 = tpu.memref_slice %arg9[%mul3A_0, %dma_wait3A_14] : memref<10240x16xf32, #tpu.memory_space<vmem_shared>> -> memref<640x16xf32, #tpu.memory_space<vmem_shared>>
      tpu.wait_dma2 semaphore(%run_scoped3A : memref<!tpu.dma_semaphore, #tpu.memory_space<semaphore_mem>>) src(%dma_wait3A_15 : memref<640x16xf32, #tpu.memory_space<vmem_shared>>) dst(%dma_wait3A_13 : memref<640x16xf32, #tpu.memory_space<hbm>>)
      tpu.yield
    }) : () -> ()
    return
  }
}

#map = affine_map<(d0, d1) -> (0, 0, 0)>
#map1 = affine_map<(d0, d1) -> (0)>
#map2 = affine_map<(d0, d1) -> (0, 0)>
module attributes {stable_mosaic.version = 14 : i64} {
  func.func @_deg_dinv_kernel(%arg0: i32, %arg1: i32, %arg2: memref<2x4000x80xi32, #tpu.memory_space<hbm>>, %arg3: memref<10240xf32, #tpu.memory_space<hbm>>, %arg4: memref<10240x16xf32, #tpu.memory_space<hbm>>, %arg5: memref<250x80xi32, #tpu.memory_space<vmem>>, %arg6: memref<80xf32, #tpu.memory_space<vmem>>, %arg7: memref<640xf32, #tpu.memory_space<vmem>>, %arg8: memref<640x16xf32, #tpu.memory_space<vmem>>, %arg9: memref<10240xf32, #tpu.memory_space<vmem_shared>>, %arg10: memref<!tpu.dma_semaphore, #tpu.memory_space<semaphore_mem>>) attributes {dimension_semantics = [#tpu.dimension_semantics<core_parallel>, #tpu.dimension_semantics<subcore_parallel>], iteration_bounds = array<i64: 2, 16>, scalar_prefetch = 0 : i64, scratch_operands = 6 : i64, tpu.core_type = #tpu.core_type<sc_vector_subcore>, window_params = [{transform_indices = #map}, {transform_indices = #map1}, {transform_indices = #map2}]} {
    %eq3A = arith.constant 1 : i32
    %eq3A_0 = arith.cmpi eq, %arg0, %eq3A : i32
    %convert_element_type3A = arith.extui %eq3A_0 : i1 to i32
    %cond3A = arith.constant 0 : i32
    %cond3A_1 = arith.cmpi ne, %convert_element_type3A, %cond3A : i32
    scf.if %cond3A_1 {
      %mul3A = arith.constant 640 : i32
      %mul3A_2 = arith.muli %arg1, %mul3A : i32
      "tpu.region"() ({
        %run_scoped3A_25 = tpu.sem_alloc : memref<!tpu.dma_semaphore, #tpu.memory_space<semaphore_mem>>
        %dma_start3A = tpu.memref_slice %arg9[%mul3A_2] : memref<10240xf32, #tpu.memory_space<vmem_shared>> -> memref<640xf32, #tpu.memory_space<vmem_shared>>
        %dma_start3A_26 = tpu.memref_slice %arg3[%mul3A_2] : memref<10240xf32, #tpu.memory_space<hbm>> -> memref<640xf32, #tpu.memory_space<hbm>>
        tpu.enqueue_dma source(%dma_start3A_26 : memref<640xf32, #tpu.memory_space<hbm>>) target(%dma_start3A : memref<640xf32, #tpu.memory_space<vmem_shared>>) target_semaphore(%run_scoped3A_25 : memref<!tpu.dma_semaphore, #tpu.memory_space<semaphore_mem>>)
        %dma_wait3A = tpu.memref_slice %arg9[%mul3A_2] : memref<10240xf32, #tpu.memory_space<vmem_shared>> -> memref<640xf32, #tpu.memory_space<vmem_shared>>
        %dma_wait3A_27 = tpu.memref_slice %arg3[%mul3A_2] : memref<10240xf32, #tpu.memory_space<hbm>> -> memref<640xf32, #tpu.memory_space<hbm>>
        tpu.wait_dma2 semaphore(%run_scoped3A_25 : memref<!tpu.dma_semaphore, #tpu.memory_space<semaphore_mem>>) src(%dma_wait3A_27 : memref<640xf32, #tpu.memory_space<hbm>>) dst(%dma_wait3A : memref<640xf32, #tpu.memory_space<vmem_shared>>)
        tpu.yield
      }) : () -> ()
      %mul3A_3 = arith.constant 250 : i32
      %mul3A_4 = arith.muli %arg1, %mul3A_3 : i32
      %run_scoped3A = arith.constant 1 : i32
      "tpu.region"() ({
        %run_scoped3A_25 = tpu.sem_alloc : memref<!tpu.dma_semaphore, #tpu.memory_space<semaphore_mem>>
        %dma_start3A = arith.constant 0 : i32
        %dma_start3A_26 = tpu.memref_slice %arg2[%run_scoped3A, %mul3A_4, %dma_start3A] : memref<2x4000x80xi32, #tpu.memory_space<hbm>> -> memref<1x250x80xi32, #tpu.memory_space<hbm>>
        %dma_start3A_27 = tpu.memref_squeeze %dma_start3A_26 : memref<1x250x80xi32, #tpu.memory_space<hbm>> -> memref<250x80xi32, #tpu.memory_space<hbm>>
        %dma_start3A_28 = arith.constant 0 : i32
        %dma_start3A_29 = tpu.memref_slice %arg2[%run_scoped3A, %mul3A_4, %dma_start3A_28] : memref<2x4000x80xi32, #tpu.memory_space<hbm>> -> memref<1x250x80xi32, #tpu.memory_space<hbm>>
        %dma_start3A_30 = tpu.memref_squeeze %dma_start3A_29 : memref<1x250x80xi32, #tpu.memory_space<hbm>> -> memref<250x80xi32, #tpu.memory_space<hbm>>
        tpu.enqueue_dma source(%dma_start3A_30 : memref<250x80xi32, #tpu.memory_space<hbm>>) target(%arg5 : memref<250x80xi32, #tpu.memory_space<vmem>>) target_semaphore(%run_scoped3A_25 : memref<!tpu.dma_semaphore, #tpu.memory_space<semaphore_mem>>)
        %dma_wait3A = arith.constant 0 : i32
        %dma_wait3A_31 = tpu.memref_slice %arg2[%run_scoped3A, %mul3A_4, %dma_wait3A] : memref<2x4000x80xi32, #tpu.memory_space<hbm>> -> memref<1x250x80xi32, #tpu.memory_space<hbm>>
        %dma_wait3A_32 = tpu.memref_squeeze %dma_wait3A_31 : memref<1x250x80xi32, #tpu.memory_space<hbm>> -> memref<250x80xi32, #tpu.memory_space<hbm>>
        %dma_wait3A_33 = arith.constant 0 : i32
        %dma_wait3A_34 = tpu.memref_slice %arg2[%run_scoped3A, %mul3A_4, %dma_wait3A_33] : memref<2x4000x80xi32, #tpu.memory_space<hbm>> -> memref<1x250x80xi32, #tpu.memory_space<hbm>>
        %dma_wait3A_35 = tpu.memref_squeeze %dma_wait3A_34 : memref<1x250x80xi32, #tpu.memory_space<hbm>> -> memref<250x80xi32, #tpu.memory_space<hbm>>
        tpu.wait_dma2 semaphore(%run_scoped3A_25 : memref<!tpu.dma_semaphore, #tpu.memory_space<semaphore_mem>>) src(%dma_wait3A_35 : memref<250x80xi32, #tpu.memory_space<hbm>>) dst(%arg5 : memref<250x80xi32, #tpu.memory_space<vmem>>)
        tpu.yield
      }) : () -> ()
      %scan3A = arith.constant 0 : i32
      %scan3A_5 = arith.constant 5 : i32
      %scan3A_6 = arith.addi %scan3A, %scan3A_5 : i32
      %scan3A_7 = arith.constant 1 : i32
      scf.for %scan3A_25 = %scan3A to %scan3A_6 step %scan3A_7  : i32 {
        %mul3A_26 = arith.constant 1 : i32
        %mul3A_27 = arith.muli %scan3A_25, %mul3A_26 : i32
        %add3A = arith.constant 0 : i32
        %add3A_28 = arith.addi %add3A, %mul3A_27 : i32
        %broadcast_in_dim3A = arith.constant 1.000000e+00 : f32
        %broadcast_in_dim3A_29 = vector.broadcast %broadcast_in_dim3A : f32 to vector<16xf32>
        %mul3A_30 = arith.constant 16 : i32
        %mul3A_31 = arith.muli %add3A_28, %mul3A_30 : i32
        %swap3A = arith.index_cast %mul3A_31 : i32 to index
        %swap3A_32 = tpu.vector_load %arg6[%swap3A] {strides = array<i32>} : memref<80xf32, #tpu.memory_space<vmem>>, vector<16xf32>,
        %swap3A_33 = vector.shape_cast %swap3A_32 : vector<16xf32> to vector<16xf32>
        %swap3A_34 = vector.shape_cast %broadcast_in_dim3A_29 : vector<16xf32> to vector<16xf32>
        tpu.vector_store %arg6[%swap3A], %swap3A_34 {strides = array<i32>} : memref<80xf32, #tpu.memory_space<vmem>>, vector<16xf32>,
      }
      %scan3A_8 = arith.constant 5 : i32
      %barrier3A = arith.constant 0 : index
      tpu.barrier barrier_id(%barrier3A)
      %scan3A_9 = arith.constant 0 : i32
      %scan3A_10 = arith.constant 250 : i32
      %scan3A_11 = arith.addi %scan3A_9, %scan3A_10 : i32
      %scan3A_12 = arith.constant 1 : i32
      scf.for %scan3A_25 = %scan3A_9 to %scan3A_11 step %scan3A_12  : i32 {
        %mul3A_26 = arith.constant 1 : i32
        %mul3A_27 = arith.muli %scan3A_25, %mul3A_26 : i32
        %add3A = arith.constant 0 : i32
        %add3A_28 = arith.addi %add3A, %mul3A_27 : i32
        %dma_start3A = arith.constant 0 : i32
        %dma_start3A_29 = tpu.memref_slice %arg5[%add3A_28, %dma_start3A] : memref<250x80xi32, #tpu.memory_space<vmem>> -> memref<1x80xi32, #tpu.memory_space<vmem>>
        %dma_start3A_30 = tpu.memref_squeeze %dma_start3A_29 : memref<1x80xi32, #tpu.memory_space<vmem>> -> memref<80xi32, #tpu.memory_space<vmem>>
        %dma_start3A_31 = arith.constant 0 : i32
        %dma_start3A_32 = tpu.memref_slice %arg9[%dma_start3A_31] : memref<10240xf32, #tpu.memory_space<vmem_shared>> -> memref<10240xf32, #tpu.memory_space<vmem_shared>>
        tpu.enqueue_indirect_dma source(%arg6 : memref<80xf32, #tpu.memory_space<vmem>>) target(%dma_start3A_32 : memref<10240xf32, #tpu.memory_space<vmem_shared>>) offsets(%dma_start3A_30 : memref<80xi32, #tpu.memory_space<vmem>>) semaphore(%arg10 : memref<!tpu.dma_semaphore, #tpu.memory_space<semaphore_mem>>) {add = true}
      }
      %scan3A_13 = arith.constant 250 : i32
      %scan3A_14 = arith.constant 0 : i32
      %scan3A_15 = arith.constant 250 : i32
      %scan3A_16 = arith.addi %scan3A_14, %scan3A_15 : i32
      %scan3A_17 = arith.constant 1 : i32
      scf.for %scan3A_25 = %scan3A_14 to %scan3A_16 step %scan3A_17  : i32 {
        %mul3A_26 = arith.constant 1 : i32
        %mul3A_27 = arith.muli %scan3A_25, %mul3A_26 : i32
        %add3A = arith.constant 0 : i32
        %add3A_28 = arith.addi %add3A, %mul3A_27 : i32
        %dma_wait3A = arith.constant 0 : i32
        %dma_wait3A_29 = tpu.memref_slice %arg5[%add3A_28, %dma_wait3A] : memref<250x80xi32, #tpu.memory_space<vmem>> -> memref<1x80xi32, #tpu.memory_space<vmem>>
        %dma_wait3A_30 = tpu.memref_squeeze %dma_wait3A_29 : memref<1x80xi32, #tpu.memory_space<vmem>> -> memref<80xi32, #tpu.memory_space<vmem>>
        %dma_wait3A_31 = arith.constant 0 : i32
        %dma_wait3A_32 = tpu.memref_slice %arg9[%dma_wait3A_31] : memref<10240xf32, #tpu.memory_space<vmem_shared>> -> memref<10240xf32, #tpu.memory_space<vmem_shared>>
        tpu.wait_indirect_dma semaphore(%arg10 : memref<!tpu.dma_semaphore, #tpu.memory_space<semaphore_mem>>) src(%arg6 : memref<80xf32, #tpu.memory_space<vmem>>) dst(%dma_wait3A_32 : memref<10240xf32, #tpu.memory_space<vmem_shared>>)
      }
      %scan3A_18 = arith.constant 250 : i32
      %barrier3A_19 = arith.constant 0 : index
      tpu.barrier barrier_id(%barrier3A_19)
      "tpu.region"() ({
        %run_scoped3A_25 = tpu.sem_alloc : memref<!tpu.dma_semaphore, #tpu.memory_space<semaphore_mem>>
        %dma_start3A = tpu.memref_slice %arg9[%mul3A_2] : memref<10240xf32, #tpu.memory_space<vmem_shared>> -> memref<640xf32, #tpu.memory_space<vmem_shared>>
        %dma_start3A_26 = tpu.memref_slice %arg9[%mul3A_2] : memref<10240xf32, #tpu.memory_space<vmem_shared>> -> memref<640xf32, #tpu.memory_space<vmem_shared>>
        tpu.enqueue_dma source(%dma_start3A_26 : memref<640xf32, #tpu.memory_space<vmem_shared>>) target(%arg7 : memref<640xf32, #tpu.memory_space<vmem>>) target_semaphore(%run_scoped3A_25 : memref<!tpu.dma_semaphore, #tpu.memory_space<semaphore_mem>>)
        %dma_wait3A = tpu.memref_slice %arg9[%mul3A_2] : memref<10240xf32, #tpu.memory_space<vmem_shared>> -> memref<640xf32, #tpu.memory_space<vmem_shared>>
        %dma_wait3A_27 = tpu.memref_slice %arg9[%mul3A_2] : memref<10240xf32, #tpu.memory_space<vmem_shared>> -> memref<640xf32, #tpu.memory_space<vmem_shared>>
        tpu.wait_dma2 semaphore(%run_scoped3A_25 : memref<!tpu.dma_semaphore, #tpu.memory_space<semaphore_mem>>) src(%dma_wait3A_27 : memref<640xf32, #tpu.memory_space<vmem_shared>>) dst(%arg7 : memref<640xf32, #tpu.memory_space<vmem>>)
        tpu.yield
      }) : () -> ()
      %scan3A_20 = arith.constant 0 : i32
      %scan3A_21 = arith.constant 40 : i32
      %scan3A_22 = arith.addi %scan3A_20, %scan3A_21 : i32
      %scan3A_23 = arith.constant 1 : i32
      scf.for %scan3A_25 = %scan3A_20 to %scan3A_22 step %scan3A_23  : i32 {
        %mul3A_26 = arith.constant 1 : i32
        %mul3A_27 = arith.muli %scan3A_25, %mul3A_26 : i32
        %add3A = arith.constant 0 : i32
        %add3A_28 = arith.addi %add3A, %mul3A_27 : i32
        %mul3A_29 = arith.constant 16 : i32
        %mul3A_30 = arith.muli %add3A_28, %mul3A_29 : i32
        %get3A = arith.index_cast %mul3A_30 : i32 to index
        %get3A_31 = tpu.vector_load %arg7[%get3A] {strides = array<i32>} : memref<640xf32, #tpu.memory_space<vmem>>, vector<16xf32>,
        %get3A_32 = vector.shape_cast %get3A_31 : vector<16xf32> to vector<16xf32>
        %add3A_33 = arith.constant 1.000000e+00 : f32
        %add3A_34 = vector.broadcast %add3A_33 : f32 to vector<16xf32>
        %add3A_35 = arith.addf %get3A_32, %add3A_34 : vector<16xf32>
        %bitcast_convert_type3A = tpu.bitcast %add3A_35 : vector<16xf32> -> vector<16xi32>
        %shift_right_arithmetic3A = arith.constant 1 : i32
        %shift_right_arithmetic3A_36 = vector.broadcast %shift_right_arithmetic3A : i32 to vector<16xi32>
        %shift_right_arithmetic3A_37 = arith.shrsi %bitcast_convert_type3A, %shift_right_arithmetic3A_36 : vector<16xi32>
        %sub3A = arith.constant 1597463007 : i32
        %sub3A_38 = vector.broadcast %sub3A : i32 to vector<16xi32>
        %sub3A_39 = arith.subi %sub3A_38, %shift_right_arithmetic3A_37 : vector<16xi32>
        %bitcast_convert_type3A_40 = tpu.bitcast %sub3A_39 : vector<16xi32> -> vector<16xf32>
        %mul3A_41 = arith.constant 5.000000e-01 : f32
        %mul3A_42 = vector.broadcast %mul3A_41 : f32 to vector<16xf32>
        %mul3A_43 = arith.mulf %mul3A_42, %add3A_35 : vector<16xf32>
        %mul3A_44 = arith.mulf %mul3A_43, %bitcast_convert_type3A_40 : vector<16xf32>
        %mul3A_45 = arith.mulf %mul3A_44, %bitcast_convert_type3A_40 : vector<16xf32>
        %sub3A_46 = arith.constant 1.500000e+00 : f32
        %sub3A_47 = vector.broadcast %sub3A_46 : f32 to vector<16xf32>
        %sub3A_48 = arith.subf %sub3A_47, %mul3A_45 : vector<16xf32>
        %mul3A_49 = arith.mulf %bitcast_convert_type3A_40, %sub3A_48 : vector<16xf32>
        %mul3A_50 = arith.constant 5.000000e-01 : f32
        %mul3A_51 = vector.broadcast %mul3A_50 : f32 to vector<16xf32>
        %mul3A_52 = arith.mulf %mul3A_51, %add3A_35 : vector<16xf32>
        %mul3A_53 = arith.mulf %mul3A_52, %mul3A_49 : vector<16xf32>
        %mul3A_54 = arith.mulf %mul3A_53, %mul3A_49 : vector<16xf32>
        %sub3A_55 = arith.constant 1.500000e+00 : f32
        %sub3A_56 = vector.broadcast %sub3A_55 : f32 to vector<16xf32>
        %sub3A_57 = arith.subf %sub3A_56, %mul3A_54 : vector<16xf32>
        %mul3A_58 = arith.mulf %mul3A_49, %sub3A_57 : vector<16xf32>
        %mul3A_59 = arith.constant 5.000000e-01 : f32
        %mul3A_60 = vector.broadcast %mul3A_59 : f32 to vector<16xf32>
        %mul3A_61 = arith.mulf %mul3A_60, %add3A_35 : vector<16xf32>
        %mul3A_62 = arith.mulf %mul3A_61, %mul3A_58 : vector<16xf32>
        %mul3A_63 = arith.mulf %mul3A_62, %mul3A_58 : vector<16xf32>
        %sub3A_64 = arith.constant 1.500000e+00 : f32
        %sub3A_65 = vector.broadcast %sub3A_64 : f32 to vector<16xf32>
        %sub3A_66 = arith.subf %sub3A_65, %mul3A_63 : vector<16xf32>
        %mul3A_67 = arith.mulf %mul3A_58, %sub3A_66 : vector<16xf32>
        %slice3A = vector.extract_strided_slice %mul3A_67 {offsets = [0], sizes = [1], strides = [1]} : vector<16xf32> to vector<1xf32>
        %squeeze3A = vector.extract %slice3A[0] : f32 from vector<1xf32>
        %broadcast_in_dim3A = vector.broadcast %squeeze3A : f32 to vector<16xf32>
        %mul3A_68 = arith.constant 16 : i32
        %mul3A_69 = arith.muli %add3A_28, %mul3A_68 : i32
        %add3A_70 = arith.constant 0 : i32
        %add3A_71 = arith.addi %mul3A_69, %add3A_70 : i32
        %swap3A = arith.index_cast %add3A_71 : i32 to index
        %swap3A_72 = arith.constant 0 : index
        %swap3A_73 = tpu.vector_load %arg8[%swap3A, %swap3A_72] {strides = array<i32>} : memref<640x16xf32, #tpu.memory_space<vmem>>, vector<1x16xf32>,
        %swap3A_74 = vector.shape_cast %swap3A_73 : vector<1x16xf32> to vector<16xf32>
        %swap3A_75 = vector.shape_cast %broadcast_in_dim3A : vector<16xf32> to vector<1x16xf32>
        tpu.vector_store %arg8[%swap3A, %swap3A_72], %swap3A_75 {strides = array<i32>} : memref<640x16xf32, #tpu.memory_space<vmem>>, vector<1x16xf32>,
        %slice3A_76 = vector.extract_strided_slice %mul3A_67 {offsets = [1], sizes = [1], strides = [1]} : vector<16xf32> to vector<1xf32>
        %squeeze3A_77 = vector.extract %slice3A_76[0] : f32 from vector<1xf32>
        %broadcast_in_dim3A_78 = vector.broadcast %squeeze3A_77 : f32 to vector<16xf32>
        %mul3A_79 = arith.constant 16 : i32
        %mul3A_80 = arith.muli %add3A_28, %mul3A_79 : i32
        %add3A_81 = arith.constant 1 : i32
        %add3A_82 = arith.addi %mul3A_80, %add3A_81 : i32
        %swap3A_83 = arith.index_cast %add3A_82 : i32 to index
        %swap3A_84 = arith.constant 0 : index
        %swap3A_85 = tpu.vector_load %arg8[%swap3A_83, %swap3A_84] {strides = array<i32>} : memref<640x16xf32, #tpu.memory_space<vmem>>, vector<1x16xf32>,
        %swap3A_86 = vector.shape_cast %swap3A_85 : vector<1x16xf32> to vector<16xf32>
        %swap3A_87 = vector.shape_cast %broadcast_in_dim3A_78 : vector<16xf32> to vector<1x16xf32>
        tpu.vector_store %arg8[%swap3A_83, %swap3A_84], %swap3A_87 {strides = array<i32>} : memref<640x16xf32, #tpu.memory_space<vmem>>, vector<1x16xf32>,
        %slice3A_88 = vector.extract_strided_slice %mul3A_67 {offsets = [2], sizes = [1], strides = [1]} : vector<16xf32> to vector<1xf32>
        %squeeze3A_89 = vector.extract %slice3A_88[0] : f32 from vector<1xf32>
        %broadcast_in_dim3A_90 = vector.broadcast %squeeze3A_89 : f32 to vector<16xf32>
        %mul3A_91 = arith.constant 16 : i32
        %mul3A_92 = arith.muli %add3A_28, %mul3A_91 : i32
        %add3A_93 = arith.constant 2 : i32
        %add3A_94 = arith.addi %mul3A_92, %add3A_93 : i32
        %swap3A_95 = arith.index_cast %add3A_94 : i32 to index
        %swap3A_96 = arith.constant 0 : index
        %swap3A_97 = tpu.vector_load %arg8[%swap3A_95, %swap3A_96] {strides = array<i32>} : memref<640x16xf32, #tpu.memory_space<vmem>>, vector<1x16xf32>,
        %swap3A_98 = vector.shape_cast %swap3A_97 : vector<1x16xf32> to vector<16xf32>
        %swap3A_99 = vector.shape_cast %broadcast_in_dim3A_90 : vector<16xf32> to vector<1x16xf32>
        tpu.vector_store %arg8[%swap3A_95, %swap3A_96], %swap3A_99 {strides = array<i32>} : memref<640x16xf32, #tpu.memory_space<vmem>>, vector<1x16xf32>,
        %slice3A_100 = vector.extract_strided_slice %mul3A_67 {offsets = [3], sizes = [1], strides = [1]} : vector<16xf32> to vector<1xf32>
        %squeeze3A_101 = vector.extract %slice3A_100[0] : f32 from vector<1xf32>
        %broadcast_in_dim3A_102 = vector.broadcast %squeeze3A_101 : f32 to vector<16xf32>
        %mul3A_103 = arith.constant 16 : i32
        %mul3A_104 = arith.muli %add3A_28, %mul3A_103 : i32
        %add3A_105 = arith.constant 3 : i32
        %add3A_106 = arith.addi %mul3A_104, %add3A_105 : i32
        %swap3A_107 = arith.index_cast %add3A_106 : i32 to index
        %swap3A_108 = arith.constant 0 : index
        %swap3A_109 = tpu.vector_load %arg8[%swap3A_107, %swap3A_108] {strides = array<i32>} : memref<640x16xf32, #tpu.memory_space<vmem>>, vector<1x16xf32>,
        %swap3A_110 = vector.shape_cast %swap3A_109 : vector<1x16xf32> to vector<16xf32>
        %swap3A_111 = vector.shape_cast %broadcast_in_dim3A_102 : vector<16xf32> to vector<1x16xf32>
        tpu.vector_store %arg8[%swap3A_107, %swap3A_108], %swap3A_111 {strides = array<i32>} : memref<640x16xf32, #tpu.memory_space<vmem>>, vector<1x16xf32>,
        %slice3A_112 = vector.extract_strided_slice %mul3A_67 {offsets = [4], sizes = [1], strides = [1]} : vector<16xf32> to vector<1xf32>
        %squeeze3A_113 = vector.extract %slice3A_112[0] : f32 from vector<1xf32>
        %broadcast_in_dim3A_114 = vector.broadcast %squeeze3A_113 : f32 to vector<16xf32>
        %mul3A_115 = arith.constant 16 : i32
        %mul3A_116 = arith.muli %add3A_28, %mul3A_115 : i32
        %add3A_117 = arith.constant 4 : i32
        %add3A_118 = arith.addi %mul3A_116, %add3A_117 : i32
        %swap3A_119 = arith.index_cast %add3A_118 : i32 to index
        %swap3A_120 = arith.constant 0 : index
        %swap3A_121 = tpu.vector_load %arg8[%swap3A_119, %swap3A_120] {strides = array<i32>} : memref<640x16xf32, #tpu.memory_space<vmem>>, vector<1x16xf32>,
        %swap3A_122 = vector.shape_cast %swap3A_121 : vector<1x16xf32> to vector<16xf32>
        %swap3A_123 = vector.shape_cast %broadcast_in_dim3A_114 : vector<16xf32> to vector<1x16xf32>
        tpu.vector_store %arg8[%swap3A_119, %swap3A_120], %swap3A_123 {strides = array<i32>} : memref<640x16xf32, #tpu.memory_space<vmem>>, vector<1x16xf32>,
        %slice3A_124 = vector.extract_strided_slice %mul3A_67 {offsets = [5], sizes = [1], strides = [1]} : vector<16xf32> to vector<1xf32>
        %squeeze3A_125 = vector.extract %slice3A_124[0] : f32 from vector<1xf32>
        %broadcast_in_dim3A_126 = vector.broadcast %squeeze3A_125 : f32 to vector<16xf32>
        %mul3A_127 = arith.constant 16 : i32
        %mul3A_128 = arith.muli %add3A_28, %mul3A_127 : i32
        %add3A_129 = arith.constant 5 : i32
        %add3A_130 = arith.addi %mul3A_128, %add3A_129 : i32
        %swap3A_131 = arith.index_cast %add3A_130 : i32 to index
        %swap3A_132 = arith.constant 0 : index
        %swap3A_133 = tpu.vector_load %arg8[%swap3A_131, %swap3A_132] {strides = array<i32>} : memref<640x16xf32, #tpu.memory_space<vmem>>, vector<1x16xf32>,
        %swap3A_134 = vector.shape_cast %swap3A_133 : vector<1x16xf32> to vector<16xf32>
        %swap3A_135 = vector.shape_cast %broadcast_in_dim3A_126 : vector<16xf32> to vector<1x16xf32>
        tpu.vector_store %arg8[%swap3A_131, %swap3A_132], %swap3A_135 {strides = array<i32>} : memref<640x16xf32, #tpu.memory_space<vmem>>, vector<1x16xf32>,
        %slice3A_136 = vector.extract_strided_slice %mul3A_67 {offsets = [6], sizes = [1], strides = [1]} : vector<16xf32> to vector<1xf32>
        %squeeze3A_137 = vector.extract %slice3A_136[0] : f32 from vector<1xf32>
        %broadcast_in_dim3A_138 = vector.broadcast %squeeze3A_137 : f32 to vector<16xf32>
        %mul3A_139 = arith.constant 16 : i32
        %mul3A_140 = arith.muli %add3A_28, %mul3A_139 : i32
        %add3A_141 = arith.constant 6 : i32
        %add3A_142 = arith.addi %mul3A_140, %add3A_141 : i32
        %swap3A_143 = arith.index_cast %add3A_142 : i32 to index
        %swap3A_144 = arith.constant 0 : index
        %swap3A_145 = tpu.vector_load %arg8[%swap3A_143, %swap3A_144] {strides = array<i32>} : memref<640x16xf32, #tpu.memory_space<vmem>>, vector<1x16xf32>,
        %swap3A_146 = vector.shape_cast %swap3A_145 : vector<1x16xf32> to vector<16xf32>
        %swap3A_147 = vector.shape_cast %broadcast_in_dim3A_138 : vector<16xf32> to vector<1x16xf32>
        tpu.vector_store %arg8[%swap3A_143, %swap3A_144], %swap3A_147 {strides = array<i32>} : memref<640x16xf32, #tpu.memory_space<vmem>>, vector<1x16xf32>,
        %slice3A_148 = vector.extract_strided_slice %mul3A_67 {offsets = [7], sizes = [1], strides = [1]} : vector<16xf32> to vector<1xf32>
        %squeeze3A_149 = vector.extract %slice3A_148[0] : f32 from vector<1xf32>
        %broadcast_in_dim3A_150 = vector.broadcast %squeeze3A_149 : f32 to vector<16xf32>
        %mul3A_151 = arith.constant 16 : i32
        %mul3A_152 = arith.muli %add3A_28, %mul3A_151 : i32
        %add3A_153 = arith.constant 7 : i32
        %add3A_154 = arith.addi %mul3A_152, %add3A_153 : i32
        %swap3A_155 = arith.index_cast %add3A_154 : i32 to index
        %swap3A_156 = arith.constant 0 : index
        %swap3A_157 = tpu.vector_load %arg8[%swap3A_155, %swap3A_156] {strides = array<i32>} : memref<640x16xf32, #tpu.memory_space<vmem>>, vector<1x16xf32>,
        %swap3A_158 = vector.shape_cast %swap3A_157 : vector<1x16xf32> to vector<16xf32>
        %swap3A_159 = vector.shape_cast %broadcast_in_dim3A_150 : vector<16xf32> to vector<1x16xf32>
        tpu.vector_store %arg8[%swap3A_155, %swap3A_156], %swap3A_159 {strides = array<i32>} : memref<640x16xf32, #tpu.memory_space<vmem>>, vector<1x16xf32>,
        %slice3A_160 = vector.extract_strided_slice %mul3A_67 {offsets = [8], sizes = [1], strides = [1]} : vector<16xf32> to vector<1xf32>
        %squeeze3A_161 = vector.extract %slice3A_160[0] : f32 from vector<1xf32>
        %broadcast_in_dim3A_162 = vector.broadcast %squeeze3A_161 : f32 to vector<16xf32>
        %mul3A_163 = arith.constant 16 : i32
        %mul3A_164 = arith.muli %add3A_28, %mul3A_163 : i32
        %add3A_165 = arith.constant 8 : i32
        %add3A_166 = arith.addi %mul3A_164, %add3A_165 : i32
        %swap3A_167 = arith.index_cast %add3A_166 : i32 to index
        %swap3A_168 = arith.constant 0 : index
        %swap3A_169 = tpu.vector_load %arg8[%swap3A_167, %swap3A_168] {strides = array<i32>} : memref<640x16xf32, #tpu.memory_space<vmem>>, vector<1x16xf32>,
        %swap3A_170 = vector.shape_cast %swap3A_169 : vector<1x16xf32> to vector<16xf32>
        %swap3A_171 = vector.shape_cast %broadcast_in_dim3A_162 : vector<16xf32> to vector<1x16xf32>
        tpu.vector_store %arg8[%swap3A_167, %swap3A_168], %swap3A_171 {strides = array<i32>} : memref<640x16xf32, #tpu.memory_space<vmem>>, vector<1x16xf32>,
        %slice3A_172 = vector.extract_strided_slice %mul3A_67 {offsets = [9], sizes = [1], strides = [1]} : vector<16xf32> to vector<1xf32>
        %squeeze3A_173 = vector.extract %slice3A_172[0] : f32 from vector<1xf32>
        %broadcast_in_dim3A_174 = vector.broadcast %squeeze3A_173 : f32 to vector<16xf32>
        %mul3A_175 = arith.constant 16 : i32
        %mul3A_176 = arith.muli %add3A_28, %mul3A_175 : i32
        %add3A_177 = arith.constant 9 : i32
        %add3A_178 = arith.addi %mul3A_176, %add3A_177 : i32
        %swap3A_179 = arith.index_cast %add3A_178 : i32 to index
        %swap3A_180 = arith.constant 0 : index
        %swap3A_181 = tpu.vector_load %arg8[%swap3A_179, %swap3A_180] {strides = array<i32>} : memref<640x16xf32, #tpu.memory_space<vmem>>, vector<1x16xf32>,
        %swap3A_182 = vector.shape_cast %swap3A_181 : vector<1x16xf32> to vector<16xf32>
        %swap3A_183 = vector.shape_cast %broadcast_in_dim3A_174 : vector<16xf32> to vector<1x16xf32>
        tpu.vector_store %arg8[%swap3A_179, %swap3A_180], %swap3A_183 {strides = array<i32>} : memref<640x16xf32, #tpu.memory_space<vmem>>, vector<1x16xf32>,
        %slice3A_184 = vector.extract_strided_slice %mul3A_67 {offsets = [10], sizes = [1], strides = [1]} : vector<16xf32> to vector<1xf32>
        %squeeze3A_185 = vector.extract %slice3A_184[0] : f32 from vector<1xf32>
        %broadcast_in_dim3A_186 = vector.broadcast %squeeze3A_185 : f32 to vector<16xf32>
        %mul3A_187 = arith.constant 16 : i32
        %mul3A_188 = arith.muli %add3A_28, %mul3A_187 : i32
        %add3A_189 = arith.constant 10 : i32
        %add3A_190 = arith.addi %mul3A_188, %add3A_189 : i32
        %swap3A_191 = arith.index_cast %add3A_190 : i32 to index
        %swap3A_192 = arith.constant 0 : index
        %swap3A_193 = tpu.vector_load %arg8[%swap3A_191, %swap3A_192] {strides = array<i32>} : memref<640x16xf32, #tpu.memory_space<vmem>>, vector<1x16xf32>,
        %swap3A_194 = vector.shape_cast %swap3A_193 : vector<1x16xf32> to vector<16xf32>
        %swap3A_195 = vector.shape_cast %broadcast_in_dim3A_186 : vector<16xf32> to vector<1x16xf32>
        tpu.vector_store %arg8[%swap3A_191, %swap3A_192], %swap3A_195 {strides = array<i32>} : memref<640x16xf32, #tpu.memory_space<vmem>>, vector<1x16xf32>,
        %slice3A_196 = vector.extract_strided_slice %mul3A_67 {offsets = [11], sizes = [1], strides = [1]} : vector<16xf32> to vector<1xf32>
        %squeeze3A_197 = vector.extract %slice3A_196[0] : f32 from vector<1xf32>
        %broadcast_in_dim3A_198 = vector.broadcast %squeeze3A_197 : f32 to vector<16xf32>
        %mul3A_199 = arith.constant 16 : i32
        %mul3A_200 = arith.muli %add3A_28, %mul3A_199 : i32
        %add3A_201 = arith.constant 11 : i32
        %add3A_202 = arith.addi %mul3A_200, %add3A_201 : i32
        %swap3A_203 = arith.index_cast %add3A_202 : i32 to index
        %swap3A_204 = arith.constant 0 : index
        %swap3A_205 = tpu.vector_load %arg8[%swap3A_203, %swap3A_204] {strides = array<i32>} : memref<640x16xf32, #tpu.memory_space<vmem>>, vector<1x16xf32>,
        %swap3A_206 = vector.shape_cast %swap3A_205 : vector<1x16xf32> to vector<16xf32>
        %swap3A_207 = vector.shape_cast %broadcast_in_dim3A_198 : vector<16xf32> to vector<1x16xf32>
        tpu.vector_store %arg8[%swap3A_203, %swap3A_204], %swap3A_207 {strides = array<i32>} : memref<640x16xf32, #tpu.memory_space<vmem>>, vector<1x16xf32>,
        %slice3A_208 = vector.extract_strided_slice %mul3A_67 {offsets = [12], sizes = [1], strides = [1]} : vector<16xf32> to vector<1xf32>
        %squeeze3A_209 = vector.extract %slice3A_208[0] : f32 from vector<1xf32>
        %broadcast_in_dim3A_210 = vector.broadcast %squeeze3A_209 : f32 to vector<16xf32>
        %mul3A_211 = arith.constant 16 : i32
        %mul3A_212 = arith.muli %add3A_28, %mul3A_211 : i32
        %add3A_213 = arith.constant 12 : i32
        %add3A_214 = arith.addi %mul3A_212, %add3A_213 : i32
        %swap3A_215 = arith.index_cast %add3A_214 : i32 to index
        %swap3A_216 = arith.constant 0 : index
        %swap3A_217 = tpu.vector_load %arg8[%swap3A_215, %swap3A_216] {strides = array<i32>} : memref<640x16xf32, #tpu.memory_space<vmem>>, vector<1x16xf32>,
        %swap3A_218 = vector.shape_cast %swap3A_217 : vector<1x16xf32> to vector<16xf32>
        %swap3A_219 = vector.shape_cast %broadcast_in_dim3A_210 : vector<16xf32> to vector<1x16xf32>
        tpu.vector_store %arg8[%swap3A_215, %swap3A_216], %swap3A_219 {strides = array<i32>} : memref<640x16xf32, #tpu.memory_space<vmem>>, vector<1x16xf32>,
        %slice3A_220 = vector.extract_strided_slice %mul3A_67 {offsets = [13], sizes = [1], strides = [1]} : vector<16xf32> to vector<1xf32>
        %squeeze3A_221 = vector.extract %slice3A_220[0] : f32 from vector<1xf32>
        %broadcast_in_dim3A_222 = vector.broadcast %squeeze3A_221 : f32 to vector<16xf32>
        %mul3A_223 = arith.constant 16 : i32
        %mul3A_224 = arith.muli %add3A_28, %mul3A_223 : i32
        %add3A_225 = arith.constant 13 : i32
        %add3A_226 = arith.addi %mul3A_224, %add3A_225 : i32
        %swap3A_227 = arith.index_cast %add3A_226 : i32 to index
        %swap3A_228 = arith.constant 0 : index
        %swap3A_229 = tpu.vector_load %arg8[%swap3A_227, %swap3A_228] {strides = array<i32>} : memref<640x16xf32, #tpu.memory_space<vmem>>, vector<1x16xf32>,
        %swap3A_230 = vector.shape_cast %swap3A_229 : vector<1x16xf32> to vector<16xf32>
        %swap3A_231 = vector.shape_cast %broadcast_in_dim3A_222 : vector<16xf32> to vector<1x16xf32>
        tpu.vector_store %arg8[%swap3A_227, %swap3A_228], %swap3A_231 {strides = array<i32>} : memref<640x16xf32, #tpu.memory_space<vmem>>, vector<1x16xf32>,
        %slice3A_232 = vector.extract_strided_slice %mul3A_67 {offsets = [14], sizes = [1], strides = [1]} : vector<16xf32> to vector<1xf32>
        %squeeze3A_233 = vector.extract %slice3A_232[0] : f32 from vector<1xf32>
        %broadcast_in_dim3A_234 = vector.broadcast %squeeze3A_233 : f32 to vector<16xf32>
        %mul3A_235 = arith.constant 16 : i32
        %mul3A_236 = arith.muli %add3A_28, %mul3A_235 : i32
        %add3A_237 = arith.constant 14 : i32
        %add3A_238 = arith.addi %mul3A_236, %add3A_237 : i32
        %swap3A_239 = arith.index_cast %add3A_238 : i32 to index
        %swap3A_240 = arith.constant 0 : index
        %swap3A_241 = tpu.vector_load %arg8[%swap3A_239, %swap3A_240] {strides = array<i32>} : memref<640x16xf32, #tpu.memory_space<vmem>>, vector<1x16xf32>,
        %swap3A_242 = vector.shape_cast %swap3A_241 : vector<1x16xf32> to vector<16xf32>
        %swap3A_243 = vector.shape_cast %broadcast_in_dim3A_234 : vector<16xf32> to vector<1x16xf32>
        tpu.vector_store %arg8[%swap3A_239, %swap3A_240], %swap3A_243 {strides = array<i32>} : memref<640x16xf32, #tpu.memory_space<vmem>>, vector<1x16xf32>,
        %slice3A_244 = vector.extract_strided_slice %mul3A_67 {offsets = [15], sizes = [1], strides = [1]} : vector<16xf32> to vector<1xf32>
        %squeeze3A_245 = vector.extract %slice3A_244[0] : f32 from vector<1xf32>
        %broadcast_in_dim3A_246 = vector.broadcast %squeeze3A_245 : f32 to vector<16xf32>
        %mul3A_247 = arith.constant 16 : i32
        %mul3A_248 = arith.muli %add3A_28, %mul3A_247 : i32
        %add3A_249 = arith.constant 15 : i32
        %add3A_250 = arith.addi %mul3A_248, %add3A_249 : i32
        %swap3A_251 = arith.index_cast %add3A_250 : i32 to index
        %swap3A_252 = arith.constant 0 : index
        %swap3A_253 = tpu.vector_load %arg8[%swap3A_251, %swap3A_252] {strides = array<i32>} : memref<640x16xf32, #tpu.memory_space<vmem>>, vector<1x16xf32>,
        %swap3A_254 = vector.shape_cast %swap3A_253 : vector<1x16xf32> to vector<16xf32>
        %swap3A_255 = vector.shape_cast %broadcast_in_dim3A_246 : vector<16xf32> to vector<1x16xf32>
        tpu.vector_store %arg8[%swap3A_251, %swap3A_252], %swap3A_255 {strides = array<i32>} : memref<640x16xf32, #tpu.memory_space<vmem>>, vector<1x16xf32>,
      }
      %scan3A_24 = arith.constant 40 : i32
      "tpu.region"() ({
        %run_scoped3A_25 = tpu.sem_alloc : memref<!tpu.dma_semaphore, #tpu.memory_space<semaphore_mem>>
        %dma_start3A = arith.constant 0 : i32
        %dma_start3A_26 = tpu.memref_slice %arg4[%mul3A_2, %dma_start3A] : memref<10240x16xf32, #tpu.memory_space<hbm>> -> memref<640x16xf32, #tpu.memory_space<hbm>>
        %dma_start3A_27 = arith.constant 0 : i32
        %dma_start3A_28 = tpu.memref_slice %arg4[%mul3A_2, %dma_start3A_27] : memref<10240x16xf32, #tpu.memory_space<hbm>> -> memref<640x16xf32, #tpu.memory_space<hbm>>
        tpu.enqueue_dma source(%arg8 : memref<640x16xf32, #tpu.memory_space<vmem>>) target(%dma_start3A_28 : memref<640x16xf32, #tpu.memory_space<hbm>>) target_semaphore(%run_scoped3A_25 : memref<!tpu.dma_semaphore, #tpu.memory_space<semaphore_mem>>)
        %dma_wait3A = arith.constant 0 : i32
        %dma_wait3A_29 = tpu.memref_slice %arg4[%mul3A_2, %dma_wait3A] : memref<10240x16xf32, #tpu.memory_space<hbm>> -> memref<640x16xf32, #tpu.memory_space<hbm>>
        %dma_wait3A_30 = arith.constant 0 : i32
        %dma_wait3A_31 = tpu.memref_slice %arg4[%mul3A_2, %dma_wait3A_30] : memref<10240x16xf32, #tpu.memory_space<hbm>> -> memref<640x16xf32, #tpu.memory_space<hbm>>
        tpu.wait_dma2 semaphore(%run_scoped3A_25 : memref<!tpu.dma_semaphore, #tpu.memory_space<semaphore_mem>>) src(%arg8 : memref<640x16xf32, #tpu.memory_space<vmem>>) dst(%dma_wait3A_31 : memref<640x16xf32, #tpu.memory_space<hbm>>)
        tpu.yield
      }) : () -> ()
    } else {
    }
    return
  }
}

#map = affine_map<(d0, d1) -> (0, 0)>
#map1 = affine_map<(d0, d1) -> (0, 0, 0)>
module attributes {stable_mosaic.version = 14 : i64} {
  func.func @_agg(%arg0: i32, %arg1: i32, %arg2: memref<10000x32xbf16, #tpu.memory_space<hbm>>, %arg3: memref<2x4000x80xi32, #tpu.memory_space<hbm>>, %arg4: memref<10240x32xbf16, #tpu.memory_space<hbm>>, %arg5: memref<2x10240x32xbf16, #tpu.memory_space<hbm>>, %arg6: memref<126x80xi32, #tpu.memory_space<vmem>>, %arg7: memref<126x80xi32, #tpu.memory_space<vmem>>, %arg8: memref<2x80x32xbf16, #tpu.memory_space<vmem>>, %arg9: memref<10240x32xbf16, #tpu.memory_space<vmem_shared>>, %arg10: memref<!tpu.dma_semaphore, #tpu.memory_space<semaphore_mem>>, %arg11: memref<!tpu.dma_semaphore, #tpu.memory_space<semaphore_mem>>, %arg12: memref<!tpu.dma_semaphore, #tpu.memory_space<semaphore_mem>>, %arg13: memref<!tpu.dma_semaphore, #tpu.memory_space<semaphore_mem>>) attributes {dimension_semantics = [#tpu.dimension_semantics<core_parallel>, #tpu.dimension_semantics<subcore_parallel>], iteration_bounds = array<i64: 2, 16>, scalar_prefetch = 0 : i64, scratch_operands = 8 : i64, tpu.core_type = #tpu.core_type<sc_vector_subcore>, window_params = [{transform_indices = #map}, {transform_indices = #map1}, {transform_indices = #map}, {transform_indices = #map1}]} {
    %mul3A = arith.constant 640 : i32
    %mul3A_0 = arith.muli %arg1, %mul3A : i32
    "tpu.region"() ({
      %run_scoped3A = tpu.sem_alloc : memref<!tpu.dma_semaphore, #tpu.memory_space<semaphore_mem>>
      %dma_start3A = arith.constant 0 : i32
      %dma_start3A_8 = tpu.memref_slice %arg9[%mul3A_0, %dma_start3A] : memref<10240x32xbf16, #tpu.memory_space<vmem_shared>> -> memref<640x32xbf16, #tpu.memory_space<vmem_shared>>
      %dma_start3A_9 = arith.constant 0 : i32
      %dma_start3A_10 = tpu.memref_slice %arg4[%mul3A_0, %dma_start3A_9] : memref<10240x32xbf16, #tpu.memory_space<hbm>> -> memref<640x32xbf16, #tpu.memory_space<hbm>>
      tpu.enqueue_dma source(%dma_start3A_10 : memref<640x32xbf16, #tpu.memory_space<hbm>>) target(%dma_start3A_8 : memref<640x32xbf16, #tpu.memory_space<vmem_shared>>) target_semaphore(%run_scoped3A : memref<!tpu.dma_semaphore, #tpu.memory_space<semaphore_mem>>)
      %dma_wait3A = arith.constant 0 : i32
      %dma_wait3A_11 = tpu.memref_slice %arg9[%mul3A_0, %dma_wait3A] : memref<10240x32xbf16, #tpu.memory_space<vmem_shared>> -> memref<640x32xbf16, #tpu.memory_space<vmem_shared>>
      %dma_wait3A_12 = arith.constant 0 : i32
      %dma_wait3A_13 = tpu.memref_slice %arg4[%mul3A_0, %dma_wait3A_12] : memref<10240x32xbf16, #tpu.memory_space<hbm>> -> memref<640x32xbf16, #tpu.memory_space<hbm>>
      tpu.wait_dma2 semaphore(%run_scoped3A : memref<!tpu.dma_semaphore, #tpu.memory_space<semaphore_mem>>) src(%dma_wait3A_13 : memref<640x32xbf16, #tpu.memory_space<hbm>>) dst(%dma_wait3A_11 : memref<640x32xbf16, #tpu.memory_space<vmem_shared>>)
      tpu.yield
    }) : () -> ()
    %eq3A = arith.constant 0 : i32
    %eq3A_1 = arith.cmpi eq, %arg0, %eq3A : i32
    %convert_element_type3A = arith.extui %eq3A_1 : i1 to i32
    %cond3A = arith.constant 0 : i32
    %cond3A_2 = arith.cmpi ne, %convert_element_type3A, %cond3A : i32
    scf.if %cond3A_2 {
      %mul3A_8 = arith.constant 250 : i32
      %mul3A_9 = arith.muli %arg1, %mul3A_8 : i32
      %run_scoped3A = arith.constant 0 : i32
      "tpu.region"() ({
        %run_scoped3A_38 = tpu.sem_alloc : memref<!tpu.dma_semaphore, #tpu.memory_space<semaphore_mem>>
        %dma_start3A_39 = arith.constant 0 : i32
        %dma_start3A_40 = arith.constant 0 : i32
        %dma_start3A_41 = tpu.memref_slice %arg6[%dma_start3A_39, %dma_start3A_40] : memref<126x80xi32, #tpu.memory_space<vmem>> -> memref<124x80xi32, #tpu.memory_space<vmem>>
        %dma_start3A_42 = arith.constant 0 : i32
        %dma_start3A_43 = tpu.memref_slice %arg3[%run_scoped3A, %mul3A_9, %dma_start3A_42] : memref<2x4000x80xi32, #tpu.memory_space<hbm>> -> memref<1x124x80xi32, #tpu.memory_space<hbm>>
        %dma_start3A_44 = tpu.memref_squeeze %dma_start3A_43 : memref<1x124x80xi32, #tpu.memory_space<hbm>> -> memref<124x80xi32, #tpu.memory_space<hbm>>
        %dma_start3A_45 = arith.constant 0 : i32
        %dma_start3A_46 = arith.constant 0 : i32
        %dma_start3A_47 = tpu.memref_slice %arg6[%dma_start3A_45, %dma_start3A_46] : memref<126x80xi32, #tpu.memory_space<vmem>> -> memref<124x80xi32, #tpu.memory_space<vmem>>
        %dma_start3A_48 = arith.constant 0 : i32
        %dma_start3A_49 = tpu.memref_slice %arg3[%run_scoped3A, %mul3A_9, %dma_start3A_48] : memref<2x4000x80xi32, #tpu.memory_space<hbm>> -> memref<1x124x80xi32, #tpu.memory_space<hbm>>
        %dma_start3A_50 = tpu.memref_squeeze %dma_start3A_49 : memref<1x124x80xi32, #tpu.memory_space<hbm>> -> memref<124x80xi32, #tpu.memory_space<hbm>>
        tpu.enqueue_dma source(%dma_start3A_50 : memref<124x80xi32, #tpu.memory_space<hbm>>) target(%dma_start3A_47 : memref<124x80xi32, #tpu.memory_space<vmem>>) target_semaphore(%run_scoped3A_38 : memref<!tpu.dma_semaphore, #tpu.memory_space<semaphore_mem>>)
        %dma_wait3A = arith.constant 0 : i32
        %dma_wait3A_51 = arith.constant 0 : i32
        %dma_wait3A_52 = tpu.memref_slice %arg6[%dma_wait3A, %dma_wait3A_51] : memref<126x80xi32, #tpu.memory_space<vmem>> -> memref<124x80xi32, #tpu.memory_space<vmem>>
        %dma_wait3A_53 = arith.constant 0 : i32
        %dma_wait3A_54 = tpu.memref_slice %arg3[%run_scoped3A, %mul3A_9, %dma_wait3A_53] : memref<2x4000x80xi32, #tpu.memory_space<hbm>> -> memref<1x124x80xi32, #tpu.memory_space<hbm>>
        %dma_wait3A_55 = tpu.memref_squeeze %dma_wait3A_54 : memref<1x124x80xi32, #tpu.memory_space<hbm>> -> memref<124x80xi32, #tpu.memory_space<hbm>>
        %dma_wait3A_56 = arith.constant 0 : i32
        %dma_wait3A_57 = arith.constant 0 : i32
        %dma_wait3A_58 = tpu.memref_slice %arg6[%dma_wait3A_56, %dma_wait3A_57] : memref<126x80xi32, #tpu.memory_space<vmem>> -> memref<124x80xi32, #tpu.memory_space<vmem>>
        %dma_wait3A_59 = arith.constant 0 : i32
        %dma_wait3A_60 = tpu.memref_slice %arg3[%run_scoped3A, %mul3A_9, %dma_wait3A_59] : memref<2x4000x80xi32, #tpu.memory_space<hbm>> -> memref<1x124x80xi32, #tpu.memory_space<hbm>>
        %dma_wait3A_61 = tpu.memref_squeeze %dma_wait3A_60 : memref<1x124x80xi32, #tpu.memory_space<hbm>> -> memref<124x80xi32, #tpu.memory_space<hbm>>
        tpu.wait_dma2 semaphore(%run_scoped3A_38 : memref<!tpu.dma_semaphore, #tpu.memory_space<semaphore_mem>>) src(%dma_wait3A_61 : memref<124x80xi32, #tpu.memory_space<hbm>>) dst(%dma_wait3A_58 : memref<124x80xi32, #tpu.memory_space<vmem>>)
        tpu.yield
      }) : () -> ()
      %run_scoped3A_10 = arith.constant 1 : i32
      "tpu.region"() ({
        %run_scoped3A_38 = tpu.sem_alloc : memref<!tpu.dma_semaphore, #tpu.memory_space<semaphore_mem>>
        %dma_start3A_39 = arith.constant 0 : i32
        %dma_start3A_40 = arith.constant 0 : i32
        %dma_start3A_41 = tpu.memref_slice %arg7[%dma_start3A_39, %dma_start3A_40] : memref<126x80xi32, #tpu.memory_space<vmem>> -> memref<124x80xi32, #tpu.memory_space<vmem>>
        %dma_start3A_42 = arith.constant 0 : i32
        %dma_start3A_43 = tpu.memref_slice %arg3[%run_scoped3A_10, %mul3A_9, %dma_start3A_42] : memref<2x4000x80xi32, #tpu.memory_space<hbm>> -> memref<1x124x80xi32, #tpu.memory_space<hbm>>
        %dma_start3A_44 = tpu.memref_squeeze %dma_start3A_43 : memref<1x124x80xi32, #tpu.memory_space<hbm>> -> memref<124x80xi32, #tpu.memory_space<hbm>>
        %dma_start3A_45 = arith.constant 0 : i32
        %dma_start3A_46 = arith.constant 0 : i32
        %dma_start3A_47 = tpu.memref_slice %arg7[%dma_start3A_45, %dma_start3A_46] : memref<126x80xi32, #tpu.memory_space<vmem>> -> memref<124x80xi32, #tpu.memory_space<vmem>>
        %dma_start3A_48 = arith.constant 0 : i32
        %dma_start3A_49 = tpu.memref_slice %arg3[%run_scoped3A_10, %mul3A_9, %dma_start3A_48] : memref<2x4000x80xi32, #tpu.memory_space<hbm>> -> memref<1x124x80xi32, #tpu.memory_space<hbm>>
        %dma_start3A_50 = tpu.memref_squeeze %dma_start3A_49 : memref<1x124x80xi32, #tpu.memory_space<hbm>> -> memref<124x80xi32, #tpu.memory_space<hbm>>
        tpu.enqueue_dma source(%dma_start3A_50 : memref<124x80xi32, #tpu.memory_space<hbm>>) target(%dma_start3A_47 : memref<124x80xi32, #tpu.memory_space<vmem>>) target_semaphore(%run_scoped3A_38 : memref<!tpu.dma_semaphore, #tpu.memory_space<semaphore_mem>>)
        %dma_wait3A = arith.constant 0 : i32
        %dma_wait3A_51 = arith.constant 0 : i32
        %dma_wait3A_52 = tpu.memref_slice %arg7[%dma_wait3A, %dma_wait3A_51] : memref<126x80xi32, #tpu.memory_space<vmem>> -> memref<124x80xi32, #tpu.memory_space<vmem>>
        %dma_wait3A_53 = arith.constant 0 : i32
        %dma_wait3A_54 = tpu.memref_slice %arg3[%run_scoped3A_10, %mul3A_9, %dma_wait3A_53] : memref<2x4000x80xi32, #tpu.memory_space<hbm>> -> memref<1x124x80xi32, #tpu.memory_space<hbm>>
        %dma_wait3A_55 = tpu.memref_squeeze %dma_wait3A_54 : memref<1x124x80xi32, #tpu.memory_space<hbm>> -> memref<124x80xi32, #tpu.memory_space<hbm>>
        %dma_wait3A_56 = arith.constant 0 : i32
        %dma_wait3A_57 = arith.constant 0 : i32
        %dma_wait3A_58 = tpu.memref_slice %arg7[%dma_wait3A_56, %dma_wait3A_57] : memref<126x80xi32, #tpu.memory_space<vmem>> -> memref<124x80xi32, #tpu.memory_space<vmem>>
        %dma_wait3A_59 = arith.constant 0 : i32
        %dma_wait3A_60 = tpu.memref_slice %arg3[%run_scoped3A_10, %mul3A_9, %dma_wait3A_59] : memref<2x4000x80xi32, #tpu.memory_space<hbm>> -> memref<1x124x80xi32, #tpu.memory_space<hbm>>
        %dma_wait3A_61 = tpu.memref_squeeze %dma_wait3A_60 : memref<1x124x80xi32, #tpu.memory_space<hbm>> -> memref<124x80xi32, #tpu.memory_space<hbm>>
        tpu.wait_dma2 semaphore(%run_scoped3A_38 : memref<!tpu.dma_semaphore, #tpu.memory_space<semaphore_mem>>) src(%dma_wait3A_61 : memref<124x80xi32, #tpu.memory_space<hbm>>) dst(%dma_wait3A_58 : memref<124x80xi32, #tpu.memory_space<vmem>>)
        tpu.yield
      }) : () -> ()
      %dma_start3A = arith.constant 0 : i32
      %dma_start3A_11 = arith.constant 0 : i32
      %dma_start3A_12 = arith.constant 0 : i32
      %dma_start3A_13 = arith.constant 0 : i32
      %dma_start3A_14 = tpu.memref_slice %arg8[%dma_start3A_11, %dma_start3A_12, %dma_start3A_13] : memref<2x80x32xbf16, #tpu.memory_space<vmem>> -> memref<1x80x32xbf16, #tpu.memory_space<vmem>>
      %dma_start3A_15 = tpu.memref_squeeze %dma_start3A_14 : memref<1x80x32xbf16, #tpu.memory_space<vmem>> -> memref<80x32xbf16, #tpu.memory_space<vmem>>
      %dma_start3A_16 = arith.constant 0 : i32
      %dma_start3A_17 = tpu.memref_slice %arg6[%dma_start3A, %dma_start3A_16] : memref<126x80xi32, #tpu.memory_space<vmem>> -> memref<1x80xi32, #tpu.memory_space<vmem>>
      %dma_start3A_18 = tpu.memref_squeeze %dma_start3A_17 : memref<1x80xi32, #tpu.memory_space<vmem>> -> memref<80xi32, #tpu.memory_space<vmem>>
      %dma_start3A_19 = arith.constant 0 : i32
      %dma_start3A_20 = arith.constant 0 : i32
      %dma_start3A_21 = tpu.memref_slice %arg2[%dma_start3A_19, %dma_start3A_20] : memref<10000x32xbf16, #tpu.memory_space<hbm>> -> memref<10000x32xbf16, #tpu.memory_space<hbm>>
      tpu.enqueue_indirect_dma source(%dma_start3A_21 : memref<10000x32xbf16, #tpu.memory_space<hbm>>) target(%dma_start3A_15 : memref<80x32xbf16, #tpu.memory_space<vmem>>) offsets(%dma_start3A_18 : memref<80xi32, #tpu.memory_space<vmem>>) semaphore(%arg10 : memref<!tpu.dma_semaphore, #tpu.memory_space<semaphore_mem>>)
      %dma_start3A_22 = arith.constant 1 : i32
      %dma_start3A_23 = arith.constant 1 : i32
      %dma_start3A_24 = arith.constant 0 : i32
      %dma_start3A_25 = arith.constant 0 : i32
      %dma_start3A_26 = tpu.memref_slice %arg8[%dma_start3A_23, %dma_start3A_24, %dma_start3A_25] : memref<2x80x32xbf16, #tpu.memory_space<vmem>> -> memref<1x80x32xbf16, #tpu.memory_space<vmem>>
      %dma_start3A_27 = tpu.memref_squeeze %dma_start3A_26 : memref<1x80x32xbf16, #tpu.memory_space<vmem>> -> memref<80x32xbf16, #tpu.memory_space<vmem>>
      %dma_start3A_28 = arith.constant 0 : i32
      %dma_start3A_29 = tpu.memref_slice %arg6[%dma_start3A_22, %dma_start3A_28] : memref<126x80xi32, #tpu.memory_space<vmem>> -> memref<1x80xi32, #tpu.memory_space<vmem>>
      %dma_start3A_30 = tpu.memref_squeeze %dma_start3A_29 : memref<1x80xi32, #tpu.memory_space<vmem>> -> memref<80xi32, #tpu.memory_space<vmem>>
      %dma_start3A_31 = arith.constant 0 : i32
      %dma_start3A_32 = arith.constant 0 : i32
      %dma_start3A_33 = tpu.memref_slice %arg2[%dma_start3A_31, %dma_start3A_32] : memref<10000x32xbf16, #tpu.memory_space<hbm>> -> memref<10000x32xbf16, #tpu.memory_space<hbm>>
      tpu.enqueue_indirect_dma source(%dma_start3A_33 : memref<10000x32xbf16, #tpu.memory_space<hbm>>) target(%dma_start3A_27 : memref<80x32xbf16, #tpu.memory_space<vmem>>) offsets(%dma_start3A_30 : memref<80xi32, #tpu.memory_space<vmem>>) semaphore(%arg11 : memref<!tpu.dma_semaphore, #tpu.memory_space<semaphore_mem>>)
      %scan3A = arith.constant 0 : i32
      %scan3A_34 = arith.constant 62 : i32
      %scan3A_35 = arith.addi %scan3A, %scan3A_34 : i32
      %scan3A_36 = arith.constant 1 : i32
      scf.for %scan3A_38 = %scan3A to %scan3A_35 step %scan3A_36  : i32 {
        %mul3A_39 = arith.constant 2 : i32
        %mul3A_40 = arith.muli %scan3A_38, %mul3A_39 : i32
        %add3A = arith.constant 0 : i32
        %add3A_41 = arith.addi %add3A, %mul3A_40 : i32
        %dma_wait3A = arith.constant 0 : i32
        %dma_wait3A_42 = arith.constant 0 : i32
        %dma_wait3A_43 = arith.constant 0 : i32
        %dma_wait3A_44 = tpu.memref_slice %arg8[%dma_wait3A, %dma_wait3A_42, %dma_wait3A_43] : memref<2x80x32xbf16, #tpu.memory_space<vmem>> -> memref<1x80x32xbf16, #tpu.memory_space<vmem>>
        %dma_wait3A_45 = tpu.memref_squeeze %dma_wait3A_44 : memref<1x80x32xbf16, #tpu.memory_space<vmem>> -> memref<80x32xbf16, #tpu.memory_space<vmem>>
        %dma_wait3A_46 = arith.constant 0 : i32
        %dma_wait3A_47 = tpu.memref_slice %arg6[%add3A_41, %dma_wait3A_46] : memref<126x80xi32, #tpu.memory_space<vmem>> -> memref<1x80xi32, #tpu.memory_space<vmem>>
        %dma_wait3A_48 = tpu.memref_squeeze %dma_wait3A_47 : memref<1x80xi32, #tpu.memory_space<vmem>> -> memref<80xi32, #tpu.memory_space<vmem>>
        %dma_wait3A_49 = arith.constant 0 : i32
        %dma_wait3A_50 = arith.constant 0 : i32
        %dma_wait3A_51 = tpu.memref_slice %arg2[%dma_wait3A_49, %dma_wait3A_50] : memref<10000x32xbf16, #tpu.memory_space<hbm>> -> memref<10000x32xbf16, #tpu.memory_space<hbm>>
        tpu.wait_indirect_dma semaphore(%arg10 : memref<!tpu.dma_semaphore, #tpu.memory_space<semaphore_mem>>) src(%dma_wait3A_51 : memref<10000x32xbf16, #tpu.memory_space<hbm>>) dst(%dma_wait3A_45 : memref<80x32xbf16, #tpu.memory_space<vmem>>)
        %dma_start3A_52 = arith.constant 0 : i32
        %dma_start3A_53 = arith.constant 0 : i32
        %dma_start3A_54 = arith.constant 0 : i32
        %dma_start3A_55 = tpu.memref_slice %arg8[%dma_start3A_52, %dma_start3A_53, %dma_start3A_54] : memref<2x80x32xbf16, #tpu.memory_space<vmem>> -> memref<1x80x32xbf16, #tpu.memory_space<vmem>>
        %dma_start3A_56 = tpu.memref_squeeze %dma_start3A_55 : memref<1x80x32xbf16, #tpu.memory_space<vmem>> -> memref<80x32xbf16, #tpu.memory_space<vmem>>
        %dma_start3A_57 = arith.constant 0 : i32
        %dma_start3A_58 = tpu.memref_slice %arg7[%add3A_41, %dma_start3A_57] : memref<126x80xi32, #tpu.memory_space<vmem>> -> memref<1x80xi32, #tpu.memory_space<vmem>>
        %dma_start3A_59 = tpu.memref_squeeze %dma_start3A_58 : memref<1x80xi32, #tpu.memory_space<vmem>> -> memref<80xi32, #tpu.memory_space<vmem>>
        %dma_start3A_60 = arith.constant 0 : i32
        %dma_start3A_61 = arith.constant 0 : i32
        %dma_start3A_62 = tpu.memref_slice %arg9[%dma_start3A_60, %dma_start3A_61] : memref<10240x32xbf16, #tpu.memory_space<vmem_shared>> -> memref<10240x32xbf16, #tpu.memory_space<vmem_shared>>
        tpu.enqueue_indirect_dma source(%dma_start3A_56 : memref<80x32xbf16, #tpu.memory_space<vmem>>) target(%dma_start3A_62 : memref<10240x32xbf16, #tpu.memory_space<vmem_shared>>) offsets(%dma_start3A_59 : memref<80xi32, #tpu.memory_space<vmem>>) semaphore(%arg12 : memref<!tpu.dma_semaphore, #tpu.memory_space<semaphore_mem>>) {add = true}
        %add3A_63 = arith.constant 1 : i32
        %add3A_64 = arith.addi %add3A_41, %add3A_63 : i32
        %dma_wait3A_65 = arith.constant 1 : i32
        %dma_wait3A_66 = arith.constant 0 : i32
        %dma_wait3A_67 = arith.constant 0 : i32
        %dma_wait3A_68 = tpu.memref_slice %arg8[%dma_wait3A_65, %dma_wait3A_66, %dma_wait3A_67] : memref<2x80x32xbf16, #tpu.memory_space<vmem>> -> memref<1x80x32xbf16, #tpu.memory_space<vmem>>
        %dma_wait3A_69 = tpu.memref_squeeze %dma_wait3A_68 : memref<1x80x32xbf16, #tpu.memory_space<vmem>> -> memref<80x32xbf16, #tpu.memory_space<vmem>>
        %dma_wait3A_70 = arith.constant 0 : i32
        %dma_wait3A_71 = tpu.memref_slice %arg6[%add3A_64, %dma_wait3A_70] : memref<126x80xi32, #tpu.memory_space<vmem>> -> memref<1x80xi32, #tpu.memory_space<vmem>>
        %dma_wait3A_72 = tpu.memref_squeeze %dma_wait3A_71 : memref<1x80xi32, #tpu.memory_space<vmem>> -> memref<80xi32, #tpu.memory_space<vmem>>
        %dma_wait3A_73 = arith.constant 0 : i32
        %dma_wait3A_74 = arith.constant 0 : i32
        %dma_wait3A_75 = tpu.memref_slice %arg2[%dma_wait3A_73, %dma_wait3A_74] : memref<10000x32xbf16, #tpu.memory_space<hbm>> -> memref<10000x32xbf16, #tpu.memory_space<hbm>>
        tpu.wait_indirect_dma semaphore(%arg11 : memref<!tpu.dma_semaphore, #tpu.memory_space<semaphore_mem>>) src(%dma_wait3A_75 : memref<10000x32xbf16, #tpu.memory_space<hbm>>) dst(%dma_wait3A_69 : memref<80x32xbf16, #tpu.memory_space<vmem>>)
        %add3A_76 = arith.constant 1 : i32
        %add3A_77 = arith.addi %add3A_41, %add3A_76 : i32
        %dma_start3A_78 = arith.constant 1 : i32
        %dma_start3A_79 = arith.constant 0 : i32
        %dma_start3A_80 = arith.constant 0 : i32
        %dma_start3A_81 = tpu.memref_slice %arg8[%dma_start3A_78, %dma_start3A_79, %dma_start3A_80] : memref<2x80x32xbf16, #tpu.memory_space<vmem>> -> memref<1x80x32xbf16, #tpu.memory_space<vmem>>
        %dma_start3A_82 = tpu.memref_squeeze %dma_start3A_81 : memref<1x80x32xbf16, #tpu.memory_space<vmem>> -> memref<80x32xbf16, #tpu.memory_space<vmem>>
        %dma_start3A_83 = arith.constant 0 : i32
        %dma_start3A_84 = tpu.memref_slice %arg7[%add3A_77, %dma_start3A_83] : memref<126x80xi32, #tpu.memory_space<vmem>> -> memref<1x80xi32, #tpu.memory_space<vmem>>
        %dma_start3A_85 = tpu.memref_squeeze %dma_start3A_84 : memref<1x80xi32, #tpu.memory_space<vmem>> -> memref<80xi32, #tpu.memory_space<vmem>>
        %dma_start3A_86 = arith.constant 0 : i32
        %dma_start3A_87 = arith.constant 0 : i32
        %dma_start3A_88 = tpu.memref_slice %arg9[%dma_start3A_86, %dma_start3A_87] : memref<10240x32xbf16, #tpu.memory_space<vmem_shared>> -> memref<10240x32xbf16, #tpu.memory_space<vmem_shared>>
        tpu.enqueue_indirect_dma source(%dma_start3A_82 : memref<80x32xbf16, #tpu.memory_space<vmem>>) target(%dma_start3A_88 : memref<10240x32xbf16, #tpu.memory_space<vmem_shared>>) offsets(%dma_start3A_85 : memref<80xi32, #tpu.memory_space<vmem>>) semaphore(%arg13 : memref<!tpu.dma_semaphore, #tpu.memory_space<semaphore_mem>>) {add = true}
        %dma_wait3A_89 = arith.constant 0 : i32
        %dma_wait3A_90 = arith.constant 0 : i32
        %dma_wait3A_91 = arith.constant 0 : i32
        %dma_wait3A_92 = tpu.memref_slice %arg8[%dma_wait3A_89, %dma_wait3A_90, %dma_wait3A_91] : memref<2x80x32xbf16, #tpu.memory_space<vmem>> -> memref<1x80x32xbf16, #tpu.memory_space<vmem>>
        %dma_wait3A_93 = tpu.memref_squeeze %dma_wait3A_92 : memref<1x80x32xbf16, #tpu.memory_space<vmem>> -> memref<80x32xbf16, #tpu.memory_space<vmem>>
        %dma_wait3A_94 = arith.constant 0 : i32
        %dma_wait3A_95 = tpu.memref_slice %arg7[%add3A_41, %dma_wait3A_94] : memref<126x80xi32, #tpu.memory_space<vmem>> -> memref<1x80xi32, #tpu.memory_space<vmem>>
        %dma_wait3A_96 = tpu.memref_squeeze %dma_wait3A_95 : memref<1x80xi32, #tpu.memory_space<vmem>> -> memref<80xi32, #tpu.memory_space<vmem>>
        %dma_wait3A_97 = arith.constant 0 : i32
        %dma_wait3A_98 = arith.constant 0 : i32
        %dma_wait3A_99 = tpu.memref_slice %arg9[%dma_wait3A_97, %dma_wait3A_98] : memref<10240x32xbf16, #tpu.memory_space<vmem_shared>> -> memref<10240x32xbf16, #tpu.memory_space<vmem_shared>>
        tpu.wait_indirect_dma semaphore(%arg12 : memref<!tpu.dma_semaphore, #tpu.memory_space<semaphore_mem>>) src(%dma_wait3A_93 : memref<80x32xbf16, #tpu.memory_space<vmem>>) dst(%dma_wait3A_99 : memref<10240x32xbf16, #tpu.memory_space<vmem_shared>>)
        %add3A_100 = arith.constant 2 : i32
        %add3A_101 = arith.addi %add3A_41, %add3A_100 : i32
        %lt3A = arith.constant 124 : i32
        %lt3A_102 = arith.cmpi slt, %add3A_101, %lt3A : i32
        %convert_element_type3A_103 = arith.extui %lt3A_102 : i1 to i32
        %cond3A_104 = arith.constant 0 : i32
        %cond3A_105 = arith.cmpi ne, %convert_element_type3A_103, %cond3A_104 : i32
        scf.if %cond3A_105 {
          %add3A_126 = arith.constant 2 : i32
          %add3A_127 = arith.addi %add3A_41, %add3A_126 : i32
          %dma_start3A_128 = arith.constant 0 : i32
          %dma_start3A_129 = arith.constant 0 : i32
          %dma_start3A_130 = arith.constant 0 : i32
          %dma_start3A_131 = tpu.memref_slice %arg8[%dma_start3A_128, %dma_start3A_129, %dma_start3A_130] : memref<2x80x32xbf16, #tpu.memory_space<vmem>> -> memref<1x80x32xbf16, #tpu.memory_space<vmem>>
          %dma_start3A_132 = tpu.memref_squeeze %dma_start3A_131 : memref<1x80x32xbf16, #tpu.memory_space<vmem>> -> memref<80x32xbf16, #tpu.memory_space<vmem>>
          %dma_start3A_133 = arith.constant 0 : i32
          %dma_start3A_134 = tpu.memref_slice %arg6[%add3A_127, %dma_start3A_133] : memref<126x80xi32, #tpu.memory_space<vmem>> -> memref<1x80xi32, #tpu.memory_space<vmem>>
          %dma_start3A_135 = tpu.memref_squeeze %dma_start3A_134 : memref<1x80xi32, #tpu.memory_space<vmem>> -> memref<80xi32, #tpu.memory_space<vmem>>
          %dma_start3A_136 = arith.constant 0 : i32
          %dma_start3A_137 = arith.constant 0 : i32
          %dma_start3A_138 = tpu.memref_slice %arg2[%dma_start3A_136, %dma_start3A_137] : memref<10000x32xbf16, #tpu.memory_space<hbm>> -> memref<10000x32xbf16, #tpu.memory_space<hbm>>
          tpu.enqueue_indirect_dma source(%dma_start3A_138 : memref<10000x32xbf16, #tpu.memory_space<hbm>>) target(%dma_start3A_132 : memref<80x32xbf16, #tpu.memory_space<vmem>>) offsets(%dma_start3A_135 : memref<80xi32, #tpu.memory_space<vmem>>) semaphore(%arg10 : memref<!tpu.dma_semaphore, #tpu.memory_space<semaphore_mem>>)
        } else {
        }
        %add3A_106 = arith.constant 1 : i32
        %add3A_107 = arith.addi %add3A_41, %add3A_106 : i32
        %dma_wait3A_108 = arith.constant 1 : i32
        %dma_wait3A_109 = arith.constant 0 : i32
        %dma_wait3A_110 = arith.constant 0 : i32
        %dma_wait3A_111 = tpu.memref_slice %arg8[%dma_wait3A_108, %dma_wait3A_109, %dma_wait3A_110] : memref<2x80x32xbf16, #tpu.memory_space<vmem>> -> memref<1x80x32xbf16, #tpu.memory_space<vmem>>
        %dma_wait3A_112 = tpu.memref_squeeze %dma_wait3A_111 : memref<1x80x32xbf16, #tpu.memory_space<vmem>> -> memref<80x32xbf16, #tpu.memory_space<vmem>>
        %dma_wait3A_113 = arith.constant 0 : i32
        %dma_wait3A_114 = tpu.memref_slice %arg7[%add3A_107, %dma_wait3A_113] : memref<126x80xi32, #tpu.memory_space<vmem>> -> memref<1x80xi32, #tpu.memory_space<vmem>>
        %dma_wait3A_115 = tpu.memref_squeeze %dma_wait3A_114 : memref<1x80xi32, #tpu.memory_space<vmem>> -> memref<80xi32, #tpu.memory_space<vmem>>
        %dma_wait3A_116 = arith.constant 0 : i32
        %dma_wait3A_117 = arith.constant 0 : i32
        %dma_wait3A_118 = tpu.memref_slice %arg9[%dma_wait3A_116, %dma_wait3A_117] : memref<10240x32xbf16, #tpu.memory_space<vmem_shared>> -> memref<10240x32xbf16, #tpu.memory_space<vmem_shared>>
        tpu.wait_indirect_dma semaphore(%arg13 : memref<!tpu.dma_semaphore, #tpu.memory_space<semaphore_mem>>) src(%dma_wait3A_112 : memref<80x32xbf16, #tpu.memory_space<vmem>>) dst(%dma_wait3A_118 : memref<10240x32xbf16, #tpu.memory_space<vmem_shared>>)
        %add3A_119 = arith.constant 3 : i32
        %add3A_120 = arith.addi %add3A_41, %add3A_119 : i32
        %lt3A_121 = arith.constant 124 : i32
        %lt3A_122 = arith.cmpi slt, %add3A_120, %lt3A_121 : i32
        %convert_element_type3A_123 = arith.extui %lt3A_122 : i1 to i32
        %cond3A_124 = arith.constant 0 : i32
        %cond3A_125 = arith.cmpi ne, %convert_element_type3A_123, %cond3A_124 : i32
        scf.if %cond3A_125 {
          %add3A_126 = arith.constant 3 : i32
          %add3A_127 = arith.addi %add3A_41, %add3A_126 : i32
          %dma_start3A_128 = arith.constant 1 : i32
          %dma_start3A_129 = arith.constant 0 : i32
          %dma_start3A_130 = arith.constant 0 : i32
          %dma_start3A_131 = tpu.memref_slice %arg8[%dma_start3A_128, %dma_start3A_129, %dma_start3A_130] : memref<2x80x32xbf16, #tpu.memory_space<vmem>> -> memref<1x80x32xbf16, #tpu.memory_space<vmem>>
          %dma_start3A_132 = tpu.memref_squeeze %dma_start3A_131 : memref<1x80x32xbf16, #tpu.memory_space<vmem>> -> memref<80x32xbf16, #tpu.memory_space<vmem>>
          %dma_start3A_133 = arith.constant 0 : i32
          %dma_start3A_134 = tpu.memref_slice %arg6[%add3A_127, %dma_start3A_133] : memref<126x80xi32, #tpu.memory_space<vmem>> -> memref<1x80xi32, #tpu.memory_space<vmem>>
          %dma_start3A_135 = tpu.memref_squeeze %dma_start3A_134 : memref<1x80xi32, #tpu.memory_space<vmem>> -> memref<80xi32, #tpu.memory_space<vmem>>
          %dma_start3A_136 = arith.constant 0 : i32
          %dma_start3A_137 = arith.constant 0 : i32
          %dma_start3A_138 = tpu.memref_slice %arg2[%dma_start3A_136, %dma_start3A_137] : memref<10000x32xbf16, #tpu.memory_space<hbm>> -> memref<10000x32xbf16, #tpu.memory_space<hbm>>
          tpu.enqueue_indirect_dma source(%dma_start3A_138 : memref<10000x32xbf16, #tpu.memory_space<hbm>>) target(%dma_start3A_132 : memref<80x32xbf16, #tpu.memory_space<vmem>>) offsets(%dma_start3A_135 : memref<80xi32, #tpu.memory_space<vmem>>) semaphore(%arg11 : memref<!tpu.dma_semaphore, #tpu.memory_space<semaphore_mem>>)
        } else {
        }
      }
      %scan3A_37 = arith.constant 62 : i32
    } else {
    }
    %eq3A_3 = arith.constant 1 : i32
    %eq3A_4 = arith.cmpi eq, %arg0, %eq3A_3 : i32
    %convert_element_type3A_5 = arith.extui %eq3A_4 : i1 to i32
    %cond3A_6 = arith.constant 0 : i32
    %cond3A_7 = arith.cmpi ne, %convert_element_type3A_5, %cond3A_6 : i32
    scf.if %cond3A_7 {
      %mul3A_8 = arith.constant 250 : i32
      %mul3A_9 = arith.muli %arg1, %mul3A_8 : i32
      %add3A = arith.constant 124 : i32
      %add3A_10 = arith.addi %mul3A_9, %add3A : i32
      %run_scoped3A = arith.constant 0 : i32
      "tpu.region"() ({
        %run_scoped3A_39 = tpu.sem_alloc : memref<!tpu.dma_semaphore, #tpu.memory_space<semaphore_mem>>
        %dma_start3A_40 = arith.constant 0 : i32
        %dma_start3A_41 = arith.constant 0 : i32
        %dma_start3A_42 = tpu.memref_slice %arg6[%dma_start3A_40, %dma_start3A_41] : memref<126x80xi32, #tpu.memory_space<vmem>> -> memref<126x80xi32, #tpu.memory_space<vmem>>
        %dma_start3A_43 = arith.constant 0 : i32
        %dma_start3A_44 = tpu.memref_slice %arg3[%run_scoped3A, %add3A_10, %dma_start3A_43] : memref<2x4000x80xi32, #tpu.memory_space<hbm>> -> memref<1x126x80xi32, #tpu.memory_space<hbm>>
        %dma_start3A_45 = tpu.memref_squeeze %dma_start3A_44 : memref<1x126x80xi32, #tpu.memory_space<hbm>> -> memref<126x80xi32, #tpu.memory_space<hbm>>
        %dma_start3A_46 = arith.constant 0 : i32
        %dma_start3A_47 = arith.constant 0 : i32
        %dma_start3A_48 = tpu.memref_slice %arg6[%dma_start3A_46, %dma_start3A_47] : memref<126x80xi32, #tpu.memory_space<vmem>> -> memref<126x80xi32, #tpu.memory_space<vmem>>
        %dma_start3A_49 = arith.constant 0 : i32
        %dma_start3A_50 = tpu.memref_slice %arg3[%run_scoped3A, %add3A_10, %dma_start3A_49] : memref<2x4000x80xi32, #tpu.memory_space<hbm>> -> memref<1x126x80xi32, #tpu.memory_space<hbm>>
        %dma_start3A_51 = tpu.memref_squeeze %dma_start3A_50 : memref<1x126x80xi32, #tpu.memory_space<hbm>> -> memref<126x80xi32, #tpu.memory_space<hbm>>
        tpu.enqueue_dma source(%dma_start3A_51 : memref<126x80xi32, #tpu.memory_space<hbm>>) target(%dma_start3A_48 : memref<126x80xi32, #tpu.memory_space<vmem>>) target_semaphore(%run_scoped3A_39 : memref<!tpu.dma_semaphore, #tpu.memory_space<semaphore_mem>>)
        %dma_wait3A = arith.constant 0 : i32
        %dma_wait3A_52 = arith.constant 0 : i32
        %dma_wait3A_53 = tpu.memref_slice %arg6[%dma_wait3A, %dma_wait3A_52] : memref<126x80xi32, #tpu.memory_space<vmem>> -> memref<126x80xi32, #tpu.memory_space<vmem>>
        %dma_wait3A_54 = arith.constant 0 : i32
        %dma_wait3A_55 = tpu.memref_slice %arg3[%run_scoped3A, %add3A_10, %dma_wait3A_54] : memref<2x4000x80xi32, #tpu.memory_space<hbm>> -> memref<1x126x80xi32, #tpu.memory_space<hbm>>
        %dma_wait3A_56 = tpu.memref_squeeze %dma_wait3A_55 : memref<1x126x80xi32, #tpu.memory_space<hbm>> -> memref<126x80xi32, #tpu.memory_space<hbm>>
        %dma_wait3A_57 = arith.constant 0 : i32
        %dma_wait3A_58 = arith.constant 0 : i32
        %dma_wait3A_59 = tpu.memref_slice %arg6[%dma_wait3A_57, %dma_wait3A_58] : memref<126x80xi32, #tpu.memory_space<vmem>> -> memref<126x80xi32, #tpu.memory_space<vmem>>
        %dma_wait3A_60 = arith.constant 0 : i32
        %dma_wait3A_61 = tpu.memref_slice %arg3[%run_scoped3A, %add3A_10, %dma_wait3A_60] : memref<2x4000x80xi32, #tpu.memory_space<hbm>> -> memref<1x126x80xi32, #tpu.memory_space<hbm>>
        %dma_wait3A_62 = tpu.memref_squeeze %dma_wait3A_61 : memref<1x126x80xi32, #tpu.memory_space<hbm>> -> memref<126x80xi32, #tpu.memory_space<hbm>>
        tpu.wait_dma2 semaphore(%run_scoped3A_39 : memref<!tpu.dma_semaphore, #tpu.memory_space<semaphore_mem>>) src(%dma_wait3A_62 : memref<126x80xi32, #tpu.memory_space<hbm>>) dst(%dma_wait3A_59 : memref<126x80xi32, #tpu.memory_space<vmem>>)
        tpu.yield
      }) : () -> ()
      %run_scoped3A_11 = arith.constant 1 : i32
      "tpu.region"() ({
        %run_scoped3A_39 = tpu.sem_alloc : memref<!tpu.dma_semaphore, #tpu.memory_space<semaphore_mem>>
        %dma_start3A_40 = arith.constant 0 : i32
        %dma_start3A_41 = arith.constant 0 : i32
        %dma_start3A_42 = tpu.memref_slice %arg7[%dma_start3A_40, %dma_start3A_41] : memref<126x80xi32, #tpu.memory_space<vmem>> -> memref<126x80xi32, #tpu.memory_space<vmem>>
        %dma_start3A_43 = arith.constant 0 : i32
        %dma_start3A_44 = tpu.memref_slice %arg3[%run_scoped3A_11, %add3A_10, %dma_start3A_43] : memref<2x4000x80xi32, #tpu.memory_space<hbm>> -> memref<1x126x80xi32, #tpu.memory_space<hbm>>
        %dma_start3A_45 = tpu.memref_squeeze %dma_start3A_44 : memref<1x126x80xi32, #tpu.memory_space<hbm>> -> memref<126x80xi32, #tpu.memory_space<hbm>>
        %dma_start3A_46 = arith.constant 0 : i32
        %dma_start3A_47 = arith.constant 0 : i32
        %dma_start3A_48 = tpu.memref_slice %arg7[%dma_start3A_46, %dma_start3A_47] : memref<126x80xi32, #tpu.memory_space<vmem>> -> memref<126x80xi32, #tpu.memory_space<vmem>>
        %dma_start3A_49 = arith.constant 0 : i32
        %dma_start3A_50 = tpu.memref_slice %arg3[%run_scoped3A_11, %add3A_10, %dma_start3A_49] : memref<2x4000x80xi32, #tpu.memory_space<hbm>> -> memref<1x126x80xi32, #tpu.memory_space<hbm>>
        %dma_start3A_51 = tpu.memref_squeeze %dma_start3A_50 : memref<1x126x80xi32, #tpu.memory_space<hbm>> -> memref<126x80xi32, #tpu.memory_space<hbm>>
        tpu.enqueue_dma source(%dma_start3A_51 : memref<126x80xi32, #tpu.memory_space<hbm>>) target(%dma_start3A_48 : memref<126x80xi32, #tpu.memory_space<vmem>>) target_semaphore(%run_scoped3A_39 : memref<!tpu.dma_semaphore, #tpu.memory_space<semaphore_mem>>)
        %dma_wait3A = arith.constant 0 : i32
        %dma_wait3A_52 = arith.constant 0 : i32
        %dma_wait3A_53 = tpu.memref_slice %arg7[%dma_wait3A, %dma_wait3A_52] : memref<126x80xi32, #tpu.memory_space<vmem>> -> memref<126x80xi32, #tpu.memory_space<vmem>>
        %dma_wait3A_54 = arith.constant 0 : i32
        %dma_wait3A_55 = tpu.memref_slice %arg3[%run_scoped3A_11, %add3A_10, %dma_wait3A_54] : memref<2x4000x80xi32, #tpu.memory_space<hbm>> -> memref<1x126x80xi32, #tpu.memory_space<hbm>>
        %dma_wait3A_56 = tpu.memref_squeeze %dma_wait3A_55 : memref<1x126x80xi32, #tpu.memory_space<hbm>> -> memref<126x80xi32, #tpu.memory_space<hbm>>
        %dma_wait3A_57 = arith.constant 0 : i32
        %dma_wait3A_58 = arith.constant 0 : i32
        %dma_wait3A_59 = tpu.memref_slice %arg7[%dma_wait3A_57, %dma_wait3A_58] : memref<126x80xi32, #tpu.memory_space<vmem>> -> memref<126x80xi32, #tpu.memory_space<vmem>>
        %dma_wait3A_60 = arith.constant 0 : i32
        %dma_wait3A_61 = tpu.memref_slice %arg3[%run_scoped3A_11, %add3A_10, %dma_wait3A_60] : memref<2x4000x80xi32, #tpu.memory_space<hbm>> -> memref<1x126x80xi32, #tpu.memory_space<hbm>>
        %dma_wait3A_62 = tpu.memref_squeeze %dma_wait3A_61 : memref<1x126x80xi32, #tpu.memory_space<hbm>> -> memref<126x80xi32, #tpu.memory_space<hbm>>
        tpu.wait_dma2 semaphore(%run_scoped3A_39 : memref<!tpu.dma_semaphore, #tpu.memory_space<semaphore_mem>>) src(%dma_wait3A_62 : memref<126x80xi32, #tpu.memory_space<hbm>>) dst(%dma_wait3A_59 : memref<126x80xi32, #tpu.memory_space<vmem>>)
        tpu.yield
      }) : () -> ()
      %dma_start3A = arith.constant 0 : i32
      %dma_start3A_12 = arith.constant 0 : i32
      %dma_start3A_13 = arith.constant 0 : i32
      %dma_start3A_14 = arith.constant 0 : i32
      %dma_start3A_15 = tpu.memref_slice %arg8[%dma_start3A_12, %dma_start3A_13, %dma_start3A_14] : memref<2x80x32xbf16, #tpu.memory_space<vmem>> -> memref<1x80x32xbf16, #tpu.memory_space<vmem>>
      %dma_start3A_16 = tpu.memref_squeeze %dma_start3A_15 : memref<1x80x32xbf16, #tpu.memory_space<vmem>> -> memref<80x32xbf16, #tpu.memory_space<vmem>>
      %dma_start3A_17 = arith.constant 0 : i32
      %dma_start3A_18 = tpu.memref_slice %arg6[%dma_start3A, %dma_start3A_17] : memref<126x80xi32, #tpu.memory_space<vmem>> -> memref<1x80xi32, #tpu.memory_space<vmem>>
      %dma_start3A_19 = tpu.memref_squeeze %dma_start3A_18 : memref<1x80xi32, #tpu.memory_space<vmem>> -> memref<80xi32, #tpu.memory_space<vmem>>
      %dma_start3A_20 = arith.constant 0 : i32
      %dma_start3A_21 = arith.constant 0 : i32
      %dma_start3A_22 = tpu.memref_slice %arg2[%dma_start3A_20, %dma_start3A_21] : memref<10000x32xbf16, #tpu.memory_space<hbm>> -> memref<10000x32xbf16, #tpu.memory_space<hbm>>
      tpu.enqueue_indirect_dma source(%dma_start3A_22 : memref<10000x32xbf16, #tpu.memory_space<hbm>>) target(%dma_start3A_16 : memref<80x32xbf16, #tpu.memory_space<vmem>>) offsets(%dma_start3A_19 : memref<80xi32, #tpu.memory_space<vmem>>) semaphore(%arg10 : memref<!tpu.dma_semaphore, #tpu.memory_space<semaphore_mem>>)
      %dma_start3A_23 = arith.constant 1 : i32
      %dma_start3A_24 = arith.constant 1 : i32
      %dma_start3A_25 = arith.constant 0 : i32
      %dma_start3A_26 = arith.constant 0 : i32
      %dma_start3A_27 = tpu.memref_slice %arg8[%dma_start3A_24, %dma_start3A_25, %dma_start3A_26] : memref<2x80x32xbf16, #tpu.memory_space<vmem>> -> memref<1x80x32xbf16, #tpu.memory_space<vmem>>
      %dma_start3A_28 = tpu.memref_squeeze %dma_start3A_27 : memref<1x80x32xbf16, #tpu.memory_space<vmem>> -> memref<80x32xbf16, #tpu.memory_space<vmem>>
      %dma_start3A_29 = arith.constant 0 : i32
      %dma_start3A_30 = tpu.memref_slice %arg6[%dma_start3A_23, %dma_start3A_29] : memref<126x80xi32, #tpu.memory_space<vmem>> -> memref<1x80xi32, #tpu.memory_space<vmem>>
      %dma_start3A_31 = tpu.memref_squeeze %dma_start3A_30 : memref<1x80xi32, #tpu.memory_space<vmem>> -> memref<80xi32, #tpu.memory_space<vmem>>
      %dma_start3A_32 = arith.constant 0 : i32
      %dma_start3A_33 = arith.constant 0 : i32
      %dma_start3A_34 = tpu.memref_slice %arg2[%dma_start3A_32, %dma_start3A_33] : memref<10000x32xbf16, #tpu.memory_space<hbm>> -> memref<10000x32xbf16, #tpu.memory_space<hbm>>
      tpu.enqueue_indirect_dma source(%dma_start3A_34 : memref<10000x32xbf16, #tpu.memory_space<hbm>>) target(%dma_start3A_28 : memref<80x32xbf16, #tpu.memory_space<vmem>>) offsets(%dma_start3A_31 : memref<80xi32, #tpu.memory_space<vmem>>) semaphore(%arg11 : memref<!tpu.dma_semaphore, #tpu.memory_space<semaphore_mem>>)
      %scan3A = arith.constant 0 : i32
      %scan3A_35 = arith.constant 63 : i32
      %scan3A_36 = arith.addi %scan3A, %scan3A_35 : i32
      %scan3A_37 = arith.constant 1 : i32
      scf.for %scan3A_39 = %scan3A to %scan3A_36 step %scan3A_37  : i32 {
        %mul3A_40 = arith.constant 2 : i32
        %mul3A_41 = arith.muli %scan3A_39, %mul3A_40 : i32
        %add3A_42 = arith.constant 0 : i32
        %add3A_43 = arith.addi %add3A_42, %mul3A_41 : i32
        %dma_wait3A = arith.constant 0 : i32
        %dma_wait3A_44 = arith.constant 0 : i32
        %dma_wait3A_45 = arith.constant 0 : i32
        %dma_wait3A_46 = tpu.memref_slice %arg8[%dma_wait3A, %dma_wait3A_44, %dma_wait3A_45] : memref<2x80x32xbf16, #tpu.memory_space<vmem>> -> memref<1x80x32xbf16, #tpu.memory_space<vmem>>
        %dma_wait3A_47 = tpu.memref_squeeze %dma_wait3A_46 : memref<1x80x32xbf16, #tpu.memory_space<vmem>> -> memref<80x32xbf16, #tpu.memory_space<vmem>>
        %dma_wait3A_48 = arith.constant 0 : i32
        %dma_wait3A_49 = tpu.memref_slice %arg6[%add3A_43, %dma_wait3A_48] : memref<126x80xi32, #tpu.memory_space<vmem>> -> memref<1x80xi32, #tpu.memory_space<vmem>>
        %dma_wait3A_50 = tpu.memref_squeeze %dma_wait3A_49 : memref<1x80xi32, #tpu.memory_space<vmem>> -> memref<80xi32, #tpu.memory_space<vmem>>
        %dma_wait3A_51 = arith.constant 0 : i32
        %dma_wait3A_52 = arith.constant 0 : i32
        %dma_wait3A_53 = tpu.memref_slice %arg2[%dma_wait3A_51, %dma_wait3A_52] : memref<10000x32xbf16, #tpu.memory_space<hbm>> -> memref<10000x32xbf16, #tpu.memory_space<hbm>>
        tpu.wait_indirect_dma semaphore(%arg10 : memref<!tpu.dma_semaphore, #tpu.memory_space<semaphore_mem>>) src(%dma_wait3A_53 : memref<10000x32xbf16, #tpu.memory_space<hbm>>) dst(%dma_wait3A_47 : memref<80x32xbf16, #tpu.memory_space<vmem>>)
        %dma_start3A_54 = arith.constant 0 : i32
        %dma_start3A_55 = arith.constant 0 : i32
        %dma_start3A_56 = arith.constant 0 : i32
        %dma_start3A_57 = tpu.memref_slice %arg8[%dma_start3A_54, %dma_start3A_55, %dma_start3A_56] : memref<2x80x32xbf16, #tpu.memory_space<vmem>> -> memref<1x80x32xbf16, #tpu.memory_space<vmem>>
        %dma_start3A_58 = tpu.memref_squeeze %dma_start3A_57 : memref<1x80x32xbf16, #tpu.memory_space<vmem>> -> memref<80x32xbf16, #tpu.memory_space<vmem>>
        %dma_start3A_59 = arith.constant 0 : i32
        %dma_start3A_60 = tpu.memref_slice %arg7[%add3A_43, %dma_start3A_59] : memref<126x80xi32, #tpu.memory_space<vmem>> -> memref<1x80xi32, #tpu.memory_space<vmem>>
        %dma_start3A_61 = tpu.memref_squeeze %dma_start3A_60 : memref<1x80xi32, #tpu.memory_space<vmem>> -> memref<80xi32, #tpu.memory_space<vmem>>
        %dma_start3A_62 = arith.constant 0 : i32
        %dma_start3A_63 = arith.constant 0 : i32
        %dma_start3A_64 = tpu.memref_slice %arg9[%dma_start3A_62, %dma_start3A_63] : memref<10240x32xbf16, #tpu.memory_space<vmem_shared>> -> memref<10240x32xbf16, #tpu.memory_space<vmem_shared>>
        tpu.enqueue_indirect_dma source(%dma_start3A_58 : memref<80x32xbf16, #tpu.memory_space<vmem>>) target(%dma_start3A_64 : memref<10240x32xbf16, #tpu.memory_space<vmem_shared>>) offsets(%dma_start3A_61 : memref<80xi32, #tpu.memory_space<vmem>>) semaphore(%arg12 : memref<!tpu.dma_semaphore, #tpu.memory_space<semaphore_mem>>) {add = true}
        %add3A_65 = arith.constant 1 : i32
        %add3A_66 = arith.addi %add3A_43, %add3A_65 : i32
        %dma_wait3A_67 = arith.constant 1 : i32
        %dma_wait3A_68 = arith.constant 0 : i32
        %dma_wait3A_69 = arith.constant 0 : i32
        %dma_wait3A_70 = tpu.memref_slice %arg8[%dma_wait3A_67, %dma_wait3A_68, %dma_wait3A_69] : memref<2x80x32xbf16, #tpu.memory_space<vmem>> -> memref<1x80x32xbf16, #tpu.memory_space<vmem>>
        %dma_wait3A_71 = tpu.memref_squeeze %dma_wait3A_70 : memref<1x80x32xbf16, #tpu.memory_space<vmem>> -> memref<80x32xbf16, #tpu.memory_space<vmem>>
        %dma_wait3A_72 = arith.constant 0 : i32
        %dma_wait3A_73 = tpu.memref_slice %arg6[%add3A_66, %dma_wait3A_72] : memref<126x80xi32, #tpu.memory_space<vmem>> -> memref<1x80xi32, #tpu.memory_space<vmem>>
        %dma_wait3A_74 = tpu.memref_squeeze %dma_wait3A_73 : memref<1x80xi32, #tpu.memory_space<vmem>> -> memref<80xi32, #tpu.memory_space<vmem>>
        %dma_wait3A_75 = arith.constant 0 : i32
        %dma_wait3A_76 = arith.constant 0 : i32
        %dma_wait3A_77 = tpu.memref_slice %arg2[%dma_wait3A_75, %dma_wait3A_76] : memref<10000x32xbf16, #tpu.memory_space<hbm>> -> memref<10000x32xbf16, #tpu.memory_space<hbm>>
        tpu.wait_indirect_dma semaphore(%arg11 : memref<!tpu.dma_semaphore, #tpu.memory_space<semaphore_mem>>) src(%dma_wait3A_77 : memref<10000x32xbf16, #tpu.memory_space<hbm>>) dst(%dma_wait3A_71 : memref<80x32xbf16, #tpu.memory_space<vmem>>)
        %add3A_78 = arith.constant 1 : i32
        %add3A_79 = arith.addi %add3A_43, %add3A_78 : i32
        %dma_start3A_80 = arith.constant 1 : i32
        %dma_start3A_81 = arith.constant 0 : i32
        %dma_start3A_82 = arith.constant 0 : i32
        %dma_start3A_83 = tpu.memref_slice %arg8[%dma_start3A_80, %dma_start3A_81, %dma_start3A_82] : memref<2x80x32xbf16, #tpu.memory_space<vmem>> -> memref<1x80x32xbf16, #tpu.memory_space<vmem>>
        %dma_start3A_84 = tpu.memref_squeeze %dma_start3A_83 : memref<1x80x32xbf16, #tpu.memory_space<vmem>> -> memref<80x32xbf16, #tpu.memory_space<vmem>>
        %dma_start3A_85 = arith.constant 0 : i32
        %dma_start3A_86 = tpu.memref_slice %arg7[%add3A_79, %dma_start3A_85] : memref<126x80xi32, #tpu.memory_space<vmem>> -> memref<1x80xi32, #tpu.memory_space<vmem>>
        %dma_start3A_87 = tpu.memref_squeeze %dma_start3A_86 : memref<1x80xi32, #tpu.memory_space<vmem>> -> memref<80xi32, #tpu.memory_space<vmem>>
        %dma_start3A_88 = arith.constant 0 : i32
        %dma_start3A_89 = arith.constant 0 : i32
        %dma_start3A_90 = tpu.memref_slice %arg9[%dma_start3A_88, %dma_start3A_89] : memref<10240x32xbf16, #tpu.memory_space<vmem_shared>> -> memref<10240x32xbf16, #tpu.memory_space<vmem_shared>>
        tpu.enqueue_indirect_dma source(%dma_start3A_84 : memref<80x32xbf16, #tpu.memory_space<vmem>>) target(%dma_start3A_90 : memref<10240x32xbf16, #tpu.memory_space<vmem_shared>>) offsets(%dma_start3A_87 : memref<80xi32, #tpu.memory_space<vmem>>) semaphore(%arg13 : memref<!tpu.dma_semaphore, #tpu.memory_space<semaphore_mem>>) {add = true}
        %dma_wait3A_91 = arith.constant 0 : i32
        %dma_wait3A_92 = arith.constant 0 : i32
        %dma_wait3A_93 = arith.constant 0 : i32
        %dma_wait3A_94 = tpu.memref_slice %arg8[%dma_wait3A_91, %dma_wait3A_92, %dma_wait3A_93] : memref<2x80x32xbf16, #tpu.memory_space<vmem>> -> memref<1x80x32xbf16, #tpu.memory_space<vmem>>
        %dma_wait3A_95 = tpu.memref_squeeze %dma_wait3A_94 : memref<1x80x32xbf16, #tpu.memory_space<vmem>> -> memref<80x32xbf16, #tpu.memory_space<vmem>>
        %dma_wait3A_96 = arith.constant 0 : i32
        %dma_wait3A_97 = tpu.memref_slice %arg7[%add3A_43, %dma_wait3A_96] : memref<126x80xi32, #tpu.memory_space<vmem>> -> memref<1x80xi32, #tpu.memory_space<vmem>>
        %dma_wait3A_98 = tpu.memref_squeeze %dma_wait3A_97 : memref<1x80xi32, #tpu.memory_space<vmem>> -> memref<80xi32, #tpu.memory_space<vmem>>
        %dma_wait3A_99 = arith.constant 0 : i32
        %dma_wait3A_100 = arith.constant 0 : i32
        %dma_wait3A_101 = tpu.memref_slice %arg9[%dma_wait3A_99, %dma_wait3A_100] : memref<10240x32xbf16, #tpu.memory_space<vmem_shared>> -> memref<10240x32xbf16, #tpu.memory_space<vmem_shared>>
        tpu.wait_indirect_dma semaphore(%arg12 : memref<!tpu.dma_semaphore, #tpu.memory_space<semaphore_mem>>) src(%dma_wait3A_95 : memref<80x32xbf16, #tpu.memory_space<vmem>>) dst(%dma_wait3A_101 : memref<10240x32xbf16, #tpu.memory_space<vmem_shared>>)
        %add3A_102 = arith.constant 2 : i32
        %add3A_103 = arith.addi %add3A_43, %add3A_102 : i32
        %lt3A = arith.constant 126 : i32
        %lt3A_104 = arith.cmpi slt, %add3A_103, %lt3A : i32
        %convert_element_type3A_105 = arith.extui %lt3A_104 : i1 to i32
        %cond3A_106 = arith.constant 0 : i32
        %cond3A_107 = arith.cmpi ne, %convert_element_type3A_105, %cond3A_106 : i32
        scf.if %cond3A_107 {
          %add3A_128 = arith.constant 2 : i32
          %add3A_129 = arith.addi %add3A_43, %add3A_128 : i32
          %dma_start3A_130 = arith.constant 0 : i32
          %dma_start3A_131 = arith.constant 0 : i32
          %dma_start3A_132 = arith.constant 0 : i32
          %dma_start3A_133 = tpu.memref_slice %arg8[%dma_start3A_130, %dma_start3A_131, %dma_start3A_132] : memref<2x80x32xbf16, #tpu.memory_space<vmem>> -> memref<1x80x32xbf16, #tpu.memory_space<vmem>>
          %dma_start3A_134 = tpu.memref_squeeze %dma_start3A_133 : memref<1x80x32xbf16, #tpu.memory_space<vmem>> -> memref<80x32xbf16, #tpu.memory_space<vmem>>
          %dma_start3A_135 = arith.constant 0 : i32
          %dma_start3A_136 = tpu.memref_slice %arg6[%add3A_129, %dma_start3A_135] : memref<126x80xi32, #tpu.memory_space<vmem>> -> memref<1x80xi32, #tpu.memory_space<vmem>>
          %dma_start3A_137 = tpu.memref_squeeze %dma_start3A_136 : memref<1x80xi32, #tpu.memory_space<vmem>> -> memref<80xi32, #tpu.memory_space<vmem>>
          %dma_start3A_138 = arith.constant 0 : i32
          %dma_start3A_139 = arith.constant 0 : i32
          %dma_start3A_140 = tpu.memref_slice %arg2[%dma_start3A_138, %dma_start3A_139] : memref<10000x32xbf16, #tpu.memory_space<hbm>> -> memref<10000x32xbf16, #tpu.memory_space<hbm>>
          tpu.enqueue_indirect_dma source(%dma_start3A_140 : memref<10000x32xbf16, #tpu.memory_space<hbm>>) target(%dma_start3A_134 : memref<80x32xbf16, #tpu.memory_space<vmem>>) offsets(%dma_start3A_137 : memref<80xi32, #tpu.memory_space<vmem>>) semaphore(%arg10 : memref<!tpu.dma_semaphore, #tpu.memory_space<semaphore_mem>>)
        } else {
        }
        %add3A_108 = arith.constant 1 : i32
        %add3A_109 = arith.addi %add3A_43, %add3A_108 : i32
        %dma_wait3A_110 = arith.constant 1 : i32
        %dma_wait3A_111 = arith.constant 0 : i32
        %dma_wait3A_112 = arith.constant 0 : i32
        %dma_wait3A_113 = tpu.memref_slice %arg8[%dma_wait3A_110, %dma_wait3A_111, %dma_wait3A_112] : memref<2x80x32xbf16, #tpu.memory_space<vmem>> -> memref<1x80x32xbf16, #tpu.memory_space<vmem>>
        %dma_wait3A_114 = tpu.memref_squeeze %dma_wait3A_113 : memref<1x80x32xbf16, #tpu.memory_space<vmem>> -> memref<80x32xbf16, #tpu.memory_space<vmem>>
        %dma_wait3A_115 = arith.constant 0 : i32
        %dma_wait3A_116 = tpu.memref_slice %arg7[%add3A_109, %dma_wait3A_115] : memref<126x80xi32, #tpu.memory_space<vmem>> -> memref<1x80xi32, #tpu.memory_space<vmem>>
        %dma_wait3A_117 = tpu.memref_squeeze %dma_wait3A_116 : memref<1x80xi32, #tpu.memory_space<vmem>> -> memref<80xi32, #tpu.memory_space<vmem>>
        %dma_wait3A_118 = arith.constant 0 : i32
        %dma_wait3A_119 = arith.constant 0 : i32
        %dma_wait3A_120 = tpu.memref_slice %arg9[%dma_wait3A_118, %dma_wait3A_119] : memref<10240x32xbf16, #tpu.memory_space<vmem_shared>> -> memref<10240x32xbf16, #tpu.memory_space<vmem_shared>>
        tpu.wait_indirect_dma semaphore(%arg13 : memref<!tpu.dma_semaphore, #tpu.memory_space<semaphore_mem>>) src(%dma_wait3A_114 : memref<80x32xbf16, #tpu.memory_space<vmem>>) dst(%dma_wait3A_120 : memref<10240x32xbf16, #tpu.memory_space<vmem_shared>>)
        %add3A_121 = arith.constant 3 : i32
        %add3A_122 = arith.addi %add3A_43, %add3A_121 : i32
        %lt3A_123 = arith.constant 126 : i32
        %lt3A_124 = arith.cmpi slt, %add3A_122, %lt3A_123 : i32
        %convert_element_type3A_125 = arith.extui %lt3A_124 : i1 to i32
        %cond3A_126 = arith.constant 0 : i32
        %cond3A_127 = arith.cmpi ne, %convert_element_type3A_125, %cond3A_126 : i32
        scf.if %cond3A_127 {
          %add3A_128 = arith.constant 3 : i32
          %add3A_129 = arith.addi %add3A_43, %add3A_128 : i32
          %dma_start3A_130 = arith.constant 1 : i32
          %dma_start3A_131 = arith.constant 0 : i32
          %dma_start3A_132 = arith.constant 0 : i32
          %dma_start3A_133 = tpu.memref_slice %arg8[%dma_start3A_130, %dma_start3A_131, %dma_start3A_132] : memref<2x80x32xbf16, #tpu.memory_space<vmem>> -> memref<1x80x32xbf16, #tpu.memory_space<vmem>>
          %dma_start3A_134 = tpu.memref_squeeze %dma_start3A_133 : memref<1x80x32xbf16, #tpu.memory_space<vmem>> -> memref<80x32xbf16, #tpu.memory_space<vmem>>
          %dma_start3A_135 = arith.constant 0 : i32
          %dma_start3A_136 = tpu.memref_slice %arg6[%add3A_129, %dma_start3A_135] : memref<126x80xi32, #tpu.memory_space<vmem>> -> memref<1x80xi32, #tpu.memory_space<vmem>>
          %dma_start3A_137 = tpu.memref_squeeze %dma_start3A_136 : memref<1x80xi32, #tpu.memory_space<vmem>> -> memref<80xi32, #tpu.memory_space<vmem>>
          %dma_start3A_138 = arith.constant 0 : i32
          %dma_start3A_139 = arith.constant 0 : i32
          %dma_start3A_140 = tpu.memref_slice %arg2[%dma_start3A_138, %dma_start3A_139] : memref<10000x32xbf16, #tpu.memory_space<hbm>> -> memref<10000x32xbf16, #tpu.memory_space<hbm>>
          tpu.enqueue_indirect_dma source(%dma_start3A_140 : memref<10000x32xbf16, #tpu.memory_space<hbm>>) target(%dma_start3A_134 : memref<80x32xbf16, #tpu.memory_space<vmem>>) offsets(%dma_start3A_137 : memref<80xi32, #tpu.memory_space<vmem>>) semaphore(%arg11 : memref<!tpu.dma_semaphore, #tpu.memory_space<semaphore_mem>>)
        } else {
        }
      }
      %scan3A_38 = arith.constant 63 : i32
    } else {
    }
    %barrier3A = arith.constant 0 : index
    tpu.barrier barrier_id(%barrier3A)
    "tpu.region"() ({
      %run_scoped3A = tpu.sem_alloc : memref<!tpu.dma_semaphore, #tpu.memory_space<semaphore_mem>>
      %dma_start3A = arith.constant 0 : i32
      %dma_start3A_8 = tpu.memref_slice %arg5[%arg0, %mul3A_0, %dma_start3A] : memref<2x10240x32xbf16, #tpu.memory_space<hbm>> -> memref<1x640x32xbf16, #tpu.memory_space<hbm>>
      %dma_start3A_9 = tpu.memref_squeeze %dma_start3A_8 : memref<1x640x32xbf16, #tpu.memory_space<hbm>> -> memref<640x32xbf16, #tpu.memory_space<hbm>>
      %dma_start3A_10 = arith.constant 0 : i32
      %dma_start3A_11 = tpu.memref_slice %arg9[%mul3A_0, %dma_start3A_10] : memref<10240x32xbf16, #tpu.memory_space<vmem_shared>> -> memref<640x32xbf16, #tpu.memory_space<vmem_shared>>
      tpu.enqueue_dma source(%dma_start3A_11 : memref<640x32xbf16, #tpu.memory_space<vmem_shared>>) target(%dma_start3A_9 : memref<640x32xbf16, #tpu.memory_space<hbm>>) target_semaphore(%run_scoped3A : memref<!tpu.dma_semaphore, #tpu.memory_space<semaphore_mem>>)
      %dma_wait3A = arith.constant 0 : i32
      %dma_wait3A_12 = tpu.memref_slice %arg5[%arg0, %mul3A_0, %dma_wait3A] : memref<2x10240x32xbf16, #tpu.memory_space<hbm>> -> memref<1x640x32xbf16, #tpu.memory_space<hbm>>
      %dma_wait3A_13 = tpu.memref_squeeze %dma_wait3A_12 : memref<1x640x32xbf16, #tpu.memory_space<hbm>> -> memref<640x32xbf16, #tpu.memory_space<hbm>>
      %dma_wait3A_14 = arith.constant 0 : i32
      %dma_wait3A_15 = tpu.memref_slice %arg9[%mul3A_0, %dma_wait3A_14] : memref<10240x32xbf16, #tpu.memory_space<vmem_shared>> -> memref<640x32xbf16, #tpu.memory_space<vmem_shared>>
      tpu.wait_dma2 semaphore(%run_scoped3A : memref<!tpu.dma_semaphore, #tpu.memory_space<semaphore_mem>>) src(%dma_wait3A_15 : memref<640x32xbf16, #tpu.memory_space<vmem_shared>>) dst(%dma_wait3A_13 : memref<640x32xbf16, #tpu.memory_space<hbm>>)
      tpu.yield
    }) : () -> ()
    return
  }
}

module attributes {stable_mosaic.version = 14 : i64} {
  func.func @_tc1_body(%arg0: memref<10000x128xf32, #tpu.memory_space<vmem>>, %arg1: memref<128x32xf32, #tpu.memory_space<vmem>>, %arg2: memref<10240x16xf32, #tpu.memory_space<vmem>>, %arg3: memref<10000x32xbf16, #tpu.memory_space<vmem>>) attributes {dimension_semantics = [], scalar_prefetch = 0 : i64, scratch_operands = 0 : i64, tpu.core_type = #tpu.core_type<tc>} {
    %get3A = arith.constant 0 : index
    %get3A_0 = arith.constant 0 : index
    %get3A_1 = vector.load %arg0[%get3A, %get3A_0] : memref<10000x128xf32, #tpu.memory_space<vmem>>, vector<10000x128xf32>
    %get3A_2 = arith.constant 0 : index
    %get3A_3 = arith.constant 0 : index
    %get3A_4 = vector.load %arg1[%get3A_2, %get3A_3] : memref<128x32xf32, #tpu.memory_space<vmem>>, vector<128x32xf32>
    %dot_general3A = arith.constant dense<0.000000e+00> : vector<10000x32xf32>
    %dot_general3A_5 = tpu.matmul %get3A_1, %get3A_4, %dot_general3A {dimension_numbers = #tpu.dot_dimension_numbers<[1], [0], [0], [1], [0, 0, 1, 1], [], []>, transpose_lhs_hint = false} : vector<10000x128xf32>, vector<128x32xf32>, vector<10000x32xf32> -> vector<10000x32xf32>
    %get3A_6 = arith.constant 0 : index
    %get3A_7 = arith.constant 0 : index
    %get3A_8 = vector.load %arg2[%get3A_6, %get3A_7] : memref<10240x16xf32, #tpu.memory_space<vmem>>, vector<10000x1xf32>
    %mul3A = vector.broadcast %get3A_8 : vector<10000x1xf32> to vector<10000x32xf32>
    %mul3A_9 = arith.mulf %dot_general3A_5, %mul3A : vector<10000x32xf32>
    %convert_element_type3A = arith.truncf %mul3A_9 : vector<10000x32xf32> to vector<10000x32xbf16>
    %swap3A = arith.constant 0 : index
    %swap3A_10 = arith.constant 0 : index
    %swap3A_11 = vector.load %arg3[%swap3A, %swap3A_10] : memref<10000x32xbf16, #tpu.memory_space<vmem>>, vector<10000x32xbf16>
    tpu.vector_store %arg3[%swap3A, %swap3A_10], %convert_element_type3A {strides = array<i32>} : memref<10000x32xbf16, #tpu.memory_space<vmem>>, vector<10000x32xbf16>,
    return
  }
}

module attributes {stable_mosaic.version = 14 : i64} {
  func.func @_tc2_body(%arg0: memref<2x10240x32xbf16, #tpu.memory_space<vmem>>, %arg1: memref<10000x32xbf16, #tpu.memory_space<vmem>>, %arg2: memref<10240x16xf32, #tpu.memory_space<vmem>>, %arg3: memref<32x16xf32, #tpu.memory_space<vmem>>, %arg4: memref<1x32xf32, #tpu.memory_space<vmem>>, %arg5: memref<10000x16xf32, #tpu.memory_space<vmem>>) attributes {dimension_semantics = [], scalar_prefetch = 0 : i64, scratch_operands = 0 : i64, tpu.core_type = #tpu.core_type<tc>} {
    %get3A = arith.constant 0 : index
    %get3A_0 = arith.constant 0 : index
    %get3A_1 = vector.load %arg2[%get3A, %get3A_0] : memref<10240x16xf32, #tpu.memory_space<vmem>>, vector<10000x1xf32>
    %get3A_2 = arith.constant 0 : index
    %get3A_3 = arith.constant 0 : index
    %get3A_4 = arith.constant 0 : index
    %get3A_5 = vector.load %arg0[%get3A_2, %get3A_3, %get3A_4] : memref<2x10240x32xbf16, #tpu.memory_space<vmem>>, vector<1x10000x32xbf16>
    %get3A_6 = vector.shape_cast %get3A_5 : vector<1x10000x32xbf16> to vector<10000x32xbf16>
    %convert_element_type3A = arith.extf %get3A_6 : vector<10000x32xbf16> to vector<10000x32xf32>
    %get3A_7 = arith.constant 1 : index
    %get3A_8 = arith.constant 0 : index
    %get3A_9 = arith.constant 0 : index
    %get3A_10 = vector.load %arg0[%get3A_7, %get3A_8, %get3A_9] : memref<2x10240x32xbf16, #tpu.memory_space<vmem>>, vector<1x10000x32xbf16>
    %get3A_11 = vector.shape_cast %get3A_10 : vector<1x10000x32xbf16> to vector<10000x32xbf16>
    %convert_element_type3A_12 = arith.extf %get3A_11 : vector<10000x32xbf16> to vector<10000x32xf32>
    %add3A = arith.addf %convert_element_type3A, %convert_element_type3A_12 : vector<10000x32xf32>
    %get3A_13 = arith.constant 0 : index
    %get3A_14 = arith.constant 0 : index
    %get3A_15 = vector.load %arg1[%get3A_13, %get3A_14] : memref<10000x32xbf16, #tpu.memory_space<vmem>>, vector<10000x32xbf16>
    %convert_element_type3A_16 = arith.extf %get3A_15 : vector<10000x32xbf16> to vector<10000x32xf32>
    %add3A_17 = arith.addf %add3A, %convert_element_type3A_16 : vector<10000x32xf32>
    %mul3A = vector.broadcast %get3A_1 : vector<10000x1xf32> to vector<10000x32xf32>
    %mul3A_18 = arith.mulf %add3A_17, %mul3A : vector<10000x32xf32>
    %get3A_19 = arith.constant 0 : index
    %get3A_20 = arith.constant 0 : index
    %get3A_21 = vector.load %arg4[%get3A_19, %get3A_20] : memref<1x32xf32, #tpu.memory_space<vmem>>, vector<1x32xf32>
    %add3A_22 = vector.broadcast %get3A_21 : vector<1x32xf32> to vector<10000x32xf32>
    %add3A_23 = arith.addf %mul3A_18, %add3A_22 : vector<10000x32xf32>
    %max3A = arith.constant 0.000000e+00 : f32
    %max3A_24 = vector.broadcast %max3A : f32 to vector<10000x32xf32>
    %max3A_25 = arith.maximumf %add3A_23, %max3A_24 : vector<10000x32xf32>
    %get3A_26 = arith.constant 0 : index
    %get3A_27 = arith.constant 0 : index
    %get3A_28 = vector.load %arg3[%get3A_26, %get3A_27] : memref<32x16xf32, #tpu.memory_space<vmem>>, vector<32x16xf32>
    %dot_general3A = arith.constant dense<0.000000e+00> : vector<10000x16xf32>
    %dot_general3A_29 = tpu.matmul %max3A_25, %get3A_28, %dot_general3A {dimension_numbers = #tpu.dot_dimension_numbers<[1], [0], [0], [1], [0, 0, 1, 1], [], []>, transpose_lhs_hint = false} : vector<10000x32xf32>, vector<32x16xf32>, vector<10000x16xf32> -> vector<10000x16xf32>
    %mul3A_30 = vector.broadcast %get3A_1 : vector<10000x1xf32> to vector<10000x16xf32>
    %mul3A_31 = arith.mulf %dot_general3A_29, %mul3A_30 : vector<10000x16xf32>
    %swap3A = arith.constant 0 : index
    %swap3A_32 = arith.constant 0 : index
    %swap3A_33 = vector.load %arg5[%swap3A, %swap3A_32] : memref<10000x16xf32, #tpu.memory_space<vmem>>, vector<10000x16xf32>
    tpu.vector_store %arg5[%swap3A, %swap3A_32], %mul3A_31 {strides = array<i32>} : memref<10000x16xf32, #tpu.memory_space<vmem>>, vector<10000x16xf32>,
    return
  }
}

module attributes {stable_mosaic.version = 14 : i64} {
  func.func @_tc3_body(%arg0: memref<2x10240x16xf32, #tpu.memory_space<vmem>>, %arg1: memref<10000x16xf32, #tpu.memory_space<vmem>>, %arg2: memref<10240x16xf32, #tpu.memory_space<vmem>>, %arg3: memref<16x1xf32, #tpu.memory_space<vmem>>, %arg4: memref<1x16xf32, #tpu.memory_space<vmem>>, %arg5: memref<1x1xf32, #tpu.memory_space<vmem>>, %arg6: memref<10000x1xf32, #tpu.memory_space<vmem>>) attributes {dimension_semantics = [], scalar_prefetch = 0 : i64, scratch_operands = 0 : i64, tpu.core_type = #tpu.core_type<tc>} {
    %get3A = arith.constant 0 : index
    %get3A_0 = arith.constant 0 : index
    %get3A_1 = arith.constant 0 : index
    %get3A_2 = vector.load %arg0[%get3A, %get3A_0, %get3A_1] : memref<2x10240x16xf32, #tpu.memory_space<vmem>>, vector<1x10000x16xf32>
    %get3A_3 = vector.shape_cast %get3A_2 : vector<1x10000x16xf32> to vector<10000x16xf32>
    %get3A_4 = arith.constant 1 : index
    %get3A_5 = arith.constant 0 : index
    %get3A_6 = arith.constant 0 : index
    %get3A_7 = vector.load %arg0[%get3A_4, %get3A_5, %get3A_6] : memref<2x10240x16xf32, #tpu.memory_space<vmem>>, vector<1x10000x16xf32>
    %get3A_8 = vector.shape_cast %get3A_7 : vector<1x10000x16xf32> to vector<10000x16xf32>
    %add3A = arith.addf %get3A_3, %get3A_8 : vector<10000x16xf32>
    %get3A_9 = arith.constant 0 : index
    %get3A_10 = arith.constant 0 : index
    %get3A_11 = vector.load %arg1[%get3A_9, %get3A_10] : memref<10000x16xf32, #tpu.memory_space<vmem>>, vector<10000x16xf32>
    %add3A_12 = arith.addf %add3A, %get3A_11 : vector<10000x16xf32>
    %get3A_13 = arith.constant 0 : index
    %get3A_14 = arith.constant 0 : index
    %get3A_15 = vector.load %arg2[%get3A_13, %get3A_14] : memref<10240x16xf32, #tpu.memory_space<vmem>>, vector<10000x1xf32>
    %mul3A = vector.broadcast %get3A_15 : vector<10000x1xf32> to vector<10000x16xf32>
    %mul3A_16 = arith.mulf %add3A_12, %mul3A : vector<10000x16xf32>
    %get3A_17 = arith.constant 0 : index
    %get3A_18 = arith.constant 0 : index
    %get3A_19 = vector.load %arg4[%get3A_17, %get3A_18] : memref<1x16xf32, #tpu.memory_space<vmem>>, vector<1x16xf32>
    %add3A_20 = vector.broadcast %get3A_19 : vector<1x16xf32> to vector<10000x16xf32>
    %add3A_21 = arith.addf %mul3A_16, %add3A_20 : vector<10000x16xf32>
    %max3A = arith.constant 0.000000e+00 : f32
    %max3A_22 = vector.broadcast %max3A : f32 to vector<10000x16xf32>
    %max3A_23 = arith.maximumf %add3A_21, %max3A_22 : vector<10000x16xf32>
    %get3A_24 = arith.constant 0 : index
    %get3A_25 = arith.constant 0 : index
    %get3A_26 = vector.load %arg3[%get3A_24, %get3A_25] : memref<16x1xf32, #tpu.memory_space<vmem>>, vector<16x1xf32>
    %dot_general3A = arith.constant dense<0.000000e+00> : vector<10000x1xf32>
    %dot_general3A_27 = tpu.matmul %max3A_23, %get3A_26, %dot_general3A {dimension_numbers = #tpu.dot_dimension_numbers<[1], [0], [0], [1], [0, 0, 1, 1], [], []>, transpose_lhs_hint = false} : vector<10000x16xf32>, vector<16x1xf32>, vector<10000x1xf32> -> vector<10000x1xf32>
    %get3A_28 = arith.constant 0 : index
    %get3A_29 = arith.constant 0 : index
    %get3A_30 = vector.load %arg5[%get3A_28, %get3A_29] : memref<1x1xf32, #tpu.memory_space<vmem>>, vector<1x1xf32>
    %add3A_31 = vector.broadcast %get3A_30 : vector<1x1xf32> to vector<10000x1xf32>
    %add3A_32 = arith.addf %dot_general3A_27, %add3A_31 : vector<10000x1xf32>
    %swap3A = arith.constant 0 : index
    %swap3A_33 = arith.constant 0 : index
    %swap3A_34 = vector.load %arg6[%swap3A, %swap3A_33] : memref<10000x1xf32, #tpu.memory_space<vmem>>, vector<10000x1xf32>
    tpu.vector_store %arg6[%swap3A, %swap3A_33], %add3A_32 {strides = array<i32>} : memref<10000x1xf32, #tpu.memory_space<vmem>>, vector<10000x1xf32>,
    return
  }
}

</mosaic_0001>

<sc_bundles>
// kernel: kernel.11.cloned.1.call-start
scs
__scs_entry_jumppad:
0x0: {  	(pc) =	sbr.rel $0x88, $3  }
0x1: {  	(tag) =	ssettag $0x0;
	lr =	simm.s32 $0x1  }
0x2: {  	[smem:$0x3F99] =	sst lr;
	_ =	strace $0xD0000000  }
0x3: {  	_ = 	snop  }
0x4: {  	_ = 	snop  }
0x5: {  	_ = 	snop  }
0x6: {  	_ = 	snop  }
0x7: {  	_ = 	snop  }
__scs_overlays_trampoline_lowered:
0x8: {  	[smem:$0x3FA8] =	sst s0  }
0x9: {  	[smem:$0x3FA9] =	sst s1  }
0xa: {  	[smem:$0x3FAA] =	sst s2  }
0xb: {  	[smem:$0x3FAB] =	sst s3  }
0xc: {  	[smem:$0x3FAC] =	sst s4  }
0xd: {  	[smem:$0x3FAD] =	sst s5  }
0xe: {  	[smem:$0x3FAE] =	sst s6  }
0xf: {  	[smem:$0x3FAF] =	sst s7  }
0x10: {  	[smem:$0x3FB0] =	sst s8  }
0x11: {  	[smem:$0x3FB1] =	sst s9;
	s0 =	simm.s32 @!p0 $0x0  }
0x12: {  	s1 =	sld [smem:$0x3F97];
	s0 =	simm.s32 @p0 $0x1  }
0x13: {  	[smem:$0x3FB2] =	sst s0;
	s0 =	simm.s32 @!p1 $0x0  }
0x14: {  	s2 =	sld [smem:$0x3F96];
	s0 =	simm.s32 @p1 $0x1  }
0x15: {  	[smem:$0x3FB3] =	sst s0;
	s0 =	simm.s32 @!p2 $0x0  }
0x16: {  	s3 =	sld [smem:$0x3FDB];
	s0 =	simm.s32 @p2 $0x1  }
0x17: {  	s4 =	simm.s32 $0x1BF5;
	[smem:$0x3FB5] =	sst s0  }
0x18: {  	s0 =	sld [smem:$0x3F98];
	_ =	swait.ge [sflag:s4], $0x0  }
0x19: {  	s7 =	sld [smem:$0x3F99]  }
0x1a: {  	s8 =	sadd.s32 $0xFFFFE003, lr  }
0x1b: {  	s9 =	sadd.s32 $0xFFFFFEF7, lr;
	s5 =	simm.s32 $0xFFFFFFFF;
	p2 =	slt.u32 s8, $0xFFFFF086  }
0x1c: {  	p1 =	slt.u32 s9, $0xF7A;
	s5 =	simm.s32 @!p2 $0x0  }
0x1d: {  	s5 =	simm.s32 @p1 $0x1;
	p0 =	seq.s32 s7, s2  }
0x1e: {  	s7 =	smul.u32 @!p0 $0xF7A, s2;
	p2 =	seq.s32 @!p0 s5, $0x0  }
0x1f: {  	s9 =	smul.u32 $0xF7A, s1;
	s8 =	simm.s32 @!p0 $0x1BF5;
	p2 =	por !p2, p0  }
0x20: {  	[sflag:s8] =	ssyncset.s32 @!p0 $0xFFFFF086;
	s6 =	sadd.s32 @!p0 s3, s7;
	s7 =	simm.s32 @!p0 $0x108  }
0x21: {  	s3 =	sadd.s32 s3, s9;
	s6 =	sadd.s32 @!p0 $0x88, s6;
	s7 =	simm.s32 @p2 $0x1082  }
0x22: {  	[simem:s7], [sflag:s8] =	dma.local @!p0 [hbm:s6], $0xF7A  }
0x23: {  	s9 =	sor.u32 $0xD0000000, s2;
	s6 =	simm.s32 $0x108;
	_ =	swait.ge @!p0 [sflag:s8], $0x0  }
0x24: {  	s3 =	sadd.s32 $0x88, s3;
	s6 =	simm.s32 @!p1 $0x1082;
	[sflag:s4] =	ssyncset.s32 $0xFFFFF086  }
0x25: {  	[simem:s6], [sflag:s4] =	dma.local [hbm:s3], $0xF7A  }
0x26: {  	[smem:$0x3F99] =	sst s1;
	(tag) =	ssettag s2;
	_ =	strace s9  }
0x27: {  	s1 =	sld [smem:$0x3FA9]  }
0x28: {  	s2 =	sld [smem:$0x3FAA]  }
0x29: {  	s4 =	sld [smem:$0x3FAC]  }
0x2a: {  	p0 =	seq.s32 s5, $0x0;
	s5 =	sld [smem:$0x3FAD]  }
0x2b: {  	s6 =	sld [smem:$0x3FAE]  }
0x2c: {  	s7 =	sld [smem:$0x3FAF]  }
0x2d: {  	s3 =	simm.s32 $0x108;
	s8 =	sld [smem:$0x3FB0]  }
0x2e: {  	s3 =	simm.s32 @!p0 $0x1082;
	s9 =	sld [smem:$0x3FB1]  }
0x2f: {  	lr =	sadd.s32 s0, s3;
	s0 =	sld [smem:$0x3FA8]  }
0x30: {  	s3 =	sld [smem:$0x3FAB]  }
0x31: {  	[smem:$0x3FB4] =	sst s10  }
0x32: {  	s10 =	sld [smem:$0x3FB2];
	_ =	sdelay $0x3  }
0x33: {  	p0 =	seq.s32 s10, $0x1;
	s10 =	sld [smem:$0x3FB4];
	_ =	sdelay $0x3  }
0x34: {  	[smem:$0x3FB4] =	sst s10  }
0x35: {  	s10 =	sld [smem:$0x3FB3];
	_ =	sdelay $0x3  }
0x36: {  	p1 =	seq.s32 s10, $0x1;
	s10 =	sld [smem:$0x3FB4];
	_ =	sdelay $0x3  }
0x37: {  	[smem:$0x3FB4] =	sst s10  }
0x38: {  	s10 =	sld [smem:$0x3FB5]  }
0x39: {  	_ = 	snop;
	(pc) =	sbr.ind lr, $3  }
0x3a: {  	_ = 	snop  }
0x3b: {  	_ = 	snop  }
0x3c: {  	p2 =	seq.s32 s10, $0x1;
	s10 =	sld [smem:$0x3FB4]  }
0x3d: {  	_ =	shalt  }
0x3e: {  	_ =	shalt  }
0x3f: {  	_ =	shalt  }
0x40: {  	_ =	shalt  }
0x41: {  	_ =	shalt  }
0x42: {  	_ =	shalt  }
0x43: {  	_ =	shalt  }
0x44: {  	_ =	shalt  }
0x45: {  	_ =	shalt  }
0x46: {  	_ =	shalt  }
0x47: {  	_ =	shalt  }
0x48: {  	_ =	shalt  }
0x49: {  	_ =	shalt  }
0x4a: {  	_ =	shalt  }
0x4b: {  	_ =	shalt  }
0x4c: {  	_ =	shalt  }
0x4d: {  	_ =	shalt  }
0x4e: {  	_ =	shalt  }
0x4f: {  	_ =	shalt  }
0x50: {  	_ =	shalt  }
0x51: {  	_ =	shalt  }
0x52: {  	_ =	shalt  }
0x53: {  	_ =	shalt  }
0x54: {  	_ =	shalt  }
0x55: {  	_ =	shalt  }
0x56: {  	_ =	shalt  }
0x57: {  	_ =	shalt  }
0x58: {  	_ =	shalt  }
0x59: {  	_ =	shalt  }
0x5a: {  	_ =	shalt  }
0x5b: {  	_ =	shalt  }
0x5c: {  	_ =	shalt  }
0x5d: {  	_ =	shalt  }
0x5e: {  	_ =	shalt  }
0x5f: {  	_ =	shalt  }
0x60: {  	_ =	shalt  }
0x61: {  	_ =	shalt  }
0x62: {  	_ =	shalt  }
0x63: {  	_ =	shalt  }
0x64: {  	_ =	shalt  }
0x65: {  	_ =	shalt  }
0x66: {  	_ =	shalt  }
0x67: {  	_ =	shalt  }
0x68: {  	_ =	shalt  }
0x69: {  	_ =	shalt  }
0x6a: {  	_ =	shalt  }
0x6b: {  	_ =	shalt  }
0x6c: {  	_ =	shalt  }
0x6d: {  	_ =	shalt  }
0x6e: {  	_ =	shalt  }
0x6f: {  	_ =	shalt  }
0x70: {  	_ =	shalt  }
0x71: {  	_ =	shalt  }
0x72: {  	_ =	shalt  }
0x73: {  	_ =	shalt  }
0x74: {  	_ =	shalt  }
0x75: {  	_ =	shalt  }
0x76: {  	_ =	shalt  }
0x77: {  	_ =	shalt  }
0x78: {  	_ =	shalt  }
0x79: {  	_ =	shalt  }
0x7a: {  	_ =	shalt  }
0x7b: {  	_ =	shalt  }
0x7c: {  	_ =	shalt  }
0x7d: {  	_ =	shalt  }
0x7e: {  	_ =	shalt  }
0x7f: {  	_ =	shalt  }
0x80: {  	_ =	shalt  }
0x81: {  	_ =	shalt  }
0x82: {  	_ =	shalt  }
0x83: {  	_ =	shalt  }
0x84: {  	_ =	shalt  }
0x85: {  	_ =	shalt  }
0x86: {  	_ =	shalt  }
0x87: {  	_ =	shalt  }
.Lfunc_end0:
.L_simem_size_0:
called_computation.1_lowered:
.L_overlay_start_0:
0x88: {  	s2 =	sld [smem:$0x3FD9]  }
0x89: {  	s3 =	sld [smem:$0x3FFE];
	_ =	sdelay $0x1  }
0x8a: {  	s1 =	srdreg.scid  }
0x8b: {  	s0 =	sand.u32 $0x1, s1  }
0x8c: {  	s16 =	sshll.u32 s0, $0xA;
	s2 =	sadd.s32 s3, s2  }
0x8d: {  	s2 =	sadd.s32 s2, s16  }
0x8e: {  	[smem:$0x3FC0] =	sst s2  }
0x8f: {  	_ = 	snop  }
0x90: {  	(tm) =	ssettm $0x1  }
0x91: {  	s17 =	sld [smem:$0x3FFB];
	_ =	sdelay $0x3  }
0x92: {  	_ =	strace s17  }
0x93: {  	s2 =	sld [smem:$0x3FFC];
	_ =	sdelay $0x3  }
0x94: {  	_ =	strace s2  }
0x95: {  	s2 =	sld [smem:$0x3FFD];
	_ =	sdelay $0x3  }
0x96: {  	_ =	strace s2  }
0x97: {  	_ =	strace $0x8FFFFFFF  }
0x98: {  	s18 =	sld [smem:$0x3FDB];
	_ =	sdelay $0x1  }
0x99: {  	s19 =	simm.s32 $_scs_section_size  }
0x9a: {  	s4 =	simm.s32 $_size__tile_overlayer_lowered;
	s5 =	simm.s32 $_tile_overlayer_lowered  }
0x9b: {  	s22 =	simm.s32 $0x1BFF;
	s21 =	sshll.u32 s5, $0x1;
	s2 =	sadd.s32 s19, s18  }
0x9c: {  	s6 =	simm.s32 $0x0;
	s20 =	sshll.u32 s4, $0x1;
	s4 =	sadd.s32 s21, s2  }
0x9d: {  	[timem:s6], [sflag:s22] =	dma.local [hbm:s4], s20  }
0x9e: {  	_ =	swait.ge [sflag:s22], s20  }
0x9f: {  	s3 =	ssub.s32 $0x0, s20;
	[sflag:s22] =	ssyncset.done $0x0  }
0xa0: {  	[sflag:s22] =	ssyncadd.s32 s3;
	_ =	sdelay $0x1  }
0xa1: {  	s23 =	simm.s32 $0x1B8B  }
0xa2: {  	_ =	swait.ge [sflag:s23], $0x1  }
0xa3: {  	[sflag:s23] =	ssyncset.done $0x0  }
0xa4: {  	s25 =	simm.s32 $0x1B8E;
	s24 =	sld [smem:$0x3FFE];
	[sflag:s23] =	ssyncadd.s32 $0xFFFFFFFF  }
0xa5: {  	s26 =	simm.s32 $execute0_lowered;
	[smem:$0x3FD2] =	sst s25  }
0xa6: {  	s4 =	sshll.u32 s26, $0x1;
	_ =	strace $0x80000049;
	[dreg:$0x1] =	wrdreg $0xFFFFFFFF  }
0xa7: {  	s28 =	simm.s32 $_size_execute0_lowered;
	s2 =	sadd.s32 s2, s4;
	[dreg:$0x0] =	wrdreg $0x0  }
0xa8: {  	s4 =	sshll.u32 s28, $0x1;
	[dreg:$0x2] =	wrdreg s2  }
0xa9: {  	[dreg:$0x3] =	wrdreg s4  }
0xaa: {  	[dreg:$0x4] =	wrdreg $0xC0  }
0xab: {  	_ =	task [dreg:s6], $0x5FFFF  }
0xac: {  	[dreg:$0x1] =	wrdreg $0xFFFFFFFF  }
0xad: {  	[dreg:$0x0] =	wrdreg $0x60  }
0xae: {  	[dreg:$0x2] =	wrdreg s24  }
0xaf: {  	[dreg:$0x3] =	wrdreg $0x58C00  }
0xb0: {  	[dreg:$0x4] =	wrdreg $0x9  }
0xb1: {  	_ =	task.clear_ibuf [dreg:s6], $0x5FFFF;
	_ =	strace $0x90000049  }
0xb2: {  	s29 =	simm.s32 $0x9;
	_ =	strace $0x8000004B  }
0xb3: {  	_ =	swait.ge [sflag:s29], $0x1  }
0xb4: {  	[sflag:s29] =	ssyncadd.s32 $0xFFFFFFFF  }
0xb5: {  	_ =	strace $0x9000004B  }
0xb6: {  	_ =	sfence  }
0xb7: {  	s30 =	sld [smem:$0x0];
	_ =	sdelay $0x2  }
0xb8: {  	s31 =	sshll.u32 s1, $0xD;
	s1 =	sshrl.u32 s1, $0x2  }
0xb9: {  	s3 =	sand.u32 $0x4000, s31;
	s1 =	sadd.s32 s1, s30  }
0xba: {  	s0 =	sor.u32 s3, s0;
	s1 =	sshll.u32 s1, $0x11  }
0xbb: {  	s0 =	sor.u32 s1, s0  }
0xbc: {  	s0 =	sadd.s32 $0x8F2B, s0  }
0xbd: {  	[sflag:s0] =	ssyncadd.remote.s32 $0x1  }
0xbe: {  	_ =	sfence.sel $0xFFFF  }
0xbf: {  	[dreg:$0x0] =	wrdreg $0xFFFFFFFF;
	(pc) =	sbr.abs _section_cstart, $3  }
0xc0: {  	[dreg:$0x1] =	wrdreg $0xFFFFFFFF  }
0xc1: {  	_ =	task.clear_ibuf [dreg:s6], $0x2FFFF;
	_ =	strace $0x9FFFFFFF  }
0xc2: {  	(tm) =	ssettm $0x7FFFFFFF  }
0xc3: {  	_ =	shalt  }
tec
execute0_lowered:
.L_overlay_start_1:
0x0: {  	(tag) =	ssettag $0x1  }
0x1: {  	s5 =	rddreg [dreg:$0x0]  }
0x2: {  	s2 =	rddreg [dreg:$0x1]  }
0x3: {  	s0 =	rddreg [dreg:$0x2];
	s1 =	stileid.u32  }
0x4: {  	s6 =	srdreg.scid;
	s3 =	simm.s32 $0x0;
	s15 =	simm.s32 $0x2760  }
0x5: {  	s16 =	simm.s32 $0x50;
	s17 =	simm.s32 $0x4EC0;
	s18 =	simm.s32 $0x53C0  }
0x6: {  	s19 =	simm.s32 $0x1;
	s20 =	simm.s32 $0x2;
	s4 =	smul.u32 $0x4E20, s1  }
0x7: {  	s21 =	simm.s32 $0x3;
	s22 =	simm.s32 $0x4;
	s7 =	smul.u32 $0x5000, s1  }
0x8: {  	s8 =	sand.u32 $0x1, s6;
	[smem:$0x7FF] =	sst s3;
	s31 =	sshll.u32 s1, $0x6  }
0x9: {  	s9 =	smul.u32 $0x50000, s8;
	_ =	strace $0x8000004A;
	s11 =	ssub.s32 $0x2, s8  }
0xa: {  	p0 =	seq.s32 s8, $0x1;
	s28 =	sshrl.u32 s4, $0x3;
	s4 =	sadd.s32 $0x15800, s5  }
0xb: {  	s29 =	sshrl.u32 s7, $0x4;
	s12 =	sshrl.u32 s11, $0x1;
	s30 =	sshrl.u32 s7, $0x1  }
0xc: {  	s10 =	sadd.s32 s28, s5;
	s9 =	sadd.s32 s7, s9;
	s6 =	sadd.s32 s29, s5  }
.Ltmp0:
0xd: {  	s12 =	ssub.s32 s11, s12;
	s14 =	sadd.s32 s30, s2;
	(pc) =	sbr.rel .LBB2_1-.Ltmp0, $4  }
0xe: {  	s9 =	sshrl.u32 s9, $0x4;
	s7 =	sadd.s32 $0x1E00, s10;
	s8 =	sadd.s32 $0xBA40, s10  }
0xf: {  	s12 =	smax.u32 s12, $0x1;
	s13 =	sadd.s32 s9, s5;
	s5 =	sadd.s32 $0x1AE00, s6  }
0x10: {  	s6 =	sor.u32 $0x1C05, s31;
	s9 =	sadd.s32 $0x22D8, s10;
	s10 =	sadd.s32 $0xBF18, s10  }
0x11: {  	s11 =	sadd.s32 $0x1FE00, s13;
	s13 =	sshrl.u32 s14, $0x3;
	s14 =	simm.s32 $0x5  }
.LBB2_4:
0x12: {  	[tilespmem:s18], [sflag:$0x2] =	stream.indirect.gather [hbm4b:s4+s16], $0x10, s24, s16, $0xb8;
	[tilespmem:$0x80C0] =	vst v63  }
0x13: {  	s23 =	simm.s32 $0x4DD0;
	s24 =	simm.s32 $0x4D80  }
.LBB2_8:
0x14: {  	_ =	swait.ge [sflag:s19], $0x500  }
0x15: {  	[sflag:s19] =	ssyncset.done $0x0  }
0x16: {  	[sflag:s19] =	ssyncadd.s32 $0xFFFFFB00  }
0x17: {  	[spmem:s2] =	stream.indirect.scatter.add.bf16 [tilespmem:s17], [sflag:$0x3], $0x10, s24, s16, $0xb8;
	[tilespmem:$0x80C0] =	vst v63  }
0x18: {  	_ =	swait.ge [sflag:s20], $0x500  }
0x19: {  	[sflag:s20] =	ssyncset.done $0x0  }
0x1a: {  	[sflag:s20] =	ssyncadd.s32 $0xFFFFFB00  }
0x1b: {  	[spmem:s2] =	stream.indirect.scatter.add.bf16 [tilespmem:s18], [sflag:$0x4], $0x10, s23, s16, $0xb8;
	[tilespmem:$0x80C0] =	vst v63  }
0x1c: {  	_ =	swait.ge [sflag:s21], $0x500  }
0x1d: {  	[sflag:s21] =	ssyncset.done $0x0  }
0x1e: {  	[sflag:s21] =	ssyncadd.s32 $0xFFFFFB00  }
0x1f: {  	_ =	swait.ge [sflag:s22], $0x500  }
0x20: {  	s3 =	sadd.s32 $0x1, s3;
	[sflag:s22] =	ssyncset.done $0x0  }
0x21: {  	p1 =	sne.s32 s3, s12;
	[sflag:s22] =	ssyncadd.s32 $0xFFFFFB00  }
.Ltmp1:
0x22: {  	[bflag:$0x0] =	sbarrier.arrive $0xFFFF;
	(pc) =	sbr.rel @!p1 .LBB2_9-.Ltmp1, $4  }
0x23: {  	[hbm:s11], [sflag:s6] =	dma.local [spmem:s13], $0x500  }
0x24: {  	_ =	swait.ge [sflag:s14], $0x500  }
0x25: {  	[sflag:s14] =	ssyncset.done $0x0  }
0x26: {  	[sflag:s14] =	ssyncadd.s32 $0xFFFFFB00  }
.LBB2_1:
.Ltmp2:
0x27: {  	(pc) =	sbr.rel @!p0 .LBB2_2-.Ltmp2, $4  }
0x28: {  	[spmem:s13], [sflag:s6] =	dma.local [hbm:s5], $0x500  }
0x29: {  	_ =	swait.ge [sflag:s14], $0x500  }
0x2a: {  	[sflag:s14] =	ssyncset.done $0x0  }
0x2b: {  	s23 =	simm.s32 $0x0;
	[sflag:s14] =	ssyncadd.s32 $0xFFFFFB00  }
0x2c: {  	[tilespmem:s23], [sflag:$0x5] =	stream.linear.gather [hbm4b:s9+s23], $0x2760, $0x38;
	[tilespmem:$0x80C0] =	vst v63  }
0x2d: {  	_ =	swait.ge [sflag:s14], $0x2760  }
0x2e: {  	[sflag:s14] =	ssyncset.done $0x0  }
0x2f: {  	[sflag:s14] =	ssyncadd.s32 $0xFFFFD8A0  }
0x30: {  	[tilespmem:s15], [sflag:$0x5] =	stream.linear.gather [hbm4b:s10+s23], $0x2760, $0x38;
	[tilespmem:$0x80C0] =	vst v63  }
0x31: {  	_ =	swait.ge [sflag:s14], $0x2760  }
0x32: {  	[sflag:s14] =	ssyncset.done $0x0  }
0x33: {  	[sflag:s14] =	ssyncadd.s32 $0xFFFFD8A0  }
0x34: {  	[tilespmem:s17], [sflag:$0x1] =	stream.indirect.gather [hbm4b:s4+s16], $0x10, s23, s16, $0xb8;
	[tilespmem:$0x80C0] =	vst v63  }
0x35: {  	_ = 	snop  }
0x36: {  	[tilespmem:s18], [sflag:$0x2] =	stream.indirect.gather [hbm4b:s4+s16], $0x10, s16, s16, $0xb8;
	[tilespmem:$0x80C0] =	vst v63  }
0x37: {  	_ =	swait.ge [sflag:s19], $0x500  }
0x38: {  	[sflag:s19] =	ssyncset.done $0x0  }
0x39: {  	s29 =	simm.s32 $0x2760;
	[sflag:s19] =	ssyncadd.s32 $0xFFFFFB00  }
0x3a: {  	[spmem:s2] =	stream.indirect.scatter.add.bf16 [tilespmem:s17], [sflag:$0x3], $0x10, s29, s16, $0xb8;
	[tilespmem:$0x80C0] =	vst v63  }
0x3b: {  	_ =	swait.ge [sflag:s20], $0x500  }
0x3c: {  	[sflag:s20] =	ssyncset.done $0x0  }
0x3d: {  	s30 =	simm.s32 $0x27B0;
	[sflag:s20] =	ssyncadd.s32 $0xFFFFFB00  }
0x3e: {  	[spmem:s2] =	stream.indirect.scatter.add.bf16 [tilespmem:s18], [sflag:$0x4], $0x10, s30, s16, $0xb8;
	[tilespmem:$0x80C0] =	vst v63  }
0x3f: {  	_ =	swait.ge [sflag:s21], $0x500  }
0x40: {  	[sflag:s21] =	ssyncset.done $0x0  }
0x41: {  	s31 =	simm.s32 $0xA0;
	[sflag:s21] =	ssyncadd.s32 $0xFFFFFB00  }
0x42: {  	[tilespmem:s17], [sflag:$0x1] =	stream.indirect.gather [hbm4b:s4+s16], $0x10, s31, s16, $0xb8;
	[tilespmem:$0x80C0] =	vst v63  }
0x43: {  	_ =	swait.ge [sflag:s22], $0x500  }
0x44: {  	[sflag:s22] =	ssyncset.done $0x0  }
0x45: {  	s24 =	simm.s32 $0xF0;
	s23 =	simm.s32 $0x280;
	[sflag:s22] =	ssyncadd.s32 $0xFFFFFB00  }
.LBB2_6:
0x46: {  	[tilespmem:s18], [sflag:$0x2] =	stream.indirect.gather [hbm4b:s4+s16], $0x10, s24, s16, $0xb8;
	[tilespmem:$0x80C0] =	vst v63  }
0x47: {  	s24 =	smov.u32 s23  }
0x48: {  	p1 =	sne.s32 s23, $0x9880;
	s23 =	sadd.s32 $0x280, s23;
	_ =	swait.ge [sflag:s19], $0x500  }
0x49: {  	s24 =	sshra.s32 s24, $0x2;
	[sflag:s19] =	ssyncset.done $0x0  }
0x4a: {  	s25 =	sadd.s32 $0x2760, s24;
	[sflag:s19] =	ssyncadd.s32 $0xFFFFFB00  }
0x4b: {  	[spmem:s2] =	stream.indirect.scatter.add.bf16 [tilespmem:s17], [sflag:$0x3], $0x10, s25, s16, $0xb8;
	[tilespmem:$0x80C0] =	vst v63  }
0x4c: {  	_ =	swait.ge [sflag:s20], $0x500  }
0x4d: {  	[sflag:s20] =	ssyncset.done $0x0  }
0x4e: {  	s25 =	sadd.s32 $0x27B0, s24;
	[sflag:s20] =	ssyncadd.s32 $0xFFFFFB00  }
0x4f: {  	[spmem:s2] =	stream.indirect.scatter.add.bf16 [tilespmem:s18], [sflag:$0x4], $0x10, s25, s16, $0xb8;
	[tilespmem:$0x80C0] =	vst v63  }
0x50: {  	_ =	swait.ge [sflag:s21], $0x500  }
0x51: {  	[sflag:s21] =	ssyncset.done $0x0  }
.Ltmp3:
0x52: {  	s25 =	sadd.s32 $0xA0, s24;
	[sflag:s21] =	ssyncadd.s32 $0xFFFFFB00;
	(pc) =	sbr.rel @p1 .LBB2_6-.Ltmp3, $4  }
0x53: {  	[tilespmem:s17], [sflag:$0x1] =	stream.indirect.gather [hbm4b:s4+s16], $0x10, s25, s16, $0xb8;
	[tilespmem:$0x80C0] =	vst v63  }
0x54: {  	_ =	swait.ge [sflag:s22], $0x500  }
0x55: {  	[sflag:s22] =	ssyncset.done $0x0  }
0x56: {  	s24 =	sadd.s32 $0xF0, s24;
	[sflag:s22] =	ssyncadd.s32 $0xFFFFFB00  }
.Ltmp4:
0x57: {  	(pc) =	sbr.rel .LBB2_8-.Ltmp4, $3  }
0x58: {  	_ =	sdelay $0x1  }
0x59: {  	[tilespmem:s18], [sflag:$0x2] =	stream.indirect.gather [hbm4b:s4+s16], $0x10, s24, s16, $0xb8;
	[tilespmem:$0x80C0] =	vst v63  }
0x5a: {  	s23 =	simm.s32 $0x4E70;
	s24 =	simm.s32 $0x4E20  }
.LBB2_2:
0x5b: {  	[tilespmem:s23], [sflag:$0x5] =	stream.linear.gather [hbm4b:s7+s23], $0x26C0, $0x38;
	[tilespmem:$0x80C0] =	vst v63  }
0x5c: {  	_ =	swait.ge [sflag:s14], $0x26C0  }
0x5d: {  	[sflag:s14] =	ssyncset.done $0x0  }
0x5e: {  	[sflag:s14] =	ssyncadd.s32 $0xFFFFD940  }
0x5f: {  	[tilespmem:s15], [sflag:$0x5] =	stream.linear.gather [hbm4b:s8+s23], $0x26C0, $0x38;
	[tilespmem:$0x80C0] =	vst v63  }
0x60: {  	_ =	swait.ge [sflag:s14], $0x26C0  }
0x61: {  	[sflag:s14] =	ssyncset.done $0x0  }
0x62: {  	[sflag:s14] =	ssyncadd.s32 $0xFFFFD940  }
0x63: {  	[tilespmem:s17], [sflag:$0x1] =	stream.indirect.gather [hbm4b:s4+s16], $0x10, s23, s16, $0xb8;
	[tilespmem:$0x80C0] =	vst v63  }
0x64: {  	_ = 	snop  }
0x65: {  	[tilespmem:s18], [sflag:$0x2] =	stream.indirect.gather [hbm4b:s4+s16], $0x10, s16, s16, $0xb8;
	[tilespmem:$0x80C0] =	vst v63  }
0x66: {  	_ =	swait.ge [sflag:s19], $0x500  }
0x67: {  	[sflag:s19] =	ssyncset.done $0x0  }
0x68: {  	s29 =	simm.s32 $0x2760;
	[sflag:s19] =	ssyncadd.s32 $0xFFFFFB00  }
0x69: {  	[spmem:s2] =	stream.indirect.scatter.add.bf16 [tilespmem:s17], [sflag:$0x3], $0x10, s29, s16, $0xb8;
	[tilespmem:$0x80C0] =	vst v63  }
0x6a: {  	_ =	swait.ge [sflag:s20], $0x500  }
0x6b: {  	[sflag:s20] =	ssyncset.done $0x0  }
0x6c: {  	s30 =	simm.s32 $0x27B0;
	[sflag:s20] =	ssyncadd.s32 $0xFFFFFB00  }
0x6d: {  	[spmem:s2] =	stream.indirect.scatter.add.bf16 [tilespmem:s18], [sflag:$0x4], $0x10, s30, s16, $0xb8;
	[tilespmem:$0x80C0] =	vst v63  }
0x6e: {  	_ =	swait.ge [sflag:s21], $0x500  }
0x6f: {  	p1 =	por $0x0, $0x0;
	[sflag:s21] =	ssyncset.done $0x0  }
.Ltmp5:
0x70: {  	s31 =	simm.s32 $0xA0;
	[sflag:s21] =	ssyncadd.s32 $0xFFFFFB00;
	(pc) =	sbr.rel @p1 .LBB2_4-.Ltmp5, $4  }
0x71: {  	[tilespmem:s17], [sflag:$0x1] =	stream.indirect.gather [hbm4b:s4+s16], $0x10, s31, s16, $0xb8;
	[tilespmem:$0x80C0] =	vst v63  }
0x72: {  	_ =	swait.ge [sflag:s22], $0x500  }
0x73: {  	[sflag:s22] =	ssyncset.done $0x0  }
0x74: {  	s24 =	simm.s32 $0xF0;
	s23 =	simm.s32 $0x280;
	[sflag:s22] =	ssyncadd.s32 $0xFFFFFB00  }
.LBB2_3:
0x75: {  	[tilespmem:s18], [sflag:$0x2] =	stream.indirect.gather [hbm4b:s4+s16], $0x10, s24, s16, $0xb8;
	[tilespmem:$0x80C0] =	vst v63  }
0x76: {  	s24 =	smov.u32 s23  }
0x77: {  	p1 =	seq.s32 s23, $0x9600;
	s23 =	sadd.s32 $0x280, s23;
	_ =	swait.ge [sflag:s19], $0x500  }
0x78: {  	s24 =	sshra.s32 s24, $0x2;
	[sflag:s19] =	ssyncset.done $0x0  }
0x79: {  	s25 =	sadd.s32 $0x2760, s24;
	[sflag:s19] =	ssyncadd.s32 $0xFFFFFB00  }
0x7a: {  	[spmem:s2] =	stream.indirect.scatter.add.bf16 [tilespmem:s17], [sflag:$0x3], $0x10, s25, s16, $0xb8;
	[tilespmem:$0x80C0] =	vst v63  }
0x7b: {  	_ =	swait.ge [sflag:s20], $0x500  }
0x7c: {  	[sflag:s20] =	ssyncset.done $0x0  }
0x7d: {  	s25 =	sadd.s32 $0x27B0, s24;
	[sflag:s20] =	ssyncadd.s32 $0xFFFFFB00  }
0x7e: {  	[spmem:s2] =	stream.indirect.scatter.add.bf16 [tilespmem:s18], [sflag:$0x4], $0x10, s25, s16, $0xb8;
	[tilespmem:$0x80C0] =	vst v63  }
0x7f: {  	_ =	swait.ge [sflag:s21], $0x500  }
0x80: {  	[sflag:s21] =	ssyncset.done $0x0  }
.Ltmp6:
0x81: {  	s25 =	sadd.s32 $0xA0, s24;
	[sflag:s21] =	ssyncadd.s32 $0xFFFFFB00;
	(pc) =	sbr.rel @!p1 .LBB2_3-.Ltmp6, $4  }
0x82: {  	[tilespmem:s17], [sflag:$0x1] =	stream.indirect.gather [hbm4b:s4+s16], $0x10, s25, s16, $0xb8;
	[tilespmem:$0x80C0] =	vst v63  }
0x83: {  	_ =	swait.ge [sflag:s22], $0x500  }
0x84: {  	[sflag:s22] =	ssyncset.done $0x0  }
0x85: {  	s24 =	sadd.s32 $0xF0, s24;
	[sflag:s22] =	ssyncadd.s32 $0xFFFFFB00  }
.Ltmp7:
0x86: {  	_ = 	snop;
	(pc) =	sbr.rel .LBB2_4-.Ltmp7, $1  }
0x87: {  	_ =	sdelay $0x3  }
.LBB2_9:
0x88: {  	_ =	sfence.sel $0x180000  }
0x89: {  	[bflag:$0x0] =	sbarrier.arrive $0xFFFF  }
0x8a: {  	p0 =	sne.s32 s1, $0x0;
	_ =	strace $0x9000004A  }
0x8b: {  	s0 =	sadd.s32 @!p0 $0x100000, s0;
	[bflag:$0x2] =	sbarrier.arrive $0xFFFF  }
0x8c: {  	[sflag:s0] =	ssyncadd.tile.s32 @!p0 $0x1;
	_ =	shalt  }
.Lfunc_end2:
_tile_overlayer_lowered:
.L_overlay_start_2:
0x8d: {  	(tag) =	ssettag $0x2  }
0x8e: {  	s0 =	rddreg [dreg:$0x0];
	s2 =	stileid.u32  }
0x8f: {  	s1 =	rddreg [dreg:$0x1];
	p0 =	sne.s32 s2, $0x0  }
0x90: {  	s3 =	rddreg [dreg:$0x2];
	[bflag:$0x3] =	sbarrier.arrive $0xFFFF;
	s2 =	simm.s32 @!p0 $0x1C05  }
0x91: {  	[timem:s3], [sflag:s2] =	dma.local @!p0 [hbm:s0], s1  }
0x92: {  	s0 =	simm.s32 @!p0 $0x5  }
0x93: {  	_ =	swait.ge @!p0 [sflag:s0], s1  }
0x94: {  	s1 =	ssub.s32 @!p0 $0x0, s1;
	[sflag:s0] =	ssyncset.done @!p0 $0x0  }
0x95: {  	[sflag:s0] =	ssyncadd.s32 @!p0 s1  }
0x96: {  	[bflag:$0x3] =	sbarrier.arrive $0xFFFF  }
0x97: {  	_ =	shalt  }

// kernel: kernel.14.cloned.1.call-start
scs
__scs_entry_jumppad:
0x0: {  	(pc) =	sbr.rel $0x88, $3  }
0x1: {  	(tag) =	ssettag $0x0;
	lr =	simm.s32 $0x1  }
0x2: {  	[smem:$0x3F99] =	sst lr;
	_ =	strace $0xD0000000  }
0x3: {  	_ = 	snop  }
0x4: {  	_ = 	snop  }
0x5: {  	_ = 	snop  }
0x6: {  	_ = 	snop  }
0x7: {  	_ = 	snop  }
__scs_overlays_trampoline_lowered:
0x8: {  	[smem:$0x3FA8] =	sst s0  }
0x9: {  	[smem:$0x3FA9] =	sst s1  }
0xa: {  	[smem:$0x3FAA] =	sst s2  }
0xb: {  	[smem:$0x3FAB] =	sst s3  }
0xc: {  	[smem:$0x3FAC] =	sst s4  }
0xd: {  	[smem:$0x3FAD] =	sst s5  }
0xe: {  	[smem:$0x3FAE] =	sst s6  }
0xf: {  	[smem:$0x3FAF] =	sst s7  }
0x10: {  	[smem:$0x3FB0] =	sst s8  }
0x11: {  	[smem:$0x3FB1] =	sst s9;
	s0 =	simm.s32 @!p0 $0x0  }
0x12: {  	s1 =	sld [smem:$0x3F97];
	s0 =	simm.s32 @p0 $0x1  }
0x13: {  	[smem:$0x3FB2] =	sst s0;
	s0 =	simm.s32 @!p1 $0x0  }
0x14: {  	s2 =	sld [smem:$0x3F96];
	s0 =	simm.s32 @p1 $0x1  }
0x15: {  	[smem:$0x3FB3] =	sst s0;
	s0 =	simm.s32 @!p2 $0x0  }
0x16: {  	s3 =	sld [smem:$0x3FDB];
	s0 =	simm.s32 @p2 $0x1  }
0x17: {  	s4 =	simm.s32 $0x1BF5;
	[smem:$0x3FB5] =	sst s0  }
0x18: {  	s0 =	sld [smem:$0x3F98];
	_ =	swait.ge [sflag:s4], $0x0  }
0x19: {  	s7 =	sld [smem:$0x3F99]  }
0x1a: {  	s8 =	sadd.s32 $0xFFFFE003, lr  }
0x1b: {  	s9 =	sadd.s32 $0xFFFFFEF7, lr;
	s5 =	simm.s32 $0xFFFFFFFF;
	p2 =	slt.u32 s8, $0xFFFFF086  }
0x1c: {  	p1 =	slt.u32 s9, $0xF7A;
	s5 =	simm.s32 @!p2 $0x0  }
0x1d: {  	s5 =	simm.s32 @p1 $0x1;
	p0 =	seq.s32 s7, s2  }
0x1e: {  	s7 =	smul.u32 @!p0 $0xF7A, s2;
	p2 =	seq.s32 @!p0 s5, $0x0  }
0x1f: {  	s9 =	smul.u32 $0xF7A, s1;
	s8 =	simm.s32 @!p0 $0x1BF5;
	p2 =	por !p2, p0  }
0x20: {  	[sflag:s8] =	ssyncset.s32 @!p0 $0xFFFFF086;
	s6 =	sadd.s32 @!p0 s3, s7;
	s7 =	simm.s32 @!p0 $0x108  }
0x21: {  	s3 =	sadd.s32 s3, s9;
	s6 =	sadd.s32 @!p0 $0x88, s6;
	s7 =	simm.s32 @p2 $0x1082  }
0x22: {  	[simem:s7], [sflag:s8] =	dma.local @!p0 [hbm:s6], $0xF7A  }
0x23: {  	s9 =	sor.u32 $0xD0000000, s2;
	s6 =	simm.s32 $0x108;
	_ =	swait.ge @!p0 [sflag:s8], $0x0  }
0x24: {  	s3 =	sadd.s32 $0x88, s3;
	s6 =	simm.s32 @!p1 $0x1082;
	[sflag:s4] =	ssyncset.s32 $0xFFFFF086  }
0x25: {  	[simem:s6], [sflag:s4] =	dma.local [hbm:s3], $0xF7A  }
0x26: {  	[smem:$0x3F99] =	sst s1;
	(tag) =	ssettag s2;
	_ =	strace s9  }
0x27: {  	s1 =	sld [smem:$0x3FA9]  }
0x28: {  	s2 =	sld [smem:$0x3FAA]  }
0x29: {  	s4 =	sld [smem:$0x3FAC]  }
0x2a: {  	p0 =	seq.s32 s5, $0x0;
	s5 =	sld [smem:$0x3FAD]  }
0x2b: {  	s6 =	sld [smem:$0x3FAE]  }
0x2c: {  	s7 =	sld [smem:$0x3FAF]  }
0x2d: {  	s3 =	simm.s32 $0x108;
	s8 =	sld [smem:$0x3FB0]  }
0x2e: {  	s3 =	simm.s32 @!p0 $0x1082;
	s9 =	sld [smem:$0x3FB1]  }
0x2f: {  	lr =	sadd.s32 s0, s3;
	s0 =	sld [smem:$0x3FA8]  }
0x30: {  	s3 =	sld [smem:$0x3FAB]  }
0x31: {  	[smem:$0x3FB4] =	sst s10  }
0x32: {  	s10 =	sld [smem:$0x3FB2];
	_ =	sdelay $0x3  }
0x33: {  	p0 =	seq.s32 s10, $0x1;
	s10 =	sld [smem:$0x3FB4];
	_ =	sdelay $0x3  }
0x34: {  	[smem:$0x3FB4] =	sst s10  }
0x35: {  	s10 =	sld [smem:$0x3FB3];
	_ =	sdelay $0x3  }
0x36: {  	p1 =	seq.s32 s10, $0x1;
	s10 =	sld [smem:$0x3FB4];
	_ =	sdelay $0x3  }
0x37: {  	[smem:$0x3FB4] =	sst s10  }
0x38: {  	s10 =	sld [smem:$0x3FB5]  }
0x39: {  	_ = 	snop;
	(pc) =	sbr.ind lr, $3  }
0x3a: {  	_ = 	snop  }
0x3b: {  	_ = 	snop  }
0x3c: {  	p2 =	seq.s32 s10, $0x1;
	s10 =	sld [smem:$0x3FB4]  }
0x3d: {  	_ =	shalt  }
0x3e: {  	_ =	shalt  }
0x3f: {  	_ =	shalt  }
0x40: {  	_ =	shalt  }
0x41: {  	_ =	shalt  }
0x42: {  	_ =	shalt  }
0x43: {  	_ =	shalt  }
0x44: {  	_ =	shalt  }
0x45: {  	_ =	shalt  }
0x46: {  	_ =	shalt  }
0x47: {  	_ =	shalt  }
0x48: {  	_ =	shalt  }
0x49: {  	_ =	shalt  }
0x4a: {  	_ =	shalt  }
0x4b: {  	_ =	shalt  }
0x4c: {  	_ =	shalt  }
0x4d: {  	_ =	shalt  }
0x4e: {  	_ =	shalt  }
0x4f: {  	_ =	shalt  }
0x50: {  	_ =	shalt  }
0x51: {  	_ =	shalt  }
0x52: {  	_ =	shalt  }
0x53: {  	_ =	shalt  }
0x54: {  	_ =	shalt  }
0x55: {  	_ =	shalt  }
0x56: {  	_ =	shalt  }
0x57: {  	_ =	shalt  }
0x58: {  	_ =	shalt  }
0x59: {  	_ =	shalt  }
0x5a: {  	_ =	shalt  }
0x5b: {  	_ =	shalt  }
0x5c: {  	_ =	shalt  }
0x5d: {  	_ =	shalt  }
0x5e: {  	_ =	shalt  }
0x5f: {  	_ =	shalt  }
0x60: {  	_ =	shalt  }
0x61: {  	_ =	shalt  }
0x62: {  	_ =	shalt  }
0x63: {  	_ =	shalt  }
0x64: {  	_ =	shalt  }
0x65: {  	_ =	shalt  }
0x66: {  	_ =	shalt  }
0x67: {  	_ =	shalt  }
0x68: {  	_ =	shalt  }
0x69: {  	_ =	shalt  }
0x6a: {  	_ =	shalt  }
0x6b: {  	_ =	shalt  }
0x6c: {  	_ =	shalt  }
0x6d: {  	_ =	shalt  }
0x6e: {  	_ =	shalt  }
0x6f: {  	_ =	shalt  }
0x70: {  	_ =	shalt  }
0x71: {  	_ =	shalt  }
0x72: {  	_ =	shalt  }
0x73: {  	_ =	shalt  }
0x74: {  	_ =	shalt  }
0x75: {  	_ =	shalt  }
0x76: {  	_ =	shalt  }
0x77: {  	_ =	shalt  }
0x78: {  	_ =	shalt  }
0x79: {  	_ =	shalt  }
0x7a: {  	_ =	shalt  }
0x7b: {  	_ =	shalt  }
0x7c: {  	_ =	shalt  }
0x7d: {  	_ =	shalt  }
0x7e: {  	_ =	shalt  }
0x7f: {  	_ =	shalt  }
0x80: {  	_ =	shalt  }
0x81: {  	_ =	shalt  }
0x82: {  	_ =	shalt  }
0x83: {  	_ =	shalt  }
0x84: {  	_ =	shalt  }
0x85: {  	_ =	shalt  }
0x86: {  	_ =	shalt  }
0x87: {  	_ =	shalt  }
.Lfunc_end0:
.L_simem_size_0:
called_computation.2_lowered:
.L_overlay_start_0:
0x88: {  	s2 =	sld [smem:$0x3FD9]  }
0x89: {  	s3 =	sld [smem:$0x3FFE];
	_ =	sdelay $0x1  }
0x8a: {  	s1 =	srdreg.scid  }
0x8b: {  	s0 =	sand.u32 $0x1, s1  }
0x8c: {  	s16 =	sshll.u32 s0, $0xA;
	s2 =	sadd.s32 s3, s2  }
0x8d: {  	s2 =	sadd.s32 s2, s16  }
0x8e: {  	[smem:$0x3FC0] =	sst s2  }
0x8f: {  	_ = 	snop  }
0x90: {  	(tm) =	ssettm $0x1  }
0x91: {  	s17 =	sld [smem:$0x3FFB];
	_ =	sdelay $0x3  }
0x92: {  	_ =	strace s17  }
0x93: {  	s2 =	sld [smem:$0x3FFC];
	_ =	sdelay $0x3  }
0x94: {  	_ =	strace s2  }
0x95: {  	s2 =	sld [smem:$0x3FFD];
	_ =	sdelay $0x3  }
0x96: {  	_ =	strace s2  }
0x97: {  	_ =	strace $0x8FFFFFFF  }
0x98: {  	s18 =	sld [smem:$0x3FDB];
	_ =	sdelay $0x1  }
0x99: {  	s19 =	simm.s32 $_scs_section_size  }
0x9a: {  	s4 =	simm.s32 $_size__tile_overlayer_lowered;
	s5 =	simm.s32 $_tile_overlayer_lowered  }
0x9b: {  	s22 =	simm.s32 $0x1BFF;
	s21 =	sshll.u32 s5, $0x1;
	s2 =	sadd.s32 s19, s18  }
0x9c: {  	s6 =	simm.s32 $0x0;
	s20 =	sshll.u32 s4, $0x1;
	s4 =	sadd.s32 s21, s2  }
0x9d: {  	[timem:s6], [sflag:s22] =	dma.local [hbm:s4], s20  }
0x9e: {  	_ =	swait.ge [sflag:s22], s20  }
0x9f: {  	s3 =	ssub.s32 $0x0, s20;
	[sflag:s22] =	ssyncset.done $0x0  }
0xa0: {  	[sflag:s22] =	ssyncadd.s32 s3;
	_ =	sdelay $0x1  }
0xa1: {  	s23 =	simm.s32 $0x1B8B  }
0xa2: {  	_ =	swait.ge [sflag:s23], $0x1  }
0xa3: {  	[sflag:s23] =	ssyncset.done $0x0  }
0xa4: {  	s25 =	simm.s32 $0x1B8E;
	s24 =	sld [smem:$0x3FFE];
	[sflag:s23] =	ssyncadd.s32 $0xFFFFFFFF  }
0xa5: {  	s26 =	simm.s32 $execute0_lowered;
	[smem:$0x3FD2] =	sst s25  }
0xa6: {  	s4 =	sshll.u32 s26, $0x1;
	_ =	strace $0x8000004C;
	[dreg:$0x1] =	wrdreg $0xFFFFFFFF  }
0xa7: {  	s28 =	simm.s32 $_size_execute0_lowered;
	s2 =	sadd.s32 s2, s4;
	[dreg:$0x0] =	wrdreg $0x0  }
0xa8: {  	s4 =	sshll.u32 s28, $0x1;
	[dreg:$0x2] =	wrdreg s2  }
0xa9: {  	[dreg:$0x3] =	wrdreg s4  }
0xaa: {  	[dreg:$0x4] =	wrdreg $0xC0  }
0xab: {  	_ =	task [dreg:s6], $0x5FFFF  }
0xac: {  	[dreg:$0x1] =	wrdreg $0xFFFFFFFF  }
0xad: {  	[dreg:$0x0] =	wrdreg $0x60  }
0xae: {  	[dreg:$0x2] =	wrdreg s24  }
0xaf: {  	[dreg:$0x3] =	wrdreg $0x58C00  }
0xb0: {  	[dreg:$0x4] =	wrdreg $0x9  }
0xb1: {  	_ =	task.clear_ibuf [dreg:s6], $0x5FFFF;
	_ =	strace $0x9000004C  }
0xb2: {  	s29 =	simm.s32 $0x9;
	_ =	strace $0x8000004E  }
0xb3: {  	_ =	swait.ge [sflag:s29], $0x1  }
0xb4: {  	[sflag:s29] =	ssyncadd.s32 $0xFFFFFFFF  }
0xb5: {  	_ =	strace $0x9000004E  }
0xb6: {  	_ =	sfence  }
0xb7: {  	s30 =	sld [smem:$0x0];
	_ =	sdelay $0x2  }
0xb8: {  	s31 =	sshll.u32 s1, $0xD;
	s1 =	sshrl.u32 s1, $0x2  }
0xb9: {  	s3 =	sand.u32 $0x4000, s31;
	s1 =	sadd.s32 s1, s30  }
0xba: {  	s0 =	sor.u32 s3, s0;
	s1 =	sshll.u32 s1, $0x11  }
0xbb: {  	s0 =	sor.u32 s1, s0  }
0xbc: {  	s0 =	sadd.s32 $0x8F2B, s0  }
0xbd: {  	[sflag:s0] =	ssyncadd.remote.s32 $0x1  }
0xbe: {  	_ =	sfence.sel $0xFFFF  }
0xbf: {  	[dreg:$0x0] =	wrdreg $0xFFFFFFFF;
	(pc) =	sbr.abs _section_cstart, $3  }
0xc0: {  	[dreg:$0x1] =	wrdreg $0xFFFFFFFF  }
0xc1: {  	_ =	task.clear_ibuf [dreg:s6], $0x2FFFF;
	_ =	strace $0x9FFFFFFF  }
0xc2: {  	(tm) =	ssettm $0x7FFFFFFF  }
0xc3: {  	_ =	shalt  }
tec
execute0_lowered:
.L_overlay_start_1:
0x0: {  	(tag) =	ssettag $0x1  }
0x1: {  	s5 =	rddreg [dreg:$0x0]  }
0x2: {  	s2 =	rddreg [dreg:$0x1]  }
0x3: {  	s0 =	rddreg [dreg:$0x2]  }
0x4: {  	s1 =	stileid.u32;
	s4 =	srdreg.scid;
	s3 =	simm.s32 $0x0  }
0x5: {  	s15 =	simm.s32 $0x2760;
	s16 =	simm.s32 $0x50;
	s17 =	simm.s32 $0x4EC0  }
0x6: {  	s18 =	simm.s32 $0x53C0;
	s19 =	simm.s32 $0x1;
	s20 =	simm.s32 $0x2  }
0x7: {  	s21 =	simm.s32 $0x3;
	s22 =	simm.s32 $0x4;
	s6 =	smul.u32 $0x4E20, s1  }
0x8: {  	s7 =	smul.u32 $0x2800, s1;
	s8 =	sand.u32 $0x1, s4;
	[smem:$0x7FF] =	sst s3  }
0x9: {  	s4 =	sadd.s32 $0x15800, s5;
	s31 =	sshll.u32 s1, $0x6;
	s9 =	smul.u32 $0x28000, s8  }
0xa: {  	_ =	strace $0x8000004D;
	s30 =	ssub.s32 $0x2, s8;
	p0 =	seq.s32 s8, $0x1  }
0xb: {  	s6 =	sshrl.u32 s6, $0x3;
	s11 =	sshrl.u32 s7, $0x3;
	s12 =	sshrl.u32 s30, $0x1  }
0xc: {  	s14 =	sadd.s32 s7, s2;
	s10 =	sadd.s32 s6, s5;
	s29 =	sadd.s32 s7, s9  }
.Ltmp0:
0xd: {  	s11 =	sadd.s32 s11, s5;
	s12 =	ssub.s32 s30, s12;
	(pc) =	sbr.rel .LBB2_1-.Ltmp0, $4  }
0xe: {  	s6 =	sshrl.u32 s29, $0x3;
	s7 =	sadd.s32 $0x1E00, s10;
	s8 =	sadd.s32 $0xBA40, s10  }
0xf: {  	s9 =	sadd.s32 $0x22D8, s10;
	s10 =	sadd.s32 $0xBF18, s10;
	s12 =	smax.u32 s12, $0x1  }
0x10: {  	s13 =	sadd.s32 s6, s5;
	s5 =	sadd.s32 $0x1A800, s11;
	s6 =	sor.u32 $0x1C05, s31  }
0x11: {  	s11 =	sadd.s32 $0x1F800, s13;
	s13 =	sshrl.u32 s14, $0x3;
	s14 =	simm.s32 $0x5  }
.LBB2_4:
0x12: {  	[tilespmem:s18], [sflag:$0x2] =	stream.indirect.gather [hbm4b:s4+s16], $0x10, s24, s16, $0xb8;
	[tilespmem:$0x80C0] =	vst v63  }
0x13: {  	s23 =	simm.s32 $0x4DD0;
	s24 =	simm.s32 $0x4D80  }
.LBB2_8:
0x14: {  	_ =	swait.ge [sflag:s19], $0x500  }
0x15: {  	[sflag:s19] =	ssyncset.done $0x0  }
0x16: {  	[sflag:s19] =	ssyncadd.s32 $0xFFFFFB00  }
0x17: {  	[spmem:s2] =	stream.indirect.scatter.add.f32 [tilespmem:s17], [sflag:$0x3], $0x10, s24, s16, $0xb8;
	[tilespmem:$0x80C0] =	vst v63  }
0x18: {  	_ =	swait.ge [sflag:s20], $0x500  }
0x19: {  	[sflag:s20] =	ssyncset.done $0x0  }
0x1a: {  	[sflag:s20] =	ssyncadd.s32 $0xFFFFFB00  }
0x1b: {  	[spmem:s2] =	stream.indirect.scatter.add.f32 [tilespmem:s18], [sflag:$0x4], $0x10, s23, s16, $0xb8;
	[tilespmem:$0x80C0] =	vst v63  }
0x1c: {  	_ =	swait.ge [sflag:s21], $0x500  }
0x1d: {  	[sflag:s21] =	ssyncset.done $0x0  }
0x1e: {  	[sflag:s21] =	ssyncadd.s32 $0xFFFFFB00  }
0x1f: {  	_ =	swait.ge [sflag:s22], $0x500  }
0x20: {  	s3 =	sadd.s32 $0x1, s3;
	[sflag:s22] =	ssyncset.done $0x0  }
0x21: {  	p1 =	sne.s32 s3, s12;
	[sflag:s22] =	ssyncadd.s32 $0xFFFFFB00  }
.Ltmp1:
0x22: {  	[bflag:$0x0] =	sbarrier.arrive $0xFFFF;
	(pc) =	sbr.rel @!p1 .LBB2_9-.Ltmp1, $4  }
0x23: {  	[hbm:s11], [sflag:s6] =	dma.local [spmem:s13], $0x500  }
0x24: {  	_ =	swait.ge [sflag:s14], $0x500  }
0x25: {  	[sflag:s14] =	ssyncset.done $0x0  }
0x26: {  	[sflag:s14] =	ssyncadd.s32 $0xFFFFFB00  }
.LBB2_1:
.Ltmp2:
0x27: {  	(pc) =	sbr.rel @!p0 .LBB2_2-.Ltmp2, $4  }
0x28: {  	[spmem:s13], [sflag:s6] =	dma.local [hbm:s5], $0x500  }
0x29: {  	_ =	swait.ge [sflag:s14], $0x500  }
0x2a: {  	[sflag:s14] =	ssyncset.done $0x0  }
0x2b: {  	s23 =	simm.s32 $0x0;
	[sflag:s14] =	ssyncadd.s32 $0xFFFFFB00  }
0x2c: {  	[tilespmem:s23], [sflag:$0x5] =	stream.linear.gather [hbm4b:s9+s23], $0x2760, $0x38;
	[tilespmem:$0x80C0] =	vst v63  }
0x2d: {  	_ =	swait.ge [sflag:s14], $0x2760  }
0x2e: {  	[sflag:s14] =	ssyncset.done $0x0  }
0x2f: {  	[sflag:s14] =	ssyncadd.s32 $0xFFFFD8A0  }
0x30: {  	[tilespmem:s15], [sflag:$0x5] =	stream.linear.gather [hbm4b:s10+s23], $0x2760, $0x38;
	[tilespmem:$0x80C0] =	vst v63  }
0x31: {  	_ =	swait.ge [sflag:s14], $0x2760  }
0x32: {  	[sflag:s14] =	ssyncset.done $0x0  }
0x33: {  	[sflag:s14] =	ssyncadd.s32 $0xFFFFD8A0  }
0x34: {  	[tilespmem:s17], [sflag:$0x1] =	stream.indirect.gather [hbm4b:s4+s16], $0x10, s23, s16, $0xb8;
	[tilespmem:$0x80C0] =	vst v63  }
0x35: {  	_ = 	snop  }
0x36: {  	[tilespmem:s18], [sflag:$0x2] =	stream.indirect.gather [hbm4b:s4+s16], $0x10, s16, s16, $0xb8;
	[tilespmem:$0x80C0] =	vst v63  }
0x37: {  	_ =	swait.ge [sflag:s19], $0x500  }
0x38: {  	[sflag:s19] =	ssyncset.done $0x0  }
0x39: {  	s29 =	simm.s32 $0x2760;
	[sflag:s19] =	ssyncadd.s32 $0xFFFFFB00  }
0x3a: {  	[spmem:s2] =	stream.indirect.scatter.add.f32 [tilespmem:s17], [sflag:$0x3], $0x10, s29, s16, $0xb8;
	[tilespmem:$0x80C0] =	vst v63  }
0x3b: {  	_ =	swait.ge [sflag:s20], $0x500  }
0x3c: {  	[sflag:s20] =	ssyncset.done $0x0  }
0x3d: {  	s30 =	simm.s32 $0x27B0;
	[sflag:s20] =	ssyncadd.s32 $0xFFFFFB00  }
0x3e: {  	[spmem:s2] =	stream.indirect.scatter.add.f32 [tilespmem:s18], [sflag:$0x4], $0x10, s30, s16, $0xb8;
	[tilespmem:$0x80C0] =	vst v63  }
0x3f: {  	_ =	swait.ge [sflag:s21], $0x500  }
0x40: {  	[sflag:s21] =	ssyncset.done $0x0  }
0x41: {  	s31 =	simm.s32 $0xA0;
	[sflag:s21] =	ssyncadd.s32 $0xFFFFFB00  }
0x42: {  	[tilespmem:s17], [sflag:$0x1] =	stream.indirect.gather [hbm4b:s4+s16], $0x10, s31, s16, $0xb8;
	[tilespmem:$0x80C0] =	vst v63  }
0x43: {  	_ =	swait.ge [sflag:s22], $0x500  }
0x44: {  	[sflag:s22] =	ssyncset.done $0x0  }
0x45: {  	s24 =	simm.s32 $0xF0;
	s23 =	simm.s32 $0x280;
	[sflag:s22] =	ssyncadd.s32 $0xFFFFFB00  }
.LBB2_6:
0x46: {  	[tilespmem:s18], [sflag:$0x2] =	stream.indirect.gather [hbm4b:s4+s16], $0x10, s24, s16, $0xb8;
	[tilespmem:$0x80C0] =	vst v63  }
0x47: {  	s24 =	smov.u32 s23  }
0x48: {  	p1 =	sne.s32 s23, $0x9880;
	s23 =	sadd.s32 $0x280, s23;
	_ =	swait.ge [sflag:s19], $0x500  }
0x49: {  	s24 =	sshra.s32 s24, $0x2;
	[sflag:s19] =	ssyncset.done $0x0  }
0x4a: {  	s25 =	sadd.s32 $0x2760, s24;
	[sflag:s19] =	ssyncadd.s32 $0xFFFFFB00  }
0x4b: {  	[spmem:s2] =	stream.indirect.scatter.add.f32 [tilespmem:s17], [sflag:$0x3], $0x10, s25, s16, $0xb8;
	[tilespmem:$0x80C0] =	vst v63  }
0x4c: {  	_ =	swait.ge [sflag:s20], $0x500  }
0x4d: {  	[sflag:s20] =	ssyncset.done $0x0  }
0x4e: {  	s25 =	sadd.s32 $0x27B0, s24;
	[sflag:s20] =	ssyncadd.s32 $0xFFFFFB00  }
0x4f: {  	[spmem:s2] =	stream.indirect.scatter.add.f32 [tilespmem:s18], [sflag:$0x4], $0x10, s25, s16, $0xb8;
	[tilespmem:$0x80C0] =	vst v63  }
0x50: {  	_ =	swait.ge [sflag:s21], $0x500  }
0x51: {  	[sflag:s21] =	ssyncset.done $0x0  }
.Ltmp3:
0x52: {  	s25 =	sadd.s32 $0xA0, s24;
	[sflag:s21] =	ssyncadd.s32 $0xFFFFFB00;
	(pc) =	sbr.rel @p1 .LBB2_6-.Ltmp3, $4  }
0x53: {  	[tilespmem:s17], [sflag:$0x1] =	stream.indirect.gather [hbm4b:s4+s16], $0x10, s25, s16, $0xb8;
	[tilespmem:$0x80C0] =	vst v63  }
0x54: {  	_ =	swait.ge [sflag:s22], $0x500  }
0x55: {  	[sflag:s22] =	ssyncset.done $0x0  }
0x56: {  	s24 =	sadd.s32 $0xF0, s24;
	[sflag:s22] =	ssyncadd.s32 $0xFFFFFB00  }
.Ltmp4:
0x57: {  	(pc) =	sbr.rel .LBB2_8-.Ltmp4, $3  }
0x58: {  	_ =	sdelay $0x1  }
0x59: {  	[tilespmem:s18], [sflag:$0x2] =	stream.indirect.gather [hbm4b:s4+s16], $0x10, s24, s16, $0xb8;
	[tilespmem:$0x80C0] =	vst v63  }
0x5a: {  	s23 =	simm.s32 $0x4E70;
	s24 =	simm.s32 $0x4E20  }
.LBB2_2:
0x5b: {  	[tilespmem:s23], [sflag:$0x5] =	stream.linear.gather [hbm4b:s7+s23], $0x26C0, $0x38;
	[tilespmem:$0x80C0] =	vst v63  }
0x5c: {  	_ =	swait.ge [sflag:s14], $0x26C0  }
0x5d: {  	[sflag:s14] =	ssyncset.done $0x0  }
0x5e: {  	[sflag:s14] =	ssyncadd.s32 $0xFFFFD940  }
0x5f: {  	[tilespmem:s15], [sflag:$0x5] =	stream.linear.gather [hbm4b:s8+s23], $0x26C0, $0x38;
	[tilespmem:$0x80C0] =	vst v63  }
0x60: {  	_ =	swait.ge [sflag:s14], $0x26C0  }
0x61: {  	[sflag:s14] =	ssyncset.done $0x0  }
0x62: {  	[sflag:s14] =	ssyncadd.s32 $0xFFFFD940  }
0x63: {  	[tilespmem:s17], [sflag:$0x1] =	stream.indirect.gather [hbm4b:s4+s16], $0x10, s23, s16, $0xb8;
	[tilespmem:$0x80C0] =	vst v63  }
0x64: {  	_ = 	snop  }
0x65: {  	[tilespmem:s18], [sflag:$0x2] =	stream.indirect.gather [hbm4b:s4+s16], $0x10, s16, s16, $0xb8;
	[tilespmem:$0x80C0] =	vst v63  }
0x66: {  	_ =	swait.ge [sflag:s19], $0x500  }
0x67: {  	[sflag:s19] =	ssyncset.done $0x0  }
0x68: {  	s29 =	simm.s32 $0x2760;
	[sflag:s19] =	ssyncadd.s32 $0xFFFFFB00  }
0x69: {  	[spmem:s2] =	stream.indirect.scatter.add.f32 [tilespmem:s17], [sflag:$0x3], $0x10, s29, s16, $0xb8;
	[tilespmem:$0x80C0] =	vst v63  }
0x6a: {  	_ =	swait.ge [sflag:s20], $0x500  }
0x6b: {  	[sflag:s20] =	ssyncset.done $0x0  }
0x6c: {  	s30 =	simm.s32 $0x27B0;
	[sflag:s20] =	ssyncadd.s32 $0xFFFFFB00  }
0x6d: {  	[spmem:s2] =	stream.indirect.scatter.add.f32 [tilespmem:s18], [sflag:$0x4], $0x10, s30, s16, $0xb8;
	[tilespmem:$0x80C0] =	vst v63  }
0x6e: {  	_ =	swait.ge [sflag:s21], $0x500  }
0x6f: {  	p1 =	por $0x0, $0x0;
	[sflag:s21] =	ssyncset.done $0x0  }
.Ltmp5:
0x70: {  	s31 =	simm.s32 $0xA0;
	[sflag:s21] =	ssyncadd.s32 $0xFFFFFB00;
	(pc) =	sbr.rel @p1 .LBB2_4-.Ltmp5, $4  }
0x71: {  	[tilespmem:s17], [sflag:$0x1] =	stream.indirect.gather [hbm4b:s4+s16], $0x10, s31, s16, $0xb8;
	[tilespmem:$0x80C0] =	vst v63  }
0x72: {  	_ =	swait.ge [sflag:s22], $0x500  }
0x73: {  	[sflag:s22] =	ssyncset.done $0x0  }
0x74: {  	s24 =	simm.s32 $0xF0;
	s23 =	simm.s32 $0x280;
	[sflag:s22] =	ssyncadd.s32 $0xFFFFFB00  }
.LBB2_3:
0x75: {  	[tilespmem:s18], [sflag:$0x2] =	stream.indirect.gather [hbm4b:s4+s16], $0x10, s24, s16, $0xb8;
	[tilespmem:$0x80C0] =	vst v63  }
0x76: {  	s24 =	smov.u32 s23  }
0x77: {  	p1 =	seq.s32 s23, $0x9600;
	s23 =	sadd.s32 $0x280, s23;
	_ =	swait.ge [sflag:s19], $0x500  }
0x78: {  	s24 =	sshra.s32 s24, $0x2;
	[sflag:s19] =	ssyncset.done $0x0  }
0x79: {  	s25 =	sadd.s32 $0x2760, s24;
	[sflag:s19] =	ssyncadd.s32 $0xFFFFFB00  }
0x7a: {  	[spmem:s2] =	stream.indirect.scatter.add.f32 [tilespmem:s17], [sflag:$0x3], $0x10, s25, s16, $0xb8;
	[tilespmem:$0x80C0] =	vst v63  }
0x7b: {  	_ =	swait.ge [sflag:s20], $0x500  }
0x7c: {  	[sflag:s20] =	ssyncset.done $0x0  }
0x7d: {  	s25 =	sadd.s32 $0x27B0, s24;
	[sflag:s20] =	ssyncadd.s32 $0xFFFFFB00  }
0x7e: {  	[spmem:s2] =	stream.indirect.scatter.add.f32 [tilespmem:s18], [sflag:$0x4], $0x10, s25, s16, $0xb8;
	[tilespmem:$0x80C0] =	vst v63  }
0x7f: {  	_ =	swait.ge [sflag:s21], $0x500  }
0x80: {  	[sflag:s21] =	ssyncset.done $0x0  }
.Ltmp6:
0x81: {  	s25 =	sadd.s32 $0xA0, s24;
	[sflag:s21] =	ssyncadd.s32 $0xFFFFFB00;
	(pc) =	sbr.rel @!p1 .LBB2_3-.Ltmp6, $4  }
0x82: {  	[tilespmem:s17], [sflag:$0x1] =	stream.indirect.gather [hbm4b:s4+s16], $0x10, s25, s16, $0xb8;
	[tilespmem:$0x80C0] =	vst v63  }
0x83: {  	_ =	swait.ge [sflag:s22], $0x500  }
0x84: {  	[sflag:s22] =	ssyncset.done $0x0  }
0x85: {  	s24 =	sadd.s32 $0xF0, s24;
	[sflag:s22] =	ssyncadd.s32 $0xFFFFFB00  }
.Ltmp7:
0x86: {  	_ = 	snop;
	(pc) =	sbr.rel .LBB2_4-.Ltmp7, $1  }
0x87: {  	_ =	sdelay $0x3  }
.LBB2_9:
0x88: {  	_ =	sfence.sel $0x180000  }
0x89: {  	[bflag:$0x0] =	sbarrier.arrive $0xFFFF  }
0x8a: {  	p0 =	sne.s32 s1, $0x0;
	_ =	strace $0x9000004D  }
0x8b: {  	s0 =	sadd.s32 @!p0 $0x100000, s0;
	[bflag:$0x2] =	sbarrier.arrive $0xFFFF  }
0x8c: {  	[sflag:s0] =	ssyncadd.tile.s32 @!p0 $0x1;
	_ =	shalt  }
.Lfunc_end2:
_tile_overlayer_lowered:
.L_overlay_start_2:
0x8d: {  	(tag) =	ssettag $0x2  }
0x8e: {  	s0 =	rddreg [dreg:$0x0];
	s2 =	stileid.u32  }
0x8f: {  	s1 =	rddreg [dreg:$0x1];
	p0 =	sne.s32 s2, $0x0  }
0x90: {  	s3 =	rddreg [dreg:$0x2];
	[bflag:$0x3] =	sbarrier.arrive $0xFFFF;
	s2 =	simm.s32 @!p0 $0x1C05  }
0x91: {  	[timem:s3], [sflag:s2] =	dma.local @!p0 [hbm:s0], s1  }
0x92: {  	s0 =	simm.s32 @!p0 $0x5  }
0x93: {  	_ =	swait.ge @!p0 [sflag:s0], s1  }
0x94: {  	s1 =	ssub.s32 @!p0 $0x0, s1;
	[sflag:s0] =	ssyncset.done @!p0 $0x0  }
0x95: {  	[sflag:s0] =	ssyncadd.s32 @!p0 s1  }
0x96: {  	[bflag:$0x3] =	sbarrier.arrive $0xFFFF  }
0x97: {  	_ =	shalt  }

// kernel: kernel.8.cloned.1.call-start
scs
__scs_entry_jumppad:
0x0: {  	(pc) =	sbr.rel $0x88, $3  }
0x1: {  	(tag) =	ssettag $0x0;
	lr =	simm.s32 $0x1  }
0x2: {  	[smem:$0x3F99] =	sst lr;
	_ =	strace $0xD0000000  }
0x3: {  	_ = 	snop  }
0x4: {  	_ = 	snop  }
0x5: {  	_ = 	snop  }
0x6: {  	_ = 	snop  }
0x7: {  	_ = 	snop  }
__scs_overlays_trampoline_lowered:
0x8: {  	[smem:$0x3FA8] =	sst s0  }
0x9: {  	[smem:$0x3FA9] =	sst s1  }
0xa: {  	[smem:$0x3FAA] =	sst s2  }
0xb: {  	[smem:$0x3FAB] =	sst s3  }
0xc: {  	[smem:$0x3FAC] =	sst s4  }
0xd: {  	[smem:$0x3FAD] =	sst s5  }
0xe: {  	[smem:$0x3FAE] =	sst s6  }
0xf: {  	[smem:$0x3FAF] =	sst s7  }
0x10: {  	[smem:$0x3FB0] =	sst s8  }
0x11: {  	[smem:$0x3FB1] =	sst s9;
	s0 =	simm.s32 @!p0 $0x0  }
0x12: {  	s1 =	sld [smem:$0x3F97];
	s0 =	simm.s32 @p0 $0x1  }
0x13: {  	[smem:$0x3FB2] =	sst s0;
	s0 =	simm.s32 @!p1 $0x0  }
0x14: {  	s2 =	sld [smem:$0x3F96];
	s0 =	simm.s32 @p1 $0x1  }
0x15: {  	[smem:$0x3FB3] =	sst s0;
	s0 =	simm.s32 @!p2 $0x0  }
0x16: {  	s3 =	sld [smem:$0x3FDB];
	s0 =	simm.s32 @p2 $0x1  }
0x17: {  	s4 =	simm.s32 $0x1BF5;
	[smem:$0x3FB5] =	sst s0  }
0x18: {  	s0 =	sld [smem:$0x3F98];
	_ =	swait.ge [sflag:s4], $0x0  }
0x19: {  	s7 =	sld [smem:$0x3F99]  }
0x1a: {  	s8 =	sadd.s32 $0xFFFFE003, lr  }
0x1b: {  	s9 =	sadd.s32 $0xFFFFFEF7, lr;
	s5 =	simm.s32 $0xFFFFFFFF;
	p2 =	slt.u32 s8, $0xFFFFF086  }
0x1c: {  	p1 =	slt.u32 s9, $0xF7A;
	s5 =	simm.s32 @!p2 $0x0  }
0x1d: {  	s5 =	simm.s32 @p1 $0x1;
	p0 =	seq.s32 s7, s2  }
0x1e: {  	s7 =	smul.u32 @!p0 $0xF7A, s2;
	p2 =	seq.s32 @!p0 s5, $0x0  }
0x1f: {  	s9 =	smul.u32 $0xF7A, s1;
	s8 =	simm.s32 @!p0 $0x1BF5;
	p2 =	por !p2, p0  }
0x20: {  	[sflag:s8] =	ssyncset.s32 @!p0 $0xFFFFF086;
	s6 =	sadd.s32 @!p0 s3, s7;
	s7 =	simm.s32 @!p0 $0x108  }
0x21: {  	s3 =	sadd.s32 s3, s9;
	s6 =	sadd.s32 @!p0 $0x88, s6;
	s7 =	simm.s32 @p2 $0x1082  }
0x22: {  	[simem:s7], [sflag:s8] =	dma.local @!p0 [hbm:s6], $0xF7A  }
0x23: {  	s9 =	sor.u32 $0xD0000000, s2;
	s6 =	simm.s32 $0x108;
	_ =	swait.ge @!p0 [sflag:s8], $0x0  }
0x24: {  	s3 =	sadd.s32 $0x88, s3;
	s6 =	simm.s32 @!p1 $0x1082;
	[sflag:s4] =	ssyncset.s32 $0xFFFFF086  }
0x25: {  	[simem:s6], [sflag:s4] =	dma.local [hbm:s3], $0xF7A  }
0x26: {  	[smem:$0x3F99] =	sst s1;
	(tag) =	ssettag s2;
	_ =	strace s9  }
0x27: {  	s1 =	sld [smem:$0x3FA9]  }
0x28: {  	s2 =	sld [smem:$0x3FAA]  }
0x29: {  	s4 =	sld [smem:$0x3FAC]  }
0x2a: {  	p0 =	seq.s32 s5, $0x0;
	s5 =	sld [smem:$0x3FAD]  }
0x2b: {  	s6 =	sld [smem:$0x3FAE]  }
0x2c: {  	s7 =	sld [smem:$0x3FAF]  }
0x2d: {  	s3 =	simm.s32 $0x108;
	s8 =	sld [smem:$0x3FB0]  }
0x2e: {  	s3 =	simm.s32 @!p0 $0x1082;
	s9 =	sld [smem:$0x3FB1]  }
0x2f: {  	lr =	sadd.s32 s0, s3;
	s0 =	sld [smem:$0x3FA8]  }
0x30: {  	s3 =	sld [smem:$0x3FAB]  }
0x31: {  	[smem:$0x3FB4] =	sst s10  }
0x32: {  	s10 =	sld [smem:$0x3FB2];
	_ =	sdelay $0x3  }
0x33: {  	p0 =	seq.s32 s10, $0x1;
	s10 =	sld [smem:$0x3FB4];
	_ =	sdelay $0x3  }
0x34: {  	[smem:$0x3FB4] =	sst s10  }
0x35: {  	s10 =	sld [smem:$0x3FB3];
	_ =	sdelay $0x3  }
0x36: {  	p1 =	seq.s32 s10, $0x1;
	s10 =	sld [smem:$0x3FB4];
	_ =	sdelay $0x3  }
0x37: {  	[smem:$0x3FB4] =	sst s10  }
0x38: {  	s10 =	sld [smem:$0x3FB5]  }
0x39: {  	_ = 	snop;
	(pc) =	sbr.ind lr, $3  }
0x3a: {  	_ = 	snop  }
0x3b: {  	_ = 	snop  }
0x3c: {  	p2 =	seq.s32 s10, $0x1;
	s10 =	sld [smem:$0x3FB4]  }
0x3d: {  	_ =	shalt  }
0x3e: {  	_ =	shalt  }
0x3f: {  	_ =	shalt  }
0x40: {  	_ =	shalt  }
0x41: {  	_ =	shalt  }
0x42: {  	_ =	shalt  }
0x43: {  	_ =	shalt  }
0x44: {  	_ =	shalt  }
0x45: {  	_ =	shalt  }
0x46: {  	_ =	shalt  }
0x47: {  	_ =	shalt  }
0x48: {  	_ =	shalt  }
0x49: {  	_ =	shalt  }
0x4a: {  	_ =	shalt  }
0x4b: {  	_ =	shalt  }
0x4c: {  	_ =	shalt  }
0x4d: {  	_ =	shalt  }
0x4e: {  	_ =	shalt  }
0x4f: {  	_ =	shalt  }
0x50: {  	_ =	shalt  }
0x51: {  	_ =	shalt  }
0x52: {  	_ =	shalt  }
0x53: {  	_ =	shalt  }
0x54: {  	_ =	shalt  }
0x55: {  	_ =	shalt  }
0x56: {  	_ =	shalt  }
0x57: {  	_ =	shalt  }
0x58: {  	_ =	shalt  }
0x59: {  	_ =	shalt  }
0x5a: {  	_ =	shalt  }
0x5b: {  	_ =	shalt  }
0x5c: {  	_ =	shalt  }
0x5d: {  	_ =	shalt  }
0x5e: {  	_ =	shalt  }
0x5f: {  	_ =	shalt  }
0x60: {  	_ =	shalt  }
0x61: {  	_ =	shalt  }
0x62: {  	_ =	shalt  }
0x63: {  	_ =	shalt  }
0x64: {  	_ =	shalt  }
0x65: {  	_ =	shalt  }
0x66: {  	_ =	shalt  }
0x67: {  	_ =	shalt  }
0x68: {  	_ =	shalt  }
0x69: {  	_ =	shalt  }
0x6a: {  	_ =	shalt  }
0x6b: {  	_ =	shalt  }
0x6c: {  	_ =	shalt  }
0x6d: {  	_ =	shalt  }
0x6e: {  	_ =	shalt  }
0x6f: {  	_ =	shalt  }
0x70: {  	_ =	shalt  }
0x71: {  	_ =	shalt  }
0x72: {  	_ =	shalt  }
0x73: {  	_ =	shalt  }
0x74: {  	_ =	shalt  }
0x75: {  	_ =	shalt  }
0x76: {  	_ =	shalt  }
0x77: {  	_ =	shalt  }
0x78: {  	_ =	shalt  }
0x79: {  	_ =	shalt  }
0x7a: {  	_ =	shalt  }
0x7b: {  	_ =	shalt  }
0x7c: {  	_ =	shalt  }
0x7d: {  	_ =	shalt  }
0x7e: {  	_ =	shalt  }
0x7f: {  	_ =	shalt  }
0x80: {  	_ =	shalt  }
0x81: {  	_ =	shalt  }
0x82: {  	_ =	shalt  }
0x83: {  	_ =	shalt  }
0x84: {  	_ =	shalt  }
0x85: {  	_ =	shalt  }
0x86: {  	_ =	shalt  }
0x87: {  	_ =	shalt  }
.Lfunc_end0:
.L_simem_size_0:
called_computation_lowered:
.L_overlay_start_0:
0x88: {  	s2 =	sld [smem:$0x3FD9]  }
0x89: {  	s3 =	sld [smem:$0x3FFE];
	_ =	sdelay $0x1  }
0x8a: {  	s1 =	srdreg.scid  }
0x8b: {  	s0 =	sand.u32 $0x1, s1  }
0x8c: {  	s16 =	sshll.u32 s0, $0xA;
	s2 =	sadd.s32 s3, s2  }
0x8d: {  	s2 =	sadd.s32 s2, s16  }
0x8e: {  	[smem:$0x3FC0] =	sst s2  }
0x8f: {  	_ = 	snop  }
0x90: {  	(tm) =	ssettm $0x1  }
0x91: {  	s17 =	sld [smem:$0x3FFB];
	_ =	sdelay $0x3  }
0x92: {  	_ =	strace s17  }
0x93: {  	s2 =	sld [smem:$0x3FFC];
	_ =	sdelay $0x3  }
0x94: {  	_ =	strace s2  }
0x95: {  	s2 =	sld [smem:$0x3FFD];
	_ =	sdelay $0x3  }
0x96: {  	_ =	strace s2  }
0x97: {  	_ =	strace $0x8FFFFFFF  }
0x98: {  	s18 =	sld [smem:$0x3FDB];
	_ =	sdelay $0x1  }
0x99: {  	s19 =	simm.s32 $_scs_section_size  }
0x9a: {  	s4 =	simm.s32 $_size__tile_overlayer_lowered;
	s5 =	simm.s32 $_tile_overlayer_lowered  }
0x9b: {  	s22 =	simm.s32 $0x1BFF;
	s21 =	sshll.u32 s5, $0x1;
	s2 =	sadd.s32 s19, s18  }
0x9c: {  	s6 =	simm.s32 $0x0;
	s20 =	sshll.u32 s4, $0x1;
	s4 =	sadd.s32 s21, s2  }
0x9d: {  	[timem:s6], [sflag:s22] =	dma.local [hbm:s4], s20  }
0x9e: {  	_ =	swait.ge [sflag:s22], s20  }
0x9f: {  	s3 =	ssub.s32 $0x0, s20;
	[sflag:s22] =	ssyncset.done $0x0  }
0xa0: {  	[sflag:s22] =	ssyncadd.s32 s3;
	_ =	sdelay $0x1  }
0xa1: {  	s23 =	simm.s32 $0x1B8B  }
0xa2: {  	_ =	swait.ge [sflag:s23], $0x1  }
0xa3: {  	[sflag:s23] =	ssyncset.done $0x0  }
0xa4: {  	s25 =	simm.s32 $0x1B8E;
	s24 =	sld [smem:$0x3FFE];
	[sflag:s23] =	ssyncadd.s32 $0xFFFFFFFF  }
0xa5: {  	s26 =	simm.s32 $execute0_lowered;
	[smem:$0x3FD2] =	sst s25  }
0xa6: {  	s4 =	sshll.u32 s26, $0x1;
	_ =	strace $0x80000046;
	[dreg:$0x1] =	wrdreg $0xFFFFFFFF  }
0xa7: {  	s28 =	simm.s32 $_size_execute0_lowered;
	s2 =	sadd.s32 s2, s4;
	[dreg:$0x0] =	wrdreg $0x0  }
0xa8: {  	s4 =	sshll.u32 s28, $0x1;
	[dreg:$0x2] =	wrdreg s2  }
0xa9: {  	[dreg:$0x3] =	wrdreg s4  }
0xaa: {  	[dreg:$0x4] =	wrdreg $0xC0  }
0xab: {  	_ =	task [dreg:s6], $0x5FFFF  }
0xac: {  	[dreg:$0x1] =	wrdreg $0xFFFFFFFF  }
0xad: {  	[dreg:$0x0] =	wrdreg $0x60  }
0xae: {  	[dreg:$0x2] =	wrdreg s24  }
0xaf: {  	[dreg:$0x3] =	wrdreg $0x78F00  }
0xb0: {  	[dreg:$0x4] =	wrdreg $0x9  }
0xb1: {  	_ =	task.clear_ibuf [dreg:s6], $0x5FFFF;
	_ =	strace $0x90000046  }
0xb2: {  	s29 =	simm.s32 $0x9;
	_ =	strace $0x80000048  }
0xb3: {  	_ =	swait.ge [sflag:s29], $0x1  }
0xb4: {  	[sflag:s29] =	ssyncadd.s32 $0xFFFFFFFF  }
0xb5: {  	_ =	strace $0x90000048  }
0xb6: {  	_ =	sfence  }
0xb7: {  	s30 =	sld [smem:$0x0];
	_ =	sdelay $0x2  }
0xb8: {  	s31 =	sshll.u32 s1, $0xD;
	s1 =	sshrl.u32 s1, $0x2  }
0xb9: {  	s3 =	sand.u32 $0x4000, s31;
	s1 =	sadd.s32 s1, s30  }
0xba: {  	s0 =	sor.u32 s3, s0;
	s1 =	sshll.u32 s1, $0x11  }
0xbb: {  	s0 =	sor.u32 s1, s0  }
0xbc: {  	s0 =	sadd.s32 $0x8F2B, s0  }
0xbd: {  	[sflag:s0] =	ssyncadd.remote.s32 $0x1  }
0xbe: {  	_ =	sfence.sel $0xFFFF  }
0xbf: {  	[dreg:$0x0] =	wrdreg $0xFFFFFFFF;
	(pc) =	sbr.abs _section_cstart, $3  }
0xc0: {  	[dreg:$0x1] =	wrdreg $0xFFFFFFFF  }
0xc1: {  	_ =	task.clear_ibuf [dreg:s6], $0x2FFFF;
	_ =	strace $0x9FFFFFFF  }
0xc2: {  	(tm) =	ssettm $0x7FFFFFFF  }
0xc3: {  	_ =	shalt  }
tec
execute0_lowered:
.L_overlay_start_1:
0x0: {  	(tag) =	ssettag $0x1  }
0x1: {  	s1 =	srdreg.scid  }
0x2: {  	s1 =	sand.u32 $0x1, s1  }
0x3: {  	p0 =	seq.s32 s1, $0x0  }
.Ltmp0:
0x4: {  	_ = 	snop;
	(pc) =	sbr.rel @p0 .LBB2_8-.Ltmp0, $4  }
0x5: {  	s2 =	rddreg [dreg:$0x0]  }
0x6: {  	s4 =	rddreg [dreg:$0x1];
	s5 =	simm.s32 $0x0  }
0x7: {  	[smem:$0x7FF] =	sst s5  }
0x8: {  	s0 =	rddreg [dreg:$0x2];
	_ =	strace $0x80000047;
	s1 =	stileid.u32  }
0x9: {  	s6 =	smul.u32 $0x280, s1  }
0xa: {  	s7 =	sadd.s32 $0x15800, s2;
	s8 =	smul.u32 $0x4E20, s1;
	s9 =	sshll.u32 s1, $0x6  }
0xb: {  	s28 =	simm.s32 $0x2;
	s3 =	sadd.s32 s6, s4;
	s6 =	sshrl.u32 s6, $0x3  }
0xc: {  	s25 =	sor.u32 $0x1C02, s9;
	s6 =	sadd.s32 s7, s6;
	s26 =	sshrl.u32 s3, $0x3  }
0xd: {  	[spmem:s26], [sflag:s25] =	dma.local [hbm:s6], $0x50  }
0xe: {  	s29 =	sadd.s32 $0x1E00, s2;
	s8 =	sshrl.u32 s8, $0x3;
	_ =	swait.ge [sflag:s28], $0x50  }
0xf: {  	s7 =	sadd.s32 s29, s8;
	[sflag:s28] =	ssyncset.done $0x0  }
0x10: {  	s7 =	sadd.s32 $0x9C40, s7;
	[sflag:s28] =	ssyncadd.s32 $0xFFFFFFB0  }
0x11: {  	[tilespmem:s5], [sflag:$0x2] =	stream.linear.gather [hbm4b:s7+s5], $0x4E20, $0x38;
	[tilespmem:$0x7B70] =	vst v63  }
0x12: {  	_ =	swait.ge [sflag:s28], $0x4E20  }
0x13: {  	[sflag:s28] =	ssyncset.done $0x0  }
0x14: {  	v0 =	vimm.f32 $1.000000000e+00;
	[sflag:s28] =	ssyncadd.s32 $0xFFFFB1E0  }
0x15: {  	[tilespmem:$0x4E20] =	vst v0  }
0x16: {  	s30 =	smul.u32 $0x500, s1;
	[tilespmem:$0x4E30] =	vst v0  }
0x17: {  	[tilespmem:$0x4E40] =	vst v0  }
0x18: {  	s31 =	sadd.s32 s30, s2;
	[tilespmem:$0x4E50] =	vst v0  }
0x19: {  	s2 =	sadd.s32 $0x15E00, s31;
	[tilespmem:$0x4E60] =	vst v0  }
0x1a: {  	s6 =	simm.s32 $0x50;
	s7 =	simm.s32 $0x4E20;
	[bflag:$0x0] =	sbarrier.arrive $0xFFFF  }
.LBB2_2:
0x1b: {  	p0 =	sne.s32 s5, $0x13740  }
.Ltmp1:
0x1c: {  	_ = 	snop;
	(pc) =	sbr.rel @p0 .LBB2_2-.Ltmp1, $3  }
0x1d: {  	_ =	sdelay $0x1  }
0x1e: {  	s8 =	sshra.s32 s5, $0x2;
	s5 =	sadd.s32 $0x140, s5  }
0x1f: {  	[spmem:s4] =	stream.indirect.scatter.add.f32 [tilespmem:s7], [sflag:$0x1], $0x1, s8, s6, $0xb8;
	[tilespmem:$0x7B70] =	vst v63  }
0x20: {  	s4 =	simm.s32 $0x1  }
0x21: {  	_ =	swait.ge [sflag:s4], $0x50  }
0x22: {  	s5 =	simm.s32 $0xF9;
	[sflag:s4] =	ssyncset.done $0x0  }
.LBB2_4:
0x23: {  	p0 =	sne.s32 s5, $0x1;
	s5 =	sadd.s32 $0xFFFFFFFF, s5;
	[sflag:s4] =	ssyncadd.s32 $0xFFFFFFB0  }
.Ltmp2:
0x24: {  	(pc) =	sbr.rel @p0 .LBB2_4-.Ltmp2, $3  }
0x25: {  	_ =	sdelay $0x1  }
0x26: {  	_ =	swait.ge [sflag:s4], $0x50  }
0x27: {  	[sflag:s4] =	ssyncset.done $0x0  }
0x28: {  	[sflag:s4] =	ssyncadd.s32 $0xFFFFFFB0  }
0x29: {  	s29 =	simm.s32 $0x4E70;
	s30 =	simm.s32 $0x2;
	[bflag:$0x0] =	sbarrier.arrive $0xFFFF  }
0x2a: {  	[tilespmem:s29], [sflag:$0x2] =	stream.linear.gather [spmem:s3], $0x280, $0x38;
	[tilespmem:$0x7B70] =	vst v63  }
0x2b: {  	_ =	swait.ge [sflag:s30], $0x280  }
0x2c: {  	[sflag:s30] =	ssyncset.done $0x0  }
0x2d: {  	s31 =	simm.s32 $0x0;
	[sflag:s30] =	ssyncadd.s32 $0xFFFFFD80  }
0x2e: {  	v0 =	vld [tilespmem:s31+$0x4E70];
	_ =	sdelay $0x4  }
0x2f: {  	v0 =	vadd.f32 $1.000000000e+00, v0;
	_ =	sdelay $0x1  }
0x30: {  	v1 =	vshra.s32 v0, $0x1;
	v0 =	vmul.f32 $5.000000000e-01, v0  }
0x31: {  	v1 =	vsub.s32 $0x5F3759DF, v1  }
0x32: {  	v2 =	vmul.f32 v1, v0;
	_ =	sdelay $0x1  }
0x33: {  	v2 =	vmul.f32 v1, v2;
	_ =	sdelay $0x1  }
0x34: {  	v2 =	vsub.f32 $1.500000000e+00, v2;
	_ =	sdelay $0x1  }
0x35: {  	v1 =	vmul.f32 v1, v2;
	_ =	sdelay $0x1  }
0x36: {  	v2 =	vmul.f32 v1, v0;
	_ =	sdelay $0x1  }
0x37: {  	v2 =	vmul.f32 v2, v1;
	_ =	sdelay $0x1  }
0x38: {  	v2 =	vsub.f32 $1.500000000e+00, v2;
	_ =	sdelay $0x1  }
0x39: {  	v1 =	vmul.f32 v2, v1;
	_ =	sdelay $0x1  }
0x3a: {  	v0 =	vmul.f32 v1, v0;
	_ =	sdelay $0x1  }
0x3b: {  	v0 =	vmul.f32 v0, v1;
	_ =	sdelay $0x1  }
0x3c: {  	v0 =	vsub.f32 $1.500000000e+00, v0;
	_ =	sdelay $0x1  }
0x3d: {  	v0 =	vmul.f32 v0, v1;
	_ =	sdelay $0x1  }
0x3e: {  	v1 =	vbroadcast v0, $0x0  }
0x3f: {  	s3 =	simm.s32 $0x5170;
	v51 =	vbroadcast v0, $0x1  }
0x40: {  	v3 =	vbroadcast v0, $0x2;
	[tilespmem:s3+$0xFFFFFF80] =	vst v1  }
0x41: {  	v52 =	vbroadcast v0, $0x3;
	[tilespmem:s3+$0xFFFFFF90] =	vst v51  }
0x42: {  	v53 =	vbroadcast v0, $0x4;
	[tilespmem:s3+$0xFFFFFFA0] =	vst v3  }
0x43: {  	v54 =	vbroadcast v0, $0x5;
	[tilespmem:s3+$0xFFFFFFB0] =	vst v52  }
0x44: {  	v55 =	vbroadcast v0, $0x6;
	[tilespmem:s3+$0xFFFFFFC0] =	vst v53  }
0x45: {  	v56 =	vbroadcast v0, $0x7;
	[tilespmem:s3+$0xFFFFFFD0] =	vst v54  }
0x46: {  	v57 =	vbroadcast v0, $0x8;
	[tilespmem:s3+$0xFFFFFFE0] =	vst v55  }
0x47: {  	v58 =	vbroadcast v0, $0x9;
	[tilespmem:s3+$0xFFFFFFF0] =	vst v56  }
0x48: {  	v59 =	vbroadcast v0, $0xA;
	[tilespmem:s3+$0x0] =	vst v57  }
0x49: {  	v60 =	vbroadcast v0, $0xB;
	[tilespmem:s3+$0x10] =	vst v58  }
0x4a: {  	v61 =	vbroadcast v0, $0xC;
	[tilespmem:s3+$0x20] =	vst v59  }
0x4b: {  	v62 =	vbroadcast v0, $0xD;
	[tilespmem:s3+$0x30] =	vst v60  }
0x4c: {  	v63 =	vbroadcast v0, $0xE;
	[tilespmem:s3+$0x40] =	vst v61  }
0x4d: {  	v0 =	vbroadcast v0, $0xF;
	[tilespmem:s3+$0x50] =	vst v62  }
0x4e: {  	[tilespmem:s3+$0x60] =	vst v63  }
0x4f: {  	s5 =	simm.s32 $0x10;
	s4 =	simm.s32 $0x80;
	[tilespmem:s3+$0x70] =	vst v0  }
.LBB2_6:
0x50: {  	p0 =	sne.s32 s4, $0x9C0;
	v0 =	vld [tilespmem:s5+$0x4E70];
	_ =	sdelay $0x4  }
0x51: {  	v0 =	vadd.f32 $1.000000000e+00, v0;
	_ =	sdelay $0x1  }
0x52: {  	v1 =	vshra.s32 v0, $0x1;
	v0 =	vmul.f32 $5.000000000e-01, v0  }
0x53: {  	v1 =	vsub.s32 $0x5F3759DF, v1  }
0x54: {  	v2 =	vmul.f32 v1, v0;
	_ =	sdelay $0x1  }
0x55: {  	v2 =	vmul.f32 v1, v2;
	_ =	sdelay $0x1  }
0x56: {  	v2 =	vsub.f32 $1.500000000e+00, v2;
	_ =	sdelay $0x1  }
0x57: {  	v1 =	vmul.f32 v1, v2;
	_ =	sdelay $0x1  }
0x58: {  	v2 =	vmul.f32 v1, v0;
	_ =	sdelay $0x1  }
0x59: {  	v2 =	vmul.f32 v2, v1;
	_ =	sdelay $0x1  }
0x5a: {  	v2 =	vsub.f32 $1.500000000e+00, v2;
	_ =	sdelay $0x1  }
0x5b: {  	v1 =	vmul.f32 v2, v1;
	_ =	sdelay $0x1  }
0x5c: {  	v0 =	vmul.f32 v1, v0;
	_ =	sdelay $0x1  }
0x5d: {  	v0 =	vmul.f32 v0, v1;
	_ =	sdelay $0x1  }
0x5e: {  	v0 =	vsub.f32 $1.500000000e+00, v0;
	_ =	sdelay $0x1  }
0x5f: {  	v0 =	vmul.f32 v0, v1;
	_ =	sdelay $0x1  }
0x60: {  	v1 =	vbroadcast v0, $0x0;
	v2 =	vbroadcast v0, $0x1  }
0x61: {  	s3 =	sadd.s32 $0x100, s3;
	v3 =	vbroadcast v0, $0x2;
	v4 =	vbroadcast v0, $0x3  }
0x62: {  	v5 =	vbroadcast v0, $0x5;
	[tilespmem:s3+$0xFFFFFF80] =	vst v1;
	v1 =	vbroadcast v0, $0x4  }
0x63: {  	v6 =	vbroadcast v0, $0x7;
	[tilespmem:s3+$0xFFFFFF90] =	vst v2;
	v2 =	vbroadcast v0, $0x6  }
0x64: {  	v7 =	vbroadcast v0, $0x9;
	[tilespmem:s3+$0xFFFFFFA0] =	vst v3;
	v3 =	vbroadcast v0, $0x8  }
0x65: {  	v8 =	vbroadcast v0, $0xB;
	[tilespmem:s3+$0xFFFFFFB0] =	vst v4;
	v4 =	vbroadcast v0, $0xA  }
0x66: {  	v9 =	vbroadcast v0, $0xD;
	[tilespmem:s3+$0xFFFFFFC0] =	vst v1;
	v1 =	vbroadcast v0, $0xC  }
0x67: {  	[tilespmem:s3+$0xFFFFFFD0] =	vst v5;
	v5 =	vbroadcast v0, $0xE;
	v0 =	vbroadcast v0, $0xF  }
0x68: {  	[tilespmem:s3+$0xFFFFFFE0] =	vst v2  }
0x69: {  	[tilespmem:s3+$0xFFFFFFF0] =	vst v6  }
0x6a: {  	[tilespmem:s3+$0x0] =	vst v3  }
0x6b: {  	[tilespmem:s3+$0x10] =	vst v7  }
0x6c: {  	[tilespmem:s3+$0x20] =	vst v4  }
.Ltmp3:
0x6d: {  	[tilespmem:s3+$0x30] =	vst v8;
	(pc) =	sbr.rel @p0 .LBB2_6-.Ltmp3, $4  }
0x6e: {  	[tilespmem:s3+$0x40] =	vst v1  }
0x6f: {  	[tilespmem:s3+$0x50] =	vst v9  }
0x70: {  	[tilespmem:s3+$0x60] =	vst v5  }
0x71: {  	s5 =	sshra.s32 s4, $0x2;
	s4 =	sadd.s32 $0x40, s4;
	[tilespmem:s3+$0x70] =	vst v0  }
0x72: {  	v0 =	vld [tilespmem:s5+$0x4E70];
	_ =	sdelay $0x4  }
0x73: {  	v0 =	vadd.f32 $1.000000000e+00, v0;
	_ =	sdelay $0x1  }
0x74: {  	v1 =	vshra.s32 v0, $0x1;
	v0 =	vmul.f32 $5.000000000e-01, v0  }
0x75: {  	v1 =	vsub.s32 $0x5F3759DF, v1  }
0x76: {  	v2 =	vmul.f32 v1, v0;
	_ =	sdelay $0x1  }
0x77: {  	v2 =	vmul.f32 v1, v2;
	_ =	sdelay $0x1  }
0x78: {  	v2 =	vsub.f32 $1.500000000e+00, v2;
	_ =	sdelay $0x1  }
0x79: {  	v1 =	vmul.f32 v1, v2;
	_ =	sdelay $0x1  }
0x7a: {  	v2 =	vmul.f32 v1, v0;
	_ =	sdelay $0x1  }
0x7b: {  	v2 =	vmul.f32 v2, v1;
	_ =	sdelay $0x1  }
0x7c: {  	v2 =	vsub.f32 $1.500000000e+00, v2;
	_ =	sdelay $0x1  }
0x7d: {  	v1 =	vmul.f32 v2, v1;
	_ =	sdelay $0x1  }
0x7e: {  	v0 =	vmul.f32 v1, v0;
	_ =	sdelay $0x1  }
0x7f: {  	v0 =	vmul.f32 v0, v1;
	_ =	sdelay $0x1  }
0x80: {  	v0 =	vsub.f32 $1.500000000e+00, v0;
	_ =	sdelay $0x1  }
0x81: {  	v0 =	vmul.f32 v0, v1;
	_ =	sdelay $0x1  }
0x82: {  	v1 =	vbroadcast v0, $0x0  }
0x83: {  	s3 =	sadd.s32 $0x100, s3;
	v51 =	vbroadcast v0, $0x1  }
0x84: {  	v3 =	vbroadcast v0, $0x2;
	[tilespmem:s3+$0xFFFFFF80] =	vst v1  }
0x85: {  	v52 =	vbroadcast v0, $0x3;
	[tilespmem:s3+$0xFFFFFF90] =	vst v51  }
0x86: {  	v53 =	vbroadcast v0, $0x4;
	[tilespmem:s3+$0xFFFFFFA0] =	vst v3  }
0x87: {  	v54 =	vbroadcast v0, $0x5;
	[tilespmem:s3+$0xFFFFFFB0] =	vst v52  }
0x88: {  	v55 =	vbroadcast v0, $0x6;
	[tilespmem:s3+$0xFFFFFFC0] =	vst v53  }
0x89: {  	v56 =	vbroadcast v0, $0x7;
	[tilespmem:s3+$0xFFFFFFD0] =	vst v54  }
0x8a: {  	v57 =	vbroadcast v0, $0x8;
	[tilespmem:s3+$0xFFFFFFE0] =	vst v55  }
0x8b: {  	v58 =	vbroadcast v0, $0x9;
	[tilespmem:s3+$0xFFFFFFF0] =	vst v56  }
0x8c: {  	v59 =	vbroadcast v0, $0xA;
	[tilespmem:s3+$0x0] =	vst v57  }
0x8d: {  	v60 =	vbroadcast v0, $0xB;
	[tilespmem:s3+$0x10] =	vst v58  }
0x8e: {  	v61 =	vbroadcast v0, $0xC;
	[tilespmem:s3+$0x20] =	vst v59  }
0x8f: {  	v62 =	vbroadcast v0, $0xD;
	[tilespmem:s3+$0x30] =	vst v60  }
0x90: {  	v63 =	vbroadcast v0, $0xE;
	[tilespmem:s3+$0x40] =	vst v61  }
0x91: {  	v0 =	vbroadcast v0, $0xF;
	[tilespmem:s3+$0x50] =	vst v62  }
0x92: {  	[tilespmem:s3+$0x60] =	vst v63  }
0x93: {  	s30 =	simm.s32 $0x0;
	s4 =	simm.s32 $0x50F0;
	s31 =	simm.s32 $0x2;
	[tilespmem:s3+$0x70] =	vst v0  }
0x94: {  	[hbm4b:s2+s30] =	stream.linear.scatter [tilespmem:s4], [sflag:$0x2], $0x2800, $0x38;
	[tilespmem:$0x7B70] =	vst v63  }
0x95: {  	_ =	swait.ge [sflag:s31], $0x2800  }
0x96: {  	[sflag:s31] =	ssyncset.done $0x0  }
0x97: {  	[sflag:s31] =	ssyncadd.s32 $0xFFFFD800  }
.LBB2_8:
0x98: {  	_ =	sfence.sel $0x180000  }
0x99: {  	[bflag:$0x0] =	sbarrier.arrive $0xFFFF  }
0x9a: {  	p0 =	sne.s32 s1, $0x0;
	_ =	strace $0x90000047  }
0x9b: {  	s0 =	sadd.s32 @!p0 $0x100000, s0;
	[bflag:$0x2] =	sbarrier.arrive $0xFFFF  }
0x9c: {  	[sflag:s0] =	ssyncadd.tile.s32 @!p0 $0x1;
	_ =	shalt  }
.Lfunc_end2:
_tile_overlayer_lowered:
.L_overlay_start_2:
0x9d: {  	(tag) =	ssettag $0x2  }
0x9e: {  	s0 =	rddreg [dreg:$0x0];
	s2 =	stileid.u32  }
0x9f: {  	s1 =	rddreg [dreg:$0x1];
	p0 =	sne.s32 s2, $0x0  }
0xa0: {  	s3 =	rddreg [dreg:$0x2];
	[bflag:$0x3] =	sbarrier.arrive $0xFFFF;
	s2 =	simm.s32 @!p0 $0x1C02  }
0xa1: {  	[timem:s3], [sflag:s2] =	dma.local @!p0 [hbm:s0], s1  }
0xa2: {  	s0 =	simm.s32 @!p0 $0x2  }
0xa3: {  	_ =	swait.ge @!p0 [sflag:s0], s1  }
0xa4: {  	s1 =	ssub.s32 @!p0 $0x0, s1;
	[sflag:s0] =	ssyncset.done @!p0 $0x0  }
0xa5: {  	[sflag:s0] =	ssyncadd.s32 @!p0 s1  }
0xa6: {  	[bflag:$0x3] =	sbarrier.arrive $0xFFFF  }
0xa7: {  	_ =	shalt  }

</sc_bundles>
